<compile_context>
chip_gen: v7x
topology: tpu7x:2x2x1
jax: 0.10.2.dev20260603
libtpu: 0.0.44.dev20260713+nightly
codegen_flags: <defaults>
</compile_context>

<pallas_src>
import functools

import jax
import jax.numpy as jnp
from jax import lax
from jax.experimental import pallas as pl
from jax.experimental.pallas import tpu as pltpu
from jax.experimental.pallas import tpu_sc as plsc

N = 10000
E = 320000
D = 128
H = 256
HH = 128
NSUB = 16
CHUNK = 128
NCHUNK = 158
EPW = NCHUNK * CHUNK
E_PAD = EPW * NSUB
ACC_ROWS = 10016
STRIPE = 624


def _sc_body2(hL_hbm, hR_hbm, src_hbm, dst_hbm, outL_hbm, outR_hbm,
              srcbuf_a, dstbuf_a, rows_a,
              srcbuf_b, dstbuf_b, rows_b,
              acc, sem_a, sem_b):
  c = lax.axis_index("c")
  s = lax.axis_index("s")
  row0 = s * STRIPE
  ebase = s * EPW

  def striped_copy(src_at, dst_at):
    @pl.when(s < NSUB - 1)
    def _():
      pltpu.sync_copy(src_at(row0, STRIPE), dst_at(row0, STRIPE))

    @pl.when(s == NSUB - 1)
    def _():
      pltpu.sync_copy(src_at(row0, N - (NSUB - 1) * STRIPE),
                      dst_at(row0, N - (NSUB - 1) * STRIPE))

  def run(table_hbm, out_hbm):
    striped_copy(lambda r, n: table_hbm.at[pl.ds(r, n)],
                 lambda r, n: acc.at[pl.ds(r, n)])
    plsc.subcore_barrier()

    def prep(i, srcbuf, dstbuf, rows, sem):
      off = ebase + i * CHUNK
      pltpu.sync_copy(src_hbm.at[pl.ds(off, CHUNK)], srcbuf)
      pltpu.sync_copy(dst_hbm.at[pl.ds(off, CHUNK)], dstbuf)
      pltpu.async_copy(table_hbm.at[srcbuf], rows, sem)

    def finish(srcbuf, dstbuf, rows, sem):
      pltpu.make_async_copy(table_hbm.at[srcbuf], rows, sem).wait()
      pltpu.sync_copy(rows, acc.at[dstbuf], add=True)

    prep(0, srcbuf_a, dstbuf_a, rows_a, sem_a)

    def pair(jj, carry):
      j0 = jj * 2
      prep(j0 + 1, srcbuf_b, dstbuf_b, rows_b, sem_b)
      finish(srcbuf_a, dstbuf_a, rows_a, sem_a)
      prep(j0 + 2, srcbuf_a, dstbuf_a, rows_a, sem_a)
      finish(srcbuf_b, dstbuf_b, rows_b, sem_b)
      return carry

    lax.fori_loop(0, NCHUNK // 2 - 1, pair, 0)
    prep(NCHUNK - 1, srcbuf_b, dstbuf_b, rows_b, sem_b)
    finish(srcbuf_a, dstbuf_a, rows_a, sem_a)
    finish(srcbuf_b, dstbuf_b, rows_b, sem_b)

    plsc.subcore_barrier()
    striped_copy(lambda r, n: acc.at[pl.ds(r, n)],
                 lambda r, n: out_hbm.at[pl.ds(r, n)])

  @pl.when(c == 0)
  def _():
    run(hL_hbm, outL_hbm)

  @pl.when(c == 1)
  def _():
    run(hR_hbm, outR_hbm)


_sc_scatter = pl.kernel(
    _sc_body2,
    out_type=(jax.ShapeDtypeStruct((N, HH), jnp.float32),
              jax.ShapeDtypeStruct((N, HH), jnp.float32)),
    mesh=plsc.VectorSubcoreMesh(core_axis_name="c", subcore_axis_name="s"),
    scratch_types=[
        pltpu.VMEM((CHUNK,), jnp.int32),
        pltpu.VMEM((CHUNK,), jnp.int32),
        pltpu.VMEM((CHUNK, HH), jnp.float32),
        pltpu.VMEM((CHUNK,), jnp.int32),
        pltpu.VMEM((CHUNK,), jnp.int32),
        pltpu.VMEM((CHUNK, HH), jnp.float32),
        pltpu.VMEM_SHARED((ACC_ROWS, HH), jnp.float32),
        pltpu.SemaphoreType.DMA,
        pltpu.SemaphoreType.DMA,
    ],
)

_BLK = 1000


def _enc_body(x_ref, w_ref, b_ref, oL_ref, oR_ref):
  y = (jnp.dot(x_ref[...], w_ref[...], preferred_element_type=jnp.float32)
       + b_ref[...])
  oL_ref[...] = y[:, :HH]
  oR_ref[...] = y[:, HH:]


_enc = pl.pallas_call(
    _enc_body,
    grid=(N // _BLK,),
    in_specs=[
        pl.BlockSpec((_BLK, D), lambda i: (i, 0)),
        pl.BlockSpec((D, H), lambda i: (0, 0)),
        pl.BlockSpec((1, H), lambda i: (0, 0)),
    ],
    out_specs=[
        pl.BlockSpec((_BLK, HH), lambda i: (i, 0)),
        pl.BlockSpec((_BLK, HH), lambda i: (i, 0)),
    ],
    out_shape=(jax.ShapeDtypeStruct((N, HH), jnp.float32),
               jax.ShapeDtypeStruct((N, HH), jnp.float32)),
)


def _mlp_body(sL_ref, sR_ref, w1_ref, b1_ref, w2_ref, b2_ref, *out_refs,
              elu, split):
  x = jnp.concatenate([sL_ref[...], sR_ref[...]], axis=1)
  t = (jnp.dot(x, w1_ref[...], preferred_element_type=jnp.float32)
       + b1_ref[...])
  t = jnp.maximum(t, 0.0)
  y = (jnp.dot(t, w2_ref[...], preferred_element_type=jnp.float32)
       + b2_ref[...])
  if elu:
    y = jnp.where(y > 0, y, jnp.exp(jnp.minimum(y, 0.0)) - 1.0)
  if split:
    out_refs[0][...] = y[:, :HH]
    out_refs[1][...] = y[:, HH:]
  else:
    out_refs[0][...] = y


def _make_mlp(elu, split):
  if split:
    out_specs = [pl.BlockSpec((_BLK, HH), lambda i: (i, 0)),
                 pl.BlockSpec((_BLK, HH), lambda i: (i, 0))]
    out_shape = (jax.ShapeDtypeStruct((N, HH), jnp.float32),
                 jax.ShapeDtypeStruct((N, HH), jnp.float32))
  else:
    out_specs = pl.BlockSpec((_BLK, H), lambda i: (i, 0))
    out_shape = jax.ShapeDtypeStruct((N, H), jnp.float32)
  return pl.pallas_call(
      functools.partial(_mlp_body, elu=elu, split=split),
      grid=(N // _BLK,),
      in_specs=[
          pl.BlockSpec((_BLK, HH), lambda i: (i, 0)),
          pl.BlockSpec((_BLK, HH), lambda i: (i, 0)),
          pl.BlockSpec((H, H), lambda i: (0, 0)),
          pl.BlockSpec((1, H), lambda i: (0, 0)),
          pl.BlockSpec((H, H), lambda i: (0, 0)),
          pl.BlockSpec((1, H), lambda i: (0, 0)),
      ],
      out_specs=out_specs,
      out_shape=out_shape,
  )


_mlp_elu_split = _make_mlp(True, True)
_mlp_final = _make_mlp(False, False)


@jax.jit
def kernel(x, edge_index, W_enc, b_enc, W1_0, b1_0, W2_0, b2_0,
           W1_1, b1_1, W2_1, b2_1):
  src = edge_index[0]
  dst = edge_index[1]
  srcp = jnp.concatenate([src, jnp.zeros((E_PAD - E,), jnp.int32)])
  dstp = jnp.concatenate([dst, jnp.full((E_PAD - E,), N, jnp.int32)])

  def gin(hL, hR, W1, b1, W2, b2, mlp):
    sL, sR = _sc_scatter(hL, hR, srcp, dstp)
    return mlp(sL, sR, W1, b1.reshape(1, H), W2, b2.reshape(1, H))

  hL, hR = _enc(x, W_enc, b_enc.reshape(1, H))
  hL, hR = gin(hL, hR, W1_0, b1_0, W2_0, b2_0, _mlp_elu_split)
  return gin(hL, hR, W1_1, b1_1, W2_1, b2_1, _mlp_final)

# --- scband reference (transcript-rebuilt; emitter-appended) ---
"""Pipeline reference for scband-gnnnode-embed-163208757329 (READ-ONLY COPY).

The authoritative reference and input builder live on the scoring server;
editing this copy changes nothing except your own understanding.
"""

import jax, jax.numpy as jnp
import numpy as np

N, E, D, H = 10000, 320000, 128, 256

def setup_inputs(seed: int = 0) -> dict:
    key = jax.random.key(seed)
    ks = jax.random.split(key, 16)
    x = jax.random.normal(ks[0], (N, D), dtype=jnp.float32)
    edge_index = jax.random.randint(ks[1], (2, E), 0, N, dtype=jnp.int32)
    def lin(k, fan_in, fan_out):
        bound = 1.0 / np.sqrt(fan_in)
        kw, kb = jax.random.split(k)
        W = jax.random.uniform(kw, (fan_in, fan_out), minval=-bound, maxval=bound, dtype=jnp.float32)
        b = jax.random.uniform(kb, (fan_out,), minval=-bound, maxval=bound, dtype=jnp.float32)
        return W, b
    W_enc, b_enc = lin(ks[2], D, H)
    W1_0, b1_0 = lin(ks[3], H, H)
    W2_0, b2_0 = lin(ks[4], H, H)
    W1_1, b1_1 = lin(ks[5], H, H)
    W2_1, b2_1 = lin(ks[6], H, H)
    return {"x": x, "edge_index": edge_index, "W_enc": W_enc, "b_enc": b_enc,
            "W1_0": W1_0, "b1_0": b1_0, "W2_0": W2_0, "b2_0": b2_0,
            "W1_1": W1_1, "b1_1": b1_1, "W2_1": W2_1, "b2_1": b2_1}

def reference(x, edge_index, W_enc, b_enc, W1_0, b1_0, W2_0, b2_0, W1_1, b1_1, W2_1, b2_1):
    # Single node-type / single edge-type instance of the hetero GNN.
    src = edge_index[0]
    dst = edge_index[1]
    # node_encoder
    h = x @ W_enc + b_enc
    def gin_conv(h, W1, b1, W2, b2):
        # GIN: sum-aggregate neighbor messages x_j (no edge_atten), eps=0
        agg = jnp.zeros_like(h).at[dst].add(h[src])
        out = agg + (1.0 + 0.0) * h
        # MLP: Linear -> ReLU -> Linear
        out = jnp.maximum(out @ W1 + b1, 0.0)
        return out @ W2 + b2
    h = gin_conv(h, W1_0, b1_0, W2_0, b2_0)
    # inter-layer activation: ELU; dropout is identity in eval mode
    h = jax.nn.elu(h)
    h = gin_conv(h, W1_1, b1_1, W2_1, b2_1)
    return h

if __name__ == "__main__":
    import jax
    _d = setup_inputs()
    print(jax.jit(kernel)(*tuple(_d.values())))

</pallas_src>

<mosaic_0001>
#map = affine_map<(d0, d1) -> (0, 0)>
#map1 = affine_map<(d0, d1) -> (0)>
module attributes {stable_mosaic.version = 14 : i64} {
  func.func @_sc_body2(%arg0: i32, %arg1: i32, %arg2: memref<10000x128xf32, #tpu.memory_space<hbm>>, %arg3: memref<10000x128xf32, #tpu.memory_space<hbm>>, %arg4: memref<323584xi32, #tpu.memory_space<hbm>>, %arg5: memref<323584xi32, #tpu.memory_space<hbm>>, %arg6: memref<10000x128xf32, #tpu.memory_space<hbm>>, %arg7: memref<10000x128xf32, #tpu.memory_space<hbm>>, %arg8: memref<128xi32, #tpu.memory_space<vmem>>, %arg9: memref<128xi32, #tpu.memory_space<vmem>>, %arg10: memref<128x128xf32, #tpu.memory_space<vmem>>, %arg11: memref<128xi32, #tpu.memory_space<vmem>>, %arg12: memref<128xi32, #tpu.memory_space<vmem>>, %arg13: memref<128x128xf32, #tpu.memory_space<vmem>>, %arg14: memref<10016x128xf32, #tpu.memory_space<vmem_shared>>, %arg15: memref<!tpu.dma_semaphore, #tpu.memory_space<semaphore_mem>>, %arg16: memref<!tpu.dma_semaphore, #tpu.memory_space<semaphore_mem>>) attributes {dimension_semantics = [#tpu.dimension_semantics<core_parallel>, #tpu.dimension_semantics<subcore_parallel>], iteration_bounds = array<i64: 2, 16>, scalar_prefetch = 0 : i64, scratch_operands = 9 : i64, tpu.core_type = #tpu.core_type<sc_vector_subcore>, window_params = [{transform_indices = #map}, {transform_indices = #map}, {transform_indices = #map1}, {transform_indices = #map1}, {transform_indices = #map}, {transform_indices = #map}]} {
    %mul3A = arith.constant 624 : i32
    %mul3A_0 = arith.muli %arg1, %mul3A : i32
    %mul3A_1 = arith.constant 20224 : i32
    %mul3A_2 = arith.muli %arg1, %mul3A_1 : i32
    %eq3A = arith.constant 0 : i32
    %eq3A_3 = arith.cmpi eq, %arg0, %eq3A : i32
    %convert_element_type3A = arith.extui %eq3A_3 : i1 to i32
    %cond3A = arith.constant 0 : i32
    %cond3A_4 = arith.cmpi ne, %convert_element_type3A, %cond3A : i32
    scf.if %cond3A_4 {
      %lt3A = arith.constant 15 : i32
      %lt3A_10 = arith.cmpi slt, %arg1, %lt3A : i32
      %convert_element_type3A_11 = arith.extui %lt3A_10 : i1 to i32
      %cond3A_12 = arith.constant 0 : i32
      %cond3A_13 = arith.cmpi ne, %convert_element_type3A_11, %cond3A_12 : i32
      scf.if %cond3A_13 {
        "tpu.region"() ({
          %run_scoped3A = tpu.sem_alloc : memref<!tpu.dma_semaphore, #tpu.memory_space<semaphore_mem>>
          %dma_start3A_48 = arith.constant 0 : i32
          %dma_start3A_49 = tpu.memref_slice %arg14[%mul3A_0, %dma_start3A_48] : memref<10016x128xf32, #tpu.memory_space<vmem_shared>> -> memref<624x128xf32, #tpu.memory_space<vmem_shared>>
          %dma_start3A_50 = arith.constant 0 : i32
          %dma_start3A_51 = tpu.memref_slice %arg2[%mul3A_0, %dma_start3A_50] : memref<10000x128xf32, #tpu.memory_space<hbm>> -> memref<624x128xf32, #tpu.memory_space<hbm>>
          tpu.enqueue_dma source(%dma_start3A_51 : memref<624x128xf32, #tpu.memory_space<hbm>>) target(%dma_start3A_49 : memref<624x128xf32, #tpu.memory_space<vmem_shared>>) target_semaphore(%run_scoped3A : memref<!tpu.dma_semaphore, #tpu.memory_space<semaphore_mem>>)
          %dma_wait3A_52 = arith.constant 0 : i32
          %dma_wait3A_53 = tpu.memref_slice %arg14[%mul3A_0, %dma_wait3A_52] : memref<10016x128xf32, #tpu.memory_space<vmem_shared>> -> memref<624x128xf32, #tpu.memory_space<vmem_shared>>
          %dma_wait3A_54 = arith.constant 0 : i32
          %dma_wait3A_55 = tpu.memref_slice %arg2[%mul3A_0, %dma_wait3A_54] : memref<10000x128xf32, #tpu.memory_space<hbm>> -> memref<624x128xf32, #tpu.memory_space<hbm>>
          tpu.wait_dma2 semaphore(%run_scoped3A : memref<!tpu.dma_semaphore, #tpu.memory_space<semaphore_mem>>) src(%dma_wait3A_55 : memref<624x128xf32, #tpu.memory_space<hbm>>) dst(%dma_wait3A_53 : memref<624x128xf32, #tpu.memory_space<vmem_shared>>)
          tpu.yield
        }) : () -> ()
      } else {
      }
      %eq3A_14 = arith.constant 15 : i32
      %eq3A_15 = arith.cmpi eq, %arg1, %eq3A_14 : i32
      %convert_element_type3A_16 = arith.extui %eq3A_15 : i1 to i32
      %cond3A_17 = arith.constant 0 : i32
      %cond3A_18 = arith.cmpi ne, %convert_element_type3A_16, %cond3A_17 : i32
      scf.if %cond3A_18 {
        "tpu.region"() ({
          %run_scoped3A = tpu.sem_alloc : memref<!tpu.dma_semaphore, #tpu.memory_space<semaphore_mem>>
          %dma_start3A_48 = arith.constant 0 : i32
          %dma_start3A_49 = tpu.memref_slice %arg14[%mul3A_0, %dma_start3A_48] : memref<10016x128xf32, #tpu.memory_space<vmem_shared>> -> memref<640x128xf32, #tpu.memory_space<vmem_shared>>
          %dma_start3A_50 = arith.constant 0 : i32
          %dma_start3A_51 = tpu.memref_slice %arg2[%mul3A_0, %dma_start3A_50] : memref<10000x128xf32, #tpu.memory_space<hbm>> -> memref<640x128xf32, #tpu.memory_space<hbm>>
          tpu.enqueue_dma source(%dma_start3A_51 : memref<640x128xf32, #tpu.memory_space<hbm>>) target(%dma_start3A_49 : memref<640x128xf32, #tpu.memory_space<vmem_shared>>) target_semaphore(%run_scoped3A : memref<!tpu.dma_semaphore, #tpu.memory_space<semaphore_mem>>)
          %dma_wait3A_52 = arith.constant 0 : i32
          %dma_wait3A_53 = tpu.memref_slice %arg14[%mul3A_0, %dma_wait3A_52] : memref<10016x128xf32, #tpu.memory_space<vmem_shared>> -> memref<640x128xf32, #tpu.memory_space<vmem_shared>>
          %dma_wait3A_54 = arith.constant 0 : i32
          %dma_wait3A_55 = tpu.memref_slice %arg2[%mul3A_0, %dma_wait3A_54] : memref<10000x128xf32, #tpu.memory_space<hbm>> -> memref<640x128xf32, #tpu.memory_space<hbm>>
          tpu.wait_dma2 semaphore(%run_scoped3A : memref<!tpu.dma_semaphore, #tpu.memory_space<semaphore_mem>>) src(%dma_wait3A_55 : memref<640x128xf32, #tpu.memory_space<hbm>>) dst(%dma_wait3A_53 : memref<640x128xf32, #tpu.memory_space<vmem_shared>>)
          tpu.yield
        }) : () -> ()
      } else {
      }
      %barrier3A = arith.constant 0 : index
      tpu.barrier barrier_id(%barrier3A)
      %add3A = arith.constant 0 : i32
      %add3A_19 = arith.addi %mul3A_2, %add3A : i32
      "tpu.region"() ({
        %run_scoped3A = tpu.sem_alloc : memref<!tpu.dma_semaphore, #tpu.memory_space<semaphore_mem>>
        %dma_start3A_48 = tpu.memref_slice %arg4[%add3A_19] : memref<323584xi32, #tpu.memory_space<hbm>> -> memref<128xi32, #tpu.memory_space<hbm>>
        %dma_start3A_49 = tpu.memref_slice %arg4[%add3A_19] : memref<323584xi32, #tpu.memory_space<hbm>> -> memref<128xi32, #tpu.memory_space<hbm>>
        tpu.enqueue_dma source(%dma_start3A_49 : memref<128xi32, #tpu.memory_space<hbm>>) target(%arg8 : memref<128xi32, #tpu.memory_space<vmem>>) target_semaphore(%run_scoped3A : memref<!tpu.dma_semaphore, #tpu.memory_space<semaphore_mem>>)
        %dma_wait3A_50 = tpu.memref_slice %arg4[%add3A_19] : memref<323584xi32, #tpu.memory_space<hbm>> -> memref<128xi32, #tpu.memory_space<hbm>>
        %dma_wait3A_51 = tpu.memref_slice %arg4[%add3A_19] : memref<323584xi32, #tpu.memory_space<hbm>> -> memref<128xi32, #tpu.memory_space<hbm>>
        tpu.wait_dma2 semaphore(%run_scoped3A : memref<!tpu.dma_semaphore, #tpu.memory_space<semaphore_mem>>) src(%dma_wait3A_51 : memref<128xi32, #tpu.memory_space<hbm>>) dst(%arg8 : memref<128xi32, #tpu.memory_space<vmem>>)
        tpu.yield
      }) : () -> ()
      "tpu.region"() ({
        %run_scoped3A = tpu.sem_alloc : memref<!tpu.dma_semaphore, #tpu.memory_space<semaphore_mem>>
        %dma_start3A_48 = tpu.memref_slice %arg5[%add3A_19] : memref<323584xi32, #tpu.memory_space<hbm>> -> memref<128xi32, #tpu.memory_space<hbm>>
        %dma_start3A_49 = tpu.memref_slice %arg5[%add3A_19] : memref<323584xi32, #tpu.memory_space<hbm>> -> memref<128xi32, #tpu.memory_space<hbm>>
        tpu.enqueue_dma source(%dma_start3A_49 : memref<128xi32, #tpu.memory_space<hbm>>) target(%arg9 : memref<128xi32, #tpu.memory_space<vmem>>) target_semaphore(%run_scoped3A : memref<!tpu.dma_semaphore, #tpu.memory_space<semaphore_mem>>)
        %dma_wait3A_50 = tpu.memref_slice %arg5[%add3A_19] : memref<323584xi32, #tpu.memory_space<hbm>> -> memref<128xi32, #tpu.memory_space<hbm>>
        %dma_wait3A_51 = tpu.memref_slice %arg5[%add3A_19] : memref<323584xi32, #tpu.memory_space<hbm>> -> memref<128xi32, #tpu.memory_space<hbm>>
        tpu.wait_dma2 semaphore(%run_scoped3A : memref<!tpu.dma_semaphore, #tpu.memory_space<semaphore_mem>>) src(%dma_wait3A_51 : memref<128xi32, #tpu.memory_space<hbm>>) dst(%arg9 : memref<128xi32, #tpu.memory_space<vmem>>)
        tpu.yield
      }) : () -> ()
      %dma_start3A = arith.constant 0 : i32
      %dma_start3A_20 = arith.constant 0 : i32
      %dma_start3A_21 = tpu.memref_slice %arg2[%dma_start3A, %dma_start3A_20] : memref<10000x128xf32, #tpu.memory_space<hbm>> -> memref<10000x128xf32, #tpu.memory_space<hbm>>
      tpu.enqueue_indirect_dma source(%dma_start3A_21 : memref<10000x128xf32, #tpu.memory_space<hbm>>) target(%arg10 : memref<128x128xf32, #tpu.memory_space<vmem>>) offsets(%arg8 : memref<128xi32, #tpu.memory_space<vmem>>) semaphore(%arg15 : memref<!tpu.dma_semaphore, #tpu.memory_space<semaphore_mem>>)
      %scan3A = arith.constant 0 : i32
      %scan3A_22 = arith.constant 0 : i32
      %scan3A_23 = arith.constant 78 : i32
      %scan3A_24 = arith.addi %scan3A_22, %scan3A_23 : i32
      %scan3A_25 = arith.constant 1 : i32
      scf.for %scan3A_48 = %scan3A_22 to %scan3A_24 step %scan3A_25  : i32 {
        %mul3A_49 = arith.constant 2 : i32
        %mul3A_50 = arith.muli %scan3A_48, %mul3A_49 : i32
        %add3A_51 = arith.constant 1 : i32
        %add3A_52 = arith.addi %mul3A_50, %add3A_51 : i32
        %mul3A_53 = arith.constant 128 : i32
        %mul3A_54 = arith.muli %add3A_52, %mul3A_53 : i32
        %add3A_55 = arith.addi %mul3A_2, %mul3A_54 : i32
        "tpu.region"() ({
          %run_scoped3A = tpu.sem_alloc : memref<!tpu.dma_semaphore, #tpu.memory_space<semaphore_mem>>
          %dma_start3A_73 = tpu.memref_slice %arg4[%add3A_55] : memref<323584xi32, #tpu.memory_space<hbm>> -> memref<128xi32, #tpu.memory_space<hbm>>
          %dma_start3A_74 = tpu.memref_slice %arg4[%add3A_55] : memref<323584xi32, #tpu.memory_space<hbm>> -> memref<128xi32, #tpu.memory_space<hbm>>
          tpu.enqueue_dma source(%dma_start3A_74 : memref<128xi32, #tpu.memory_space<hbm>>) target(%arg11 : memref<128xi32, #tpu.memory_space<vmem>>) target_semaphore(%run_scoped3A : memref<!tpu.dma_semaphore, #tpu.memory_space<semaphore_mem>>)
          %dma_wait3A_75 = tpu.memref_slice %arg4[%add3A_55] : memref<323584xi32, #tpu.memory_space<hbm>> -> memref<128xi32, #tpu.memory_space<hbm>>
          %dma_wait3A_76 = tpu.memref_slice %arg4[%add3A_55] : memref<323584xi32, #tpu.memory_space<hbm>> -> memref<128xi32, #tpu.memory_space<hbm>>
          tpu.wait_dma2 semaphore(%run_scoped3A : memref<!tpu.dma_semaphore, #tpu.memory_space<semaphore_mem>>) src(%dma_wait3A_76 : memref<128xi32, #tpu.memory_space<hbm>>) dst(%arg11 : memref<128xi32, #tpu.memory_space<vmem>>)
          tpu.yield
        }) : () -> ()
        "tpu.region"() ({
          %run_scoped3A = tpu.sem_alloc : memref<!tpu.dma_semaphore, #tpu.memory_space<semaphore_mem>>
          %dma_start3A_73 = tpu.memref_slice %arg5[%add3A_55] : memref<323584xi32, #tpu.memory_space<hbm>> -> memref<128xi32, #tpu.memory_space<hbm>>
          %dma_start3A_74 = tpu.memref_slice %arg5[%add3A_55] : memref<323584xi32, #tpu.memory_space<hbm>> -> memref<128xi32, #tpu.memory_space<hbm>>
          tpu.enqueue_dma source(%dma_start3A_74 : memref<128xi32, #tpu.memory_space<hbm>>) target(%arg12 : memref<128xi32, #tpu.memory_space<vmem>>) target_semaphore(%run_scoped3A : memref<!tpu.dma_semaphore, #tpu.memory_space<semaphore_mem>>)
          %dma_wait3A_75 = tpu.memref_slice %arg5[%add3A_55] : memref<323584xi32, #tpu.memory_space<hbm>> -> memref<128xi32, #tpu.memory_space<hbm>>
          %dma_wait3A_76 = tpu.memref_slice %arg5[%add3A_55] : memref<323584xi32, #tpu.memory_space<hbm>> -> memref<128xi32, #tpu.memory_space<hbm>>
          tpu.wait_dma2 semaphore(%run_scoped3A : memref<!tpu.dma_semaphore, #tpu.memory_space<semaphore_mem>>) src(%dma_wait3A_76 : memref<128xi32, #tpu.memory_space<hbm>>) dst(%arg12 : memref<128xi32, #tpu.memory_space<vmem>>)
          tpu.yield
        }) : () -> ()
        %dma_start3A_56 = arith.constant 0 : i32
        %dma_start3A_57 = arith.constant 0 : i32
        %dma_start3A_58 = tpu.memref_slice %arg2[%dma_start3A_56, %dma_start3A_57] : memref<10000x128xf32, #tpu.memory_space<hbm>> -> memref<10000x128xf32, #tpu.memory_space<hbm>>
        tpu.enqueue_indirect_dma source(%dma_start3A_58 : memref<10000x128xf32, #tpu.memory_space<hbm>>) target(%arg13 : memref<128x128xf32, #tpu.memory_space<vmem>>) offsets(%arg11 : memref<128xi32, #tpu.memory_space<vmem>>) semaphore(%arg16 : memref<!tpu.dma_semaphore, #tpu.memory_space<semaphore_mem>>)
        %dma_wait3A_59 = arith.constant 0 : i32
        %dma_wait3A_60 = arith.constant 0 : i32
        %dma_wait3A_61 = tpu.memref_slice %arg2[%dma_wait3A_59, %dma_wait3A_60] : memref<10000x128xf32, #tpu.memory_space<hbm>> -> memref<10000x128xf32, #tpu.memory_space<hbm>>
        tpu.wait_indirect_dma semaphore(%arg15 : memref<!tpu.dma_semaphore, #tpu.memory_space<semaphore_mem>>) src(%dma_wait3A_61 : memref<10000x128xf32, #tpu.memory_space<hbm>>) dst(%arg10 : memref<128x128xf32, #tpu.memory_space<vmem>>)
        "tpu.region"() ({
          %run_scoped3A = tpu.sem_alloc : memref<!tpu.dma_semaphore, #tpu.memory_space<semaphore_mem>>
          %dma_start3A_73 = arith.constant 0 : i32
          %dma_start3A_74 = arith.constant 0 : i32
          %dma_start3A_75 = tpu.memref_slice %arg14[%dma_start3A_73, %dma_start3A_74] : memref<10016x128xf32, #tpu.memory_space<vmem_shared>> -> memref<10016x128xf32, #tpu.memory_space<vmem_shared>>
          tpu.enqueue_indirect_dma source(%arg10 : memref<128x128xf32, #tpu.memory_space<vmem>>) target(%dma_start3A_75 : memref<10016x128xf32, #tpu.memory_space<vmem_shared>>) offsets(%arg9 : memref<128xi32, #tpu.memory_space<vmem>>) semaphore(%run_scoped3A : memref<!tpu.dma_semaphore, #tpu.memory_space<semaphore_mem>>) {add = true}
          %dma_wait3A_76 = arith.constant 0 : i32
          %dma_wait3A_77 = arith.constant 0 : i32
          %dma_wait3A_78 = tpu.memref_slice %arg14[%dma_wait3A_76, %dma_wait3A_77] : memref<10016x128xf32, #tpu.memory_space<vmem_shared>> -> memref<10016x128xf32, #tpu.memory_space<vmem_shared>>
          tpu.wait_indirect_dma semaphore(%run_scoped3A : memref<!tpu.dma_semaphore, #tpu.memory_space<semaphore_mem>>) src(%arg10 : memref<128x128xf32, #tpu.memory_space<vmem>>) dst(%dma_wait3A_78 : memref<10016x128xf32, #tpu.memory_space<vmem_shared>>)
          tpu.yield
        }) : () -> ()
        %add3A_62 = arith.constant 2 : i32
        %add3A_63 = arith.addi %mul3A_50, %add3A_62 : i32
        %mul3A_64 = arith.constant 128 : i32
        %mul3A_65 = arith.muli %add3A_63, %mul3A_64 : i32
        %add3A_66 = arith.addi %mul3A_2, %mul3A_65 : i32
        "tpu.region"() ({
          %run_scoped3A = tpu.sem_alloc : memref<!tpu.dma_semaphore, #tpu.memory_space<semaphore_mem>>
          %dma_start3A_73 = tpu.memref_slice %arg4[%add3A_66] : memref<323584xi32, #tpu.memory_space<hbm>> -> memref<128xi32, #tpu.memory_space<hbm>>
          %dma_start3A_74 = tpu.memref_slice %arg4[%add3A_66] : memref<323584xi32, #tpu.memory_space<hbm>> -> memref<128xi32, #tpu.memory_space<hbm>>
          tpu.enqueue_dma source(%dma_start3A_74 : memref<128xi32, #tpu.memory_space<hbm>>) target(%arg8 : memref<128xi32, #tpu.memory_space<vmem>>) target_semaphore(%run_scoped3A : memref<!tpu.dma_semaphore, #tpu.memory_space<semaphore_mem>>)
          %dma_wait3A_75 = tpu.memref_slice %arg4[%add3A_66] : memref<323584xi32, #tpu.memory_space<hbm>> -> memref<128xi32, #tpu.memory_space<hbm>>
          %dma_wait3A_76 = tpu.memref_slice %arg4[%add3A_66] : memref<323584xi32, #tpu.memory_space<hbm>> -> memref<128xi32, #tpu.memory_space<hbm>>
          tpu.wait_dma2 semaphore(%run_scoped3A : memref<!tpu.dma_semaphore, #tpu.memory_space<semaphore_mem>>) src(%dma_wait3A_76 : memref<128xi32, #tpu.memory_space<hbm>>) dst(%arg8 : memref<128xi32, #tpu.memory_space<vmem>>)
          tpu.yield
        }) : () -> ()
        "tpu.region"() ({
          %run_scoped3A = tpu.sem_alloc : memref<!tpu.dma_semaphore, #tpu.memory_space<semaphore_mem>>
          %dma_start3A_73 = tpu.memref_slice %arg5[%add3A_66] : memref<323584xi32, #tpu.memory_space<hbm>> -> memref<128xi32, #tpu.memory_space<hbm>>
          %dma_start3A_74 = tpu.memref_slice %arg5[%add3A_66] : memref<323584xi32, #tpu.memory_space<hbm>> -> memref<128xi32, #tpu.memory_space<hbm>>
          tpu.enqueue_dma source(%dma_start3A_74 : memref<128xi32, #tpu.memory_space<hbm>>) target(%arg9 : memref<128xi32, #tpu.memory_space<vmem>>) target_semaphore(%run_scoped3A : memref<!tpu.dma_semaphore, #tpu.memory_space<semaphore_mem>>)
          %dma_wait3A_75 = tpu.memref_slice %arg5[%add3A_66] : memref<323584xi32, #tpu.memory_space<hbm>> -> memref<128xi32, #tpu.memory_space<hbm>>
          %dma_wait3A_76 = tpu.memref_slice %arg5[%add3A_66] : memref<323584xi32, #tpu.memory_space<hbm>> -> memref<128xi32, #tpu.memory_space<hbm>>
          tpu.wait_dma2 semaphore(%run_scoped3A : memref<!tpu.dma_semaphore, #tpu.memory_space<semaphore_mem>>) src(%dma_wait3A_76 : memref<128xi32, #tpu.memory_space<hbm>>) dst(%arg9 : memref<128xi32, #tpu.memory_space<vmem>>)
          tpu.yield
        }) : () -> ()
        %dma_start3A_67 = arith.constant 0 : i32
        %dma_start3A_68 = arith.constant 0 : i32
        %dma_start3A_69 = tpu.memref_slice %arg2[%dma_start3A_67, %dma_start3A_68] : memref<10000x128xf32, #tpu.memory_space<hbm>> -> memref<10000x128xf32, #tpu.memory_space<hbm>>
        tpu.enqueue_indirect_dma source(%dma_start3A_69 : memref<10000x128xf32, #tpu.memory_space<hbm>>) target(%arg10 : memref<128x128xf32, #tpu.memory_space<vmem>>) offsets(%arg8 : memref<128xi32, #tpu.memory_space<vmem>>) semaphore(%arg15 : memref<!tpu.dma_semaphore, #tpu.memory_space<semaphore_mem>>)
        %dma_wait3A_70 = arith.constant 0 : i32
        %dma_wait3A_71 = arith.constant 0 : i32
        %dma_wait3A_72 = tpu.memref_slice %arg2[%dma_wait3A_70, %dma_wait3A_71] : memref<10000x128xf32, #tpu.memory_space<hbm>> -> memref<10000x128xf32, #tpu.memory_space<hbm>>
        tpu.wait_indirect_dma semaphore(%arg16 : memref<!tpu.dma_semaphore, #tpu.memory_space<semaphore_mem>>) src(%dma_wait3A_72 : memref<10000x128xf32, #tpu.memory_space<hbm>>) dst(%arg13 : memref<128x128xf32, #tpu.memory_space<vmem>>)
        "tpu.region"() ({
          %run_scoped3A = tpu.sem_alloc : memref<!tpu.dma_semaphore, #tpu.memory_space<semaphore_mem>>
          %dma_start3A_73 = arith.constant 0 : i32
          %dma_start3A_74 = arith.constant 0 : i32
          %dma_start3A_75 = tpu.memref_slice %arg14[%dma_start3A_73, %dma_start3A_74] : memref<10016x128xf32, #tpu.memory_space<vmem_shared>> -> memref<10016x128xf32, #tpu.memory_space<vmem_shared>>
          tpu.enqueue_indirect_dma source(%arg13 : memref<128x128xf32, #tpu.memory_space<vmem>>) target(%dma_start3A_75 : memref<10016x128xf32, #tpu.memory_space<vmem_shared>>) offsets(%arg12 : memref<128xi32, #tpu.memory_space<vmem>>) semaphore(%run_scoped3A : memref<!tpu.dma_semaphore, #tpu.memory_space<semaphore_mem>>) {add = true}
          %dma_wait3A_76 = arith.constant 0 : i32
          %dma_wait3A_77 = arith.constant 0 : i32
          %dma_wait3A_78 = tpu.memref_slice %arg14[%dma_wait3A_76, %dma_wait3A_77] : memref<10016x128xf32, #tpu.memory_space<vmem_shared>> -> memref<10016x128xf32, #tpu.memory_space<vmem_shared>>
          tpu.wait_indirect_dma semaphore(%run_scoped3A : memref<!tpu.dma_semaphore, #tpu.memory_space<semaphore_mem>>) src(%arg13 : memref<128x128xf32, #tpu.memory_space<vmem>>) dst(%dma_wait3A_78 : memref<10016x128xf32, #tpu.memory_space<vmem_shared>>)
          tpu.yield
        }) : () -> ()
      }
      %scan3A_26 = arith.constant 78 : i32
      %add3A_27 = arith.constant 20096 : i32
      %add3A_28 = arith.addi %mul3A_2, %add3A_27 : i32
      "tpu.region"() ({
        %run_scoped3A = tpu.sem_alloc : memref<!tpu.dma_semaphore, #tpu.memory_space<semaphore_mem>>
        %dma_start3A_48 = tpu.memref_slice %arg4[%add3A_28] : memref<323584xi32, #tpu.memory_space<hbm>> -> memref<128xi32, #tpu.memory_space<hbm>>
        %dma_start3A_49 = tpu.memref_slice %arg4[%add3A_28] : memref<323584xi32, #tpu.memory_space<hbm>> -> memref<128xi32, #tpu.memory_space<hbm>>
        tpu.enqueue_dma source(%dma_start3A_49 : memref<128xi32, #tpu.memory_space<hbm>>) target(%arg11 : memref<128xi32, #tpu.memory_space<vmem>>) target_semaphore(%run_scoped3A : memref<!tpu.dma_semaphore, #tpu.memory_space<semaphore_mem>>)
        %dma_wait3A_50 = tpu.memref_slice %arg4[%add3A_28] : memref<323584xi32, #tpu.memory_space<hbm>> -> memref<128xi32, #tpu.memory_space<hbm>>
        %dma_wait3A_51 = tpu.memref_slice %arg4[%add3A_28] : memref<323584xi32, #tpu.memory_space<hbm>> -> memref<128xi32, #tpu.memory_space<hbm>>
        tpu.wait_dma2 semaphore(%run_scoped3A : memref<!tpu.dma_semaphore, #tpu.memory_space<semaphore_mem>>) src(%dma_wait3A_51 : memref<128xi32, #tpu.memory_space<hbm>>) dst(%arg11 : memref<128xi32, #tpu.memory_space<vmem>>)
        tpu.yield
      }) : () -> ()
      "tpu.region"() ({
        %run_scoped3A = tpu.sem_alloc : memref<!tpu.dma_semaphore, #tpu.memory_space<semaphore_mem>>
        %dma_start3A_48 = tpu.memref_slice %arg5[%add3A_28] : memref<323584xi32, #tpu.memory_space<hbm>> -> memref<128xi32, #tpu.memory_space<hbm>>
        %dma_start3A_49 = tpu.memref_slice %arg5[%add3A_28] : memref<323584xi32, #tpu.memory_space<hbm>> -> memref<128xi32, #tpu.memory_space<hbm>>
        tpu.enqueue_dma source(%dma_start3A_49 : memref<128xi32, #tpu.memory_space<hbm>>) target(%arg12 : memref<128xi32, #tpu.memory_space<vmem>>) target_semaphore(%run_scoped3A : memref<!tpu.dma_semaphore, #tpu.memory_space<semaphore_mem>>)
        %dma_wait3A_50 = tpu.memref_slice %arg5[%add3A_28] : memref<323584xi32, #tpu.memory_space<hbm>> -> memref<128xi32, #tpu.memory_space<hbm>>
        %dma_wait3A_51 = tpu.memref_slice %arg5[%add3A_28] : memref<323584xi32, #tpu.memory_space<hbm>> -> memref<128xi32, #tpu.memory_space<hbm>>
        tpu.wait_dma2 semaphore(%run_scoped3A : memref<!tpu.dma_semaphore, #tpu.memory_space<semaphore_mem>>) src(%dma_wait3A_51 : memref<128xi32, #tpu.memory_space<hbm>>) dst(%arg12 : memref<128xi32, #tpu.memory_space<vmem>>)
        tpu.yield
      }) : () -> ()
      %dma_start3A_29 = arith.constant 0 : i32
      %dma_start3A_30 = arith.constant 0 : i32
      %dma_start3A_31 = tpu.memref_slice %arg2[%dma_start3A_29, %dma_start3A_30] : memref<10000x128xf32, #tpu.memory_space<hbm>> -> memref<10000x128xf32, #tpu.memory_space<hbm>>
      tpu.enqueue_indirect_dma source(%dma_start3A_31 : memref<10000x128xf32, #tpu.memory_space<hbm>>) target(%arg13 : memref<128x128xf32, #tpu.memory_space<vmem>>) offsets(%arg11 : memref<128xi32, #tpu.memory_space<vmem>>) semaphore(%arg16 : memref<!tpu.dma_semaphore, #tpu.memory_space<semaphore_mem>>)
      %dma_wait3A = arith.constant 0 : i32
      %dma_wait3A_32 = arith.constant 0 : i32
      %dma_wait3A_33 = tpu.memref_slice %arg2[%dma_wait3A, %dma_wait3A_32] : memref<10000x128xf32, #tpu.memory_space<hbm>> -> memref<10000x128xf32, #tpu.memory_space<hbm>>
      tpu.wait_indirect_dma semaphore(%arg15 : memref<!tpu.dma_semaphore, #tpu.memory_space<semaphore_mem>>) src(%dma_wait3A_33 : memref<10000x128xf32, #tpu.memory_space<hbm>>) dst(%arg10 : memref<128x128xf32, #tpu.memory_space<vmem>>)
      "tpu.region"() ({
        %run_scoped3A = tpu.sem_alloc : memref<!tpu.dma_semaphore, #tpu.memory_space<semaphore_mem>>
        %dma_start3A_48 = arith.constant 0 : i32
        %dma_start3A_49 = arith.constant 0 : i32
        %dma_start3A_50 = tpu.memref_slice %arg14[%dma_start3A_48, %dma_start3A_49] : memref<10016x128xf32, #tpu.memory_space<vmem_shared>> -> memref<10016x128xf32, #tpu.memory_space<vmem_shared>>
        tpu.enqueue_indirect_dma source(%arg10 : memref<128x128xf32, #tpu.memory_space<vmem>>) target(%dma_start3A_50 : memref<10016x128xf32, #tpu.memory_space<vmem_shared>>) offsets(%arg9 : memref<128xi32, #tpu.memory_space<vmem>>) semaphore(%run_scoped3A : memref<!tpu.dma_semaphore, #tpu.memory_space<semaphore_mem>>) {add = true}
        %dma_wait3A_51 = arith.constant 0 : i32
        %dma_wait3A_52 = arith.constant 0 : i32
        %dma_wait3A_53 = tpu.memref_slice %arg14[%dma_wait3A_51, %dma_wait3A_52] : memref<10016x128xf32, #tpu.memory_space<vmem_shared>> -> memref<10016x128xf32, #tpu.memory_space<vmem_shared>>
        tpu.wait_indirect_dma semaphore(%run_scoped3A : memref<!tpu.dma_semaphore, #tpu.memory_space<semaphore_mem>>) src(%arg10 : memref<128x128xf32, #tpu.memory_space<vmem>>) dst(%dma_wait3A_53 : memref<10016x128xf32, #tpu.memory_space<vmem_shared>>)
        tpu.yield
      }) : () -> ()
      %dma_wait3A_34 = arith.constant 0 : i32
      %dma_wait3A_35 = arith.constant 0 : i32
      %dma_wait3A_36 = tpu.memref_slice %arg2[%dma_wait3A_34, %dma_wait3A_35] : memref<10000x128xf32, #tpu.memory_space<hbm>> -> memref<10000x128xf32, #tpu.memory_space<hbm>>
      tpu.wait_indirect_dma semaphore(%arg16 : memref<!tpu.dma_semaphore, #tpu.memory_space<semaphore_mem>>) src(%dma_wait3A_36 : memref<10000x128xf32, #tpu.memory_space<hbm>>) dst(%arg13 : memref<128x128xf32, #tpu.memory_space<vmem>>)
      "tpu.region"() ({
        %run_scoped3A = tpu.sem_alloc : memref<!tpu.dma_semaphore, #tpu.memory_space<semaphore_mem>>
        %dma_start3A_48 = arith.constant 0 : i32
        %dma_start3A_49 = arith.constant 0 : i32
        %dma_start3A_50 = tpu.memref_slice %arg14[%dma_start3A_48, %dma_start3A_49] : memref<10016x128xf32, #tpu.memory_space<vmem_shared>> -> memref<10016x128xf32, #tpu.memory_space<vmem_shared>>
        tpu.enqueue_indirect_dma source(%arg13 : memref<128x128xf32, #tpu.memory_space<vmem>>) target(%dma_start3A_50 : memref<10016x128xf32, #tpu.memory_space<vmem_shared>>) offsets(%arg12 : memref<128xi32, #tpu.memory_space<vmem>>) semaphore(%run_scoped3A : memref<!tpu.dma_semaphore, #tpu.memory_space<semaphore_mem>>) {add = true}
        %dma_wait3A_51 = arith.constant 0 : i32
        %dma_wait3A_52 = arith.constant 0 : i32
        %dma_wait3A_53 = tpu.memref_slice %arg14[%dma_wait3A_51, %dma_wait3A_52] : memref<10016x128xf32, #tpu.memory_space<vmem_shared>> -> memref<10016x128xf32, #tpu.memory_space<vmem_shared>>
        tpu.wait_indirect_dma semaphore(%run_scoped3A : memref<!tpu.dma_semaphore, #tpu.memory_space<semaphore_mem>>) src(%arg13 : memref<128x128xf32, #tpu.memory_space<vmem>>) dst(%dma_wait3A_53 : memref<10016x128xf32, #tpu.memory_space<vmem_shared>>)
        tpu.yield
      }) : () -> ()
      %barrier3A_37 = arith.constant 0 : index
      tpu.barrier barrier_id(%barrier3A_37)
      %lt3A_38 = arith.constant 15 : i32
      %lt3A_39 = arith.cmpi slt, %arg1, %lt3A_38 : i32
      %convert_element_type3A_40 = arith.extui %lt3A_39 : i1 to i32
      %cond3A_41 = arith.constant 0 : i32
      %cond3A_42 = arith.cmpi ne, %convert_element_type3A_40, %cond3A_41 : i32
      scf.if %cond3A_42 {
        "tpu.region"() ({
          %run_scoped3A = tpu.sem_alloc : memref<!tpu.dma_semaphore, #tpu.memory_space<semaphore_mem>>
          %dma_start3A_48 = arith.constant 0 : i32
          %dma_start3A_49 = tpu.memref_slice %arg6[%mul3A_0, %dma_start3A_48] : memref<10000x128xf32, #tpu.memory_space<hbm>> -> memref<624x128xf32, #tpu.memory_space<hbm>>
          %dma_start3A_50 = arith.constant 0 : i32
          %dma_start3A_51 = tpu.memref_slice %arg14[%mul3A_0, %dma_start3A_50] : memref<10016x128xf32, #tpu.memory_space<vmem_shared>> -> memref<624x128xf32, #tpu.memory_space<vmem_shared>>
          tpu.enqueue_dma source(%dma_start3A_51 : memref<624x128xf32, #tpu.memory_space<vmem_shared>>) target(%dma_start3A_49 : memref<624x128xf32, #tpu.memory_space<hbm>>) target_semaphore(%run_scoped3A : memref<!tpu.dma_semaphore, #tpu.memory_space<semaphore_mem>>)
          %dma_wait3A_52 = arith.constant 0 : i32
          %dma_wait3A_53 = tpu.memref_slice %arg6[%mul3A_0, %dma_wait3A_52] : memref<10000x128xf32, #tpu.memory_space<hbm>> -> memref<624x128xf32, #tpu.memory_space<hbm>>
          %dma_wait3A_54 = arith.constant 0 : i32
          %dma_wait3A_55 = tpu.memref_slice %arg14[%mul3A_0, %dma_wait3A_54] : memref<10016x128xf32, #tpu.memory_space<vmem_shared>> -> memref<624x128xf32, #tpu.memory_space<vmem_shared>>
          tpu.wait_dma2 semaphore(%run_scoped3A : memref<!tpu.dma_semaphore, #tpu.memory_space<semaphore_mem>>) src(%dma_wait3A_55 : memref<624x128xf32, #tpu.memory_space<vmem_shared>>) dst(%dma_wait3A_53 : memref<624x128xf32, #tpu.memory_space<hbm>>)
          tpu.yield
        }) : () -> ()
      } else {
      }
      %eq3A_43 = arith.constant 15 : i32
      %eq3A_44 = arith.cmpi eq, %arg1, %eq3A_43 : i32
      %convert_element_type3A_45 = arith.extui %eq3A_44 : i1 to i32
      %cond3A_46 = arith.constant 0 : i32
      %cond3A_47 = arith.cmpi ne, %convert_element_type3A_45, %cond3A_46 : i32
      scf.if %cond3A_47 {
        "tpu.region"() ({
          %run_scoped3A = tpu.sem_alloc : memref<!tpu.dma_semaphore, #tpu.memory_space<semaphore_mem>>
          %dma_start3A_48 = arith.constant 0 : i32
          %dma_start3A_49 = tpu.memref_slice %arg6[%mul3A_0, %dma_start3A_48] : memref<10000x128xf32, #tpu.memory_space<hbm>> -> memref<640x128xf32, #tpu.memory_space<hbm>>
          %dma_start3A_50 = arith.constant 0 : i32
          %dma_start3A_51 = tpu.memref_slice %arg14[%mul3A_0, %dma_start3A_50] : memref<10016x128xf32, #tpu.memory_space<vmem_shared>> -> memref<640x128xf32, #tpu.memory_space<vmem_shared>>
          tpu.enqueue_dma source(%dma_start3A_51 : memref<640x128xf32, #tpu.memory_space<vmem_shared>>) target(%dma_start3A_49 : memref<640x128xf32, #tpu.memory_space<hbm>>) target_semaphore(%run_scoped3A : memref<!tpu.dma_semaphore, #tpu.memory_space<semaphore_mem>>)
          %dma_wait3A_52 = arith.constant 0 : i32
          %dma_wait3A_53 = tpu.memref_slice %arg6[%mul3A_0, %dma_wait3A_52] : memref<10000x128xf32, #tpu.memory_space<hbm>> -> memref<640x128xf32, #tpu.memory_space<hbm>>
          %dma_wait3A_54 = arith.constant 0 : i32
          %dma_wait3A_55 = tpu.memref_slice %arg14[%mul3A_0, %dma_wait3A_54] : memref<10016x128xf32, #tpu.memory_space<vmem_shared>> -> memref<640x128xf32, #tpu.memory_space<vmem_shared>>
          tpu.wait_dma2 semaphore(%run_scoped3A : memref<!tpu.dma_semaphore, #tpu.memory_space<semaphore_mem>>) src(%dma_wait3A_55 : memref<640x128xf32, #tpu.memory_space<vmem_shared>>) dst(%dma_wait3A_53 : memref<640x128xf32, #tpu.memory_space<hbm>>)
          tpu.yield
        }) : () -> ()
      } else {
      }
    } else {
    }
    %eq3A_5 = arith.constant 1 : i32
    %eq3A_6 = arith.cmpi eq, %arg0, %eq3A_5 : i32
    %convert_element_type3A_7 = arith.extui %eq3A_6 : i1 to i32
    %cond3A_8 = arith.constant 0 : i32
    %cond3A_9 = arith.cmpi ne, %convert_element_type3A_7, %cond3A_8 : i32
    scf.if %cond3A_9 {
      %lt3A = arith.constant 15 : i32
      %lt3A_10 = arith.cmpi slt, %arg1, %lt3A : i32
      %convert_element_type3A_11 = arith.extui %lt3A_10 : i1 to i32
      %cond3A_12 = arith.constant 0 : i32
      %cond3A_13 = arith.cmpi ne, %convert_element_type3A_11, %cond3A_12 : i32
      scf.if %cond3A_13 {
        "tpu.region"() ({
          %run_scoped3A = tpu.sem_alloc : memref<!tpu.dma_semaphore, #tpu.memory_space<semaphore_mem>>
          %dma_start3A_48 = arith.constant 0 : i32
          %dma_start3A_49 = tpu.memref_slice %arg14[%mul3A_0, %dma_start3A_48] : memref<10016x128xf32, #tpu.memory_space<vmem_shared>> -> memref<624x128xf32, #tpu.memory_space<vmem_shared>>
          %dma_start3A_50 = arith.constant 0 : i32
          %dma_start3A_51 = tpu.memref_slice %arg3[%mul3A_0, %dma_start3A_50] : memref<10000x128xf32, #tpu.memory_space<hbm>> -> memref<624x128xf32, #tpu.memory_space<hbm>>
          tpu.enqueue_dma source(%dma_start3A_51 : memref<624x128xf32, #tpu.memory_space<hbm>>) target(%dma_start3A_49 : memref<624x128xf32, #tpu.memory_space<vmem_shared>>) target_semaphore(%run_scoped3A : memref<!tpu.dma_semaphore, #tpu.memory_space<semaphore_mem>>)
          %dma_wait3A_52 = arith.constant 0 : i32
          %dma_wait3A_53 = tpu.memref_slice %arg14[%mul3A_0, %dma_wait3A_52] : memref<10016x128xf32, #tpu.memory_space<vmem_shared>> -> memref<624x128xf32, #tpu.memory_space<vmem_shared>>
          %dma_wait3A_54 = arith.constant 0 : i32
          %dma_wait3A_55 = tpu.memref_slice %arg3[%mul3A_0, %dma_wait3A_54] : memref<10000x128xf32, #tpu.memory_space<hbm>> -> memref<624x128xf32, #tpu.memory_space<hbm>>
          tpu.wait_dma2 semaphore(%run_scoped3A : memref<!tpu.dma_semaphore, #tpu.memory_space<semaphore_mem>>) src(%dma_wait3A_55 : memref<624x128xf32, #tpu.memory_space<hbm>>) dst(%dma_wait3A_53 : memref<624x128xf32, #tpu.memory_space<vmem_shared>>)
          tpu.yield
        }) : () -> ()
      } else {
      }
      %eq3A_14 = arith.constant 15 : i32
      %eq3A_15 = arith.cmpi eq, %arg1, %eq3A_14 : i32
      %convert_element_type3A_16 = arith.extui %eq3A_15 : i1 to i32
      %cond3A_17 = arith.constant 0 : i32
      %cond3A_18 = arith.cmpi ne, %convert_element_type3A_16, %cond3A_17 : i32
      scf.if %cond3A_18 {
        "tpu.region"() ({
          %run_scoped3A = tpu.sem_alloc : memref<!tpu.dma_semaphore, #tpu.memory_space<semaphore_mem>>
          %dma_start3A_48 = arith.constant 0 : i32
          %dma_start3A_49 = tpu.memref_slice %arg14[%mul3A_0, %dma_start3A_48] : memref<10016x128xf32, #tpu.memory_space<vmem_shared>> -> memref<640x128xf32, #tpu.memory_space<vmem_shared>>
          %dma_start3A_50 = arith.constant 0 : i32
          %dma_start3A_51 = tpu.memref_slice %arg3[%mul3A_0, %dma_start3A_50] : memref<10000x128xf32, #tpu.memory_space<hbm>> -> memref<640x128xf32, #tpu.memory_space<hbm>>
          tpu.enqueue_dma source(%dma_start3A_51 : memref<640x128xf32, #tpu.memory_space<hbm>>) target(%dma_start3A_49 : memref<640x128xf32, #tpu.memory_space<vmem_shared>>) target_semaphore(%run_scoped3A : memref<!tpu.dma_semaphore, #tpu.memory_space<semaphore_mem>>)
          %dma_wait3A_52 = arith.constant 0 : i32
          %dma_wait3A_53 = tpu.memref_slice %arg14[%mul3A_0, %dma_wait3A_52] : memref<10016x128xf32, #tpu.memory_space<vmem_shared>> -> memref<640x128xf32, #tpu.memory_space<vmem_shared>>
          %dma_wait3A_54 = arith.constant 0 : i32
          %dma_wait3A_55 = tpu.memref_slice %arg3[%mul3A_0, %dma_wait3A_54] : memref<10000x128xf32, #tpu.memory_space<hbm>> -> memref<640x128xf32, #tpu.memory_space<hbm>>
          tpu.wait_dma2 semaphore(%run_scoped3A : memref<!tpu.dma_semaphore, #tpu.memory_space<semaphore_mem>>) src(%dma_wait3A_55 : memref<640x128xf32, #tpu.memory_space<hbm>>) dst(%dma_wait3A_53 : memref<640x128xf32, #tpu.memory_space<vmem_shared>>)
          tpu.yield
        }) : () -> ()
      } else {
      }
      %barrier3A = arith.constant 0 : index
      tpu.barrier barrier_id(%barrier3A)
      %add3A = arith.constant 0 : i32
      %add3A_19 = arith.addi %mul3A_2, %add3A : i32
      "tpu.region"() ({
        %run_scoped3A = tpu.sem_alloc : memref<!tpu.dma_semaphore, #tpu.memory_space<semaphore_mem>>
        %dma_start3A_48 = tpu.memref_slice %arg4[%add3A_19] : memref<323584xi32, #tpu.memory_space<hbm>> -> memref<128xi32, #tpu.memory_space<hbm>>
        %dma_start3A_49 = tpu.memref_slice %arg4[%add3A_19] : memref<323584xi32, #tpu.memory_space<hbm>> -> memref<128xi32, #tpu.memory_space<hbm>>
        tpu.enqueue_dma source(%dma_start3A_49 : memref<128xi32, #tpu.memory_space<hbm>>) target(%arg8 : memref<128xi32, #tpu.memory_space<vmem>>) target_semaphore(%run_scoped3A : memref<!tpu.dma_semaphore, #tpu.memory_space<semaphore_mem>>)
        %dma_wait3A_50 = tpu.memref_slice %arg4[%add3A_19] : memref<323584xi32, #tpu.memory_space<hbm>> -> memref<128xi32, #tpu.memory_space<hbm>>
        %dma_wait3A_51 = tpu.memref_slice %arg4[%add3A_19] : memref<323584xi32, #tpu.memory_space<hbm>> -> memref<128xi32, #tpu.memory_space<hbm>>
        tpu.wait_dma2 semaphore(%run_scoped3A : memref<!tpu.dma_semaphore, #tpu.memory_space<semaphore_mem>>) src(%dma_wait3A_51 : memref<128xi32, #tpu.memory_space<hbm>>) dst(%arg8 : memref<128xi32, #tpu.memory_space<vmem>>)
        tpu.yield
      }) : () -> ()
      "tpu.region"() ({
        %run_scoped3A = tpu.sem_alloc : memref<!tpu.dma_semaphore, #tpu.memory_space<semaphore_mem>>
        %dma_start3A_48 = tpu.memref_slice %arg5[%add3A_19] : memref<323584xi32, #tpu.memory_space<hbm>> -> memref<128xi32, #tpu.memory_space<hbm>>
        %dma_start3A_49 = tpu.memref_slice %arg5[%add3A_19] : memref<323584xi32, #tpu.memory_space<hbm>> -> memref<128xi32, #tpu.memory_space<hbm>>
        tpu.enqueue_dma source(%dma_start3A_49 : memref<128xi32, #tpu.memory_space<hbm>>) target(%arg9 : memref<128xi32, #tpu.memory_space<vmem>>) target_semaphore(%run_scoped3A : memref<!tpu.dma_semaphore, #tpu.memory_space<semaphore_mem>>)
        %dma_wait3A_50 = tpu.memref_slice %arg5[%add3A_19] : memref<323584xi32, #tpu.memory_space<hbm>> -> memref<128xi32, #tpu.memory_space<hbm>>
        %dma_wait3A_51 = tpu.memref_slice %arg5[%add3A_19] : memref<323584xi32, #tpu.memory_space<hbm>> -> memref<128xi32, #tpu.memory_space<hbm>>
        tpu.wait_dma2 semaphore(%run_scoped3A : memref<!tpu.dma_semaphore, #tpu.memory_space<semaphore_mem>>) src(%dma_wait3A_51 : memref<128xi32, #tpu.memory_space<hbm>>) dst(%arg9 : memref<128xi32, #tpu.memory_space<vmem>>)
        tpu.yield
      }) : () -> ()
      %dma_start3A = arith.constant 0 : i32
      %dma_start3A_20 = arith.constant 0 : i32
      %dma_start3A_21 = tpu.memref_slice %arg3[%dma_start3A, %dma_start3A_20] : memref<10000x128xf32, #tpu.memory_space<hbm>> -> memref<10000x128xf32, #tpu.memory_space<hbm>>
      tpu.enqueue_indirect_dma source(%dma_start3A_21 : memref<10000x128xf32, #tpu.memory_space<hbm>>) target(%arg10 : memref<128x128xf32, #tpu.memory_space<vmem>>) offsets(%arg8 : memref<128xi32, #tpu.memory_space<vmem>>) semaphore(%arg15 : memref<!tpu.dma_semaphore, #tpu.memory_space<semaphore_mem>>)
      %scan3A = arith.constant 0 : i32
      %scan3A_22 = arith.constant 0 : i32
      %scan3A_23 = arith.constant 78 : i32
      %scan3A_24 = arith.addi %scan3A_22, %scan3A_23 : i32
      %scan3A_25 = arith.constant 1 : i32
      scf.for %scan3A_48 = %scan3A_22 to %scan3A_24 step %scan3A_25  : i32 {
        %mul3A_49 = arith.constant 2 : i32
        %mul3A_50 = arith.muli %scan3A_48, %mul3A_49 : i32
        %add3A_51 = arith.constant 1 : i32
        %add3A_52 = arith.addi %mul3A_50, %add3A_51 : i32
        %mul3A_53 = arith.constant 128 : i32
        %mul3A_54 = arith.muli %add3A_52, %mul3A_53 : i32
        %add3A_55 = arith.addi %mul3A_2, %mul3A_54 : i32
        "tpu.region"() ({
          %run_scoped3A = tpu.sem_alloc : memref<!tpu.dma_semaphore, #tpu.memory_space<semaphore_mem>>
          %dma_start3A_73 = tpu.memref_slice %arg4[%add3A_55] : memref<323584xi32, #tpu.memory_space<hbm>> -> memref<128xi32, #tpu.memory_space<hbm>>
          %dma_start3A_74 = tpu.memref_slice %arg4[%add3A_55] : memref<323584xi32, #tpu.memory_space<hbm>> -> memref<128xi32, #tpu.memory_space<hbm>>
          tpu.enqueue_dma source(%dma_start3A_74 : memref<128xi32, #tpu.memory_space<hbm>>) target(%arg11 : memref<128xi32, #tpu.memory_space<vmem>>) target_semaphore(%run_scoped3A : memref<!tpu.dma_semaphore, #tpu.memory_space<semaphore_mem>>)
          %dma_wait3A_75 = tpu.memref_slice %arg4[%add3A_55] : memref<323584xi32, #tpu.memory_space<hbm>> -> memref<128xi32, #tpu.memory_space<hbm>>
          %dma_wait3A_76 = tpu.memref_slice %arg4[%add3A_55] : memref<323584xi32, #tpu.memory_space<hbm>> -> memref<128xi32, #tpu.memory_space<hbm>>
          tpu.wait_dma2 semaphore(%run_scoped3A : memref<!tpu.dma_semaphore, #tpu.memory_space<semaphore_mem>>) src(%dma_wait3A_76 : memref<128xi32, #tpu.memory_space<hbm>>) dst(%arg11 : memref<128xi32, #tpu.memory_space<vmem>>)
          tpu.yield
        }) : () -> ()
        "tpu.region"() ({
          %run_scoped3A = tpu.sem_alloc : memref<!tpu.dma_semaphore, #tpu.memory_space<semaphore_mem>>
          %dma_start3A_73 = tpu.memref_slice %arg5[%add3A_55] : memref<323584xi32, #tpu.memory_space<hbm>> -> memref<128xi32, #tpu.memory_space<hbm>>
          %dma_start3A_74 = tpu.memref_slice %arg5[%add3A_55] : memref<323584xi32, #tpu.memory_space<hbm>> -> memref<128xi32, #tpu.memory_space<hbm>>
          tpu.enqueue_dma source(%dma_start3A_74 : memref<128xi32, #tpu.memory_space<hbm>>) target(%arg12 : memref<128xi32, #tpu.memory_space<vmem>>) target_semaphore(%run_scoped3A : memref<!tpu.dma_semaphore, #tpu.memory_space<semaphore_mem>>)
          %dma_wait3A_75 = tpu.memref_slice %arg5[%add3A_55] : memref<323584xi32, #tpu.memory_space<hbm>> -> memref<128xi32, #tpu.memory_space<hbm>>
          %dma_wait3A_76 = tpu.memref_slice %arg5[%add3A_55] : memref<323584xi32, #tpu.memory_space<hbm>> -> memref<128xi32, #tpu.memory_space<hbm>>
          tpu.wait_dma2 semaphore(%run_scoped3A : memref<!tpu.dma_semaphore, #tpu.memory_space<semaphore_mem>>) src(%dma_wait3A_76 : memref<128xi32, #tpu.memory_space<hbm>>) dst(%arg12 : memref<128xi32, #tpu.memory_space<vmem>>)
          tpu.yield
        }) : () -> ()
        %dma_start3A_56 = arith.constant 0 : i32
        %dma_start3A_57 = arith.constant 0 : i32
        %dma_start3A_58 = tpu.memref_slice %arg3[%dma_start3A_56, %dma_start3A_57] : memref<10000x128xf32, #tpu.memory_space<hbm>> -> memref<10000x128xf32, #tpu.memory_space<hbm>>
        tpu.enqueue_indirect_dma source(%dma_start3A_58 : memref<10000x128xf32, #tpu.memory_space<hbm>>) target(%arg13 : memref<128x128xf32, #tpu.memory_space<vmem>>) offsets(%arg11 : memref<128xi32, #tpu.memory_space<vmem>>) semaphore(%arg16 : memref<!tpu.dma_semaphore, #tpu.memory_space<semaphore_mem>>)
        %dma_wait3A_59 = arith.constant 0 : i32
        %dma_wait3A_60 = arith.constant 0 : i32
        %dma_wait3A_61 = tpu.memref_slice %arg3[%dma_wait3A_59, %dma_wait3A_60] : memref<10000x128xf32, #tpu.memory_space<hbm>> -> memref<10000x128xf32, #tpu.memory_space<hbm>>
        tpu.wait_indirect_dma semaphore(%arg15 : memref<!tpu.dma_semaphore, #tpu.memory_space<semaphore_mem>>) src(%dma_wait3A_61 : memref<10000x128xf32, #tpu.memory_space<hbm>>) dst(%arg10 : memref<128x128xf32, #tpu.memory_space<vmem>>)
        "tpu.region"() ({
          %run_scoped3A = tpu.sem_alloc : memref<!tpu.dma_semaphore, #tpu.memory_space<semaphore_mem>>
          %dma_start3A_73 = arith.constant 0 : i32
          %dma_start3A_74 = arith.constant 0 : i32
          %dma_start3A_75 = tpu.memref_slice %arg14[%dma_start3A_73, %dma_start3A_74] : memref<10016x128xf32, #tpu.memory_space<vmem_shared>> -> memref<10016x128xf32, #tpu.memory_space<vmem_shared>>
          tpu.enqueue_indirect_dma source(%arg10 : memref<128x128xf32, #tpu.memory_space<vmem>>) target(%dma_start3A_75 : memref<10016x128xf32, #tpu.memory_space<vmem_shared>>) offsets(%arg9 : memref<128xi32, #tpu.memory_space<vmem>>) semaphore(%run_scoped3A : memref<!tpu.dma_semaphore, #tpu.memory_space<semaphore_mem>>) {add = true}
          %dma_wait3A_76 = arith.constant 0 : i32
          %dma_wait3A_77 = arith.constant 0 : i32
          %dma_wait3A_78 = tpu.memref_slice %arg14[%dma_wait3A_76, %dma_wait3A_77] : memref<10016x128xf32, #tpu.memory_space<vmem_shared>> -> memref<10016x128xf32, #tpu.memory_space<vmem_shared>>
          tpu.wait_indirect_dma semaphore(%run_scoped3A : memref<!tpu.dma_semaphore, #tpu.memory_space<semaphore_mem>>) src(%arg10 : memref<128x128xf32, #tpu.memory_space<vmem>>) dst(%dma_wait3A_78 : memref<10016x128xf32, #tpu.memory_space<vmem_shared>>)
          tpu.yield
        }) : () -> ()
        %add3A_62 = arith.constant 2 : i32
        %add3A_63 = arith.addi %mul3A_50, %add3A_62 : i32
        %mul3A_64 = arith.constant 128 : i32
        %mul3A_65 = arith.muli %add3A_63, %mul3A_64 : i32
        %add3A_66 = arith.addi %mul3A_2, %mul3A_65 : i32
        "tpu.region"() ({
          %run_scoped3A = tpu.sem_alloc : memref<!tpu.dma_semaphore, #tpu.memory_space<semaphore_mem>>
          %dma_start3A_73 = tpu.memref_slice %arg4[%add3A_66] : memref<323584xi32, #tpu.memory_space<hbm>> -> memref<128xi32, #tpu.memory_space<hbm>>
          %dma_start3A_74 = tpu.memref_slice %arg4[%add3A_66] : memref<323584xi32, #tpu.memory_space<hbm>> -> memref<128xi32, #tpu.memory_space<hbm>>
          tpu.enqueue_dma source(%dma_start3A_74 : memref<128xi32, #tpu.memory_space<hbm>>) target(%arg8 : memref<128xi32, #tpu.memory_space<vmem>>) target_semaphore(%run_scoped3A : memref<!tpu.dma_semaphore, #tpu.memory_space<semaphore_mem>>)
          %dma_wait3A_75 = tpu.memref_slice %arg4[%add3A_66] : memref<323584xi32, #tpu.memory_space<hbm>> -> memref<128xi32, #tpu.memory_space<hbm>>
          %dma_wait3A_76 = tpu.memref_slice %arg4[%add3A_66] : memref<323584xi32, #tpu.memory_space<hbm>> -> memref<128xi32, #tpu.memory_space<hbm>>
          tpu.wait_dma2 semaphore(%run_scoped3A : memref<!tpu.dma_semaphore, #tpu.memory_space<semaphore_mem>>) src(%dma_wait3A_76 : memref<128xi32, #tpu.memory_space<hbm>>) dst(%arg8 : memref<128xi32, #tpu.memory_space<vmem>>)
          tpu.yield
        }) : () -> ()
        "tpu.region"() ({
          %run_scoped3A = tpu.sem_alloc : memref<!tpu.dma_semaphore, #tpu.memory_space<semaphore_mem>>
          %dma_start3A_73 = tpu.memref_slice %arg5[%add3A_66] : memref<323584xi32, #tpu.memory_space<hbm>> -> memref<128xi32, #tpu.memory_space<hbm>>
          %dma_start3A_74 = tpu.memref_slice %arg5[%add3A_66] : memref<323584xi32, #tpu.memory_space<hbm>> -> memref<128xi32, #tpu.memory_space<hbm>>
          tpu.enqueue_dma source(%dma_start3A_74 : memref<128xi32, #tpu.memory_space<hbm>>) target(%arg9 : memref<128xi32, #tpu.memory_space<vmem>>) target_semaphore(%run_scoped3A : memref<!tpu.dma_semaphore, #tpu.memory_space<semaphore_mem>>)
          %dma_wait3A_75 = tpu.memref_slice %arg5[%add3A_66] : memref<323584xi32, #tpu.memory_space<hbm>> -> memref<128xi32, #tpu.memory_space<hbm>>
          %dma_wait3A_76 = tpu.memref_slice %arg5[%add3A_66] : memref<323584xi32, #tpu.memory_space<hbm>> -> memref<128xi32, #tpu.memory_space<hbm>>
          tpu.wait_dma2 semaphore(%run_scoped3A : memref<!tpu.dma_semaphore, #tpu.memory_space<semaphore_mem>>) src(%dma_wait3A_76 : memref<128xi32, #tpu.memory_space<hbm>>) dst(%arg9 : memref<128xi32, #tpu.memory_space<vmem>>)
          tpu.yield
        }) : () -> ()
        %dma_start3A_67 = arith.constant 0 : i32
        %dma_start3A_68 = arith.constant 0 : i32
        %dma_start3A_69 = tpu.memref_slice %arg3[%dma_start3A_67, %dma_start3A_68] : memref<10000x128xf32, #tpu.memory_space<hbm>> -> memref<10000x128xf32, #tpu.memory_space<hbm>>
        tpu.enqueue_indirect_dma source(%dma_start3A_69 : memref<10000x128xf32, #tpu.memory_space<hbm>>) target(%arg10 : memref<128x128xf32, #tpu.memory_space<vmem>>) offsets(%arg8 : memref<128xi32, #tpu.memory_space<vmem>>) semaphore(%arg15 : memref<!tpu.dma_semaphore, #tpu.memory_space<semaphore_mem>>)
        %dma_wait3A_70 = arith.constant 0 : i32
        %dma_wait3A_71 = arith.constant 0 : i32
        %dma_wait3A_72 = tpu.memref_slice %arg3[%dma_wait3A_70, %dma_wait3A_71] : memref<10000x128xf32, #tpu.memory_space<hbm>> -> memref<10000x128xf32, #tpu.memory_space<hbm>>
        tpu.wait_indirect_dma semaphore(%arg16 : memref<!tpu.dma_semaphore, #tpu.memory_space<semaphore_mem>>) src(%dma_wait3A_72 : memref<10000x128xf32, #tpu.memory_space<hbm>>) dst(%arg13 : memref<128x128xf32, #tpu.memory_space<vmem>>)
        "tpu.region"() ({
          %run_scoped3A = tpu.sem_alloc : memref<!tpu.dma_semaphore, #tpu.memory_space<semaphore_mem>>
          %dma_start3A_73 = arith.constant 0 : i32
          %dma_start3A_74 = arith.constant 0 : i32
          %dma_start3A_75 = tpu.memref_slice %arg14[%dma_start3A_73, %dma_start3A_74] : memref<10016x128xf32, #tpu.memory_space<vmem_shared>> -> memref<10016x128xf32, #tpu.memory_space<vmem_shared>>
          tpu.enqueue_indirect_dma source(%arg13 : memref<128x128xf32, #tpu.memory_space<vmem>>) target(%dma_start3A_75 : memref<10016x128xf32, #tpu.memory_space<vmem_shared>>) offsets(%arg12 : memref<128xi32, #tpu.memory_space<vmem>>) semaphore(%run_scoped3A : memref<!tpu.dma_semaphore, #tpu.memory_space<semaphore_mem>>) {add = true}
          %dma_wait3A_76 = arith.constant 0 : i32
          %dma_wait3A_77 = arith.constant 0 : i32
          %dma_wait3A_78 = tpu.memref_slice %arg14[%dma_wait3A_76, %dma_wait3A_77] : memref<10016x128xf32, #tpu.memory_space<vmem_shared>> -> memref<10016x128xf32, #tpu.memory_space<vmem_shared>>
          tpu.wait_indirect_dma semaphore(%run_scoped3A : memref<!tpu.dma_semaphore, #tpu.memory_space<semaphore_mem>>) src(%arg13 : memref<128x128xf32, #tpu.memory_space<vmem>>) dst(%dma_wait3A_78 : memref<10016x128xf32, #tpu.memory_space<vmem_shared>>)
          tpu.yield
        }) : () -> ()
      }
      %scan3A_26 = arith.constant 78 : i32
      %add3A_27 = arith.constant 20096 : i32
      %add3A_28 = arith.addi %mul3A_2, %add3A_27 : i32
      "tpu.region"() ({
        %run_scoped3A = tpu.sem_alloc : memref<!tpu.dma_semaphore, #tpu.memory_space<semaphore_mem>>
        %dma_start3A_48 = tpu.memref_slice %arg4[%add3A_28] : memref<323584xi32, #tpu.memory_space<hbm>> -> memref<128xi32, #tpu.memory_space<hbm>>
        %dma_start3A_49 = tpu.memref_slice %arg4[%add3A_28] : memref<323584xi32, #tpu.memory_space<hbm>> -> memref<128xi32, #tpu.memory_space<hbm>>
        tpu.enqueue_dma source(%dma_start3A_49 : memref<128xi32, #tpu.memory_space<hbm>>) target(%arg11 : memref<128xi32, #tpu.memory_space<vmem>>) target_semaphore(%run_scoped3A : memref<!tpu.dma_semaphore, #tpu.memory_space<semaphore_mem>>)
        %dma_wait3A_50 = tpu.memref_slice %arg4[%add3A_28] : memref<323584xi32, #tpu.memory_space<hbm>> -> memref<128xi32, #tpu.memory_space<hbm>>
        %dma_wait3A_51 = tpu.memref_slice %arg4[%add3A_28] : memref<323584xi32, #tpu.memory_space<hbm>> -> memref<128xi32, #tpu.memory_space<hbm>>
        tpu.wait_dma2 semaphore(%run_scoped3A : memref<!tpu.dma_semaphore, #tpu.memory_space<semaphore_mem>>) src(%dma_wait3A_51 : memref<128xi32, #tpu.memory_space<hbm>>) dst(%arg11 : memref<128xi32, #tpu.memory_space<vmem>>)
        tpu.yield
      }) : () -> ()
      "tpu.region"() ({
        %run_scoped3A = tpu.sem_alloc : memref<!tpu.dma_semaphore, #tpu.memory_space<semaphore_mem>>
        %dma_start3A_48 = tpu.memref_slice %arg5[%add3A_28] : memref<323584xi32, #tpu.memory_space<hbm>> -> memref<128xi32, #tpu.memory_space<hbm>>
        %dma_start3A_49 = tpu.memref_slice %arg5[%add3A_28] : memref<323584xi32, #tpu.memory_space<hbm>> -> memref<128xi32, #tpu.memory_space<hbm>>
        tpu.enqueue_dma source(%dma_start3A_49 : memref<128xi32, #tpu.memory_space<hbm>>) target(%arg12 : memref<128xi32, #tpu.memory_space<vmem>>) target_semaphore(%run_scoped3A : memref<!tpu.dma_semaphore, #tpu.memory_space<semaphore_mem>>)
        %dma_wait3A_50 = tpu.memref_slice %arg5[%add3A_28] : memref<323584xi32, #tpu.memory_space<hbm>> -> memref<128xi32, #tpu.memory_space<hbm>>
        %dma_wait3A_51 = tpu.memref_slice %arg5[%add3A_28] : memref<323584xi32, #tpu.memory_space<hbm>> -> memref<128xi32, #tpu.memory_space<hbm>>
        tpu.wait_dma2 semaphore(%run_scoped3A : memref<!tpu.dma_semaphore, #tpu.memory_space<semaphore_mem>>) src(%dma_wait3A_51 : memref<128xi32, #tpu.memory_space<hbm>>) dst(%arg12 : memref<128xi32, #tpu.memory_space<vmem>>)
        tpu.yield
      }) : () -> ()
      %dma_start3A_29 = arith.constant 0 : i32
      %dma_start3A_30 = arith.constant 0 : i32
      %dma_start3A_31 = tpu.memref_slice %arg3[%dma_start3A_29, %dma_start3A_30] : memref<10000x128xf32, #tpu.memory_space<hbm>> -> memref<10000x128xf32, #tpu.memory_space<hbm>>
      tpu.enqueue_indirect_dma source(%dma_start3A_31 : memref<10000x128xf32, #tpu.memory_space<hbm>>) target(%arg13 : memref<128x128xf32, #tpu.memory_space<vmem>>) offsets(%arg11 : memref<128xi32, #tpu.memory_space<vmem>>) semaphore(%arg16 : memref<!tpu.dma_semaphore, #tpu.memory_space<semaphore_mem>>)
      %dma_wait3A = arith.constant 0 : i32
      %dma_wait3A_32 = arith.constant 0 : i32
      %dma_wait3A_33 = tpu.memref_slice %arg3[%dma_wait3A, %dma_wait3A_32] : memref<10000x128xf32, #tpu.memory_space<hbm>> -> memref<10000x128xf32, #tpu.memory_space<hbm>>
      tpu.wait_indirect_dma semaphore(%arg15 : memref<!tpu.dma_semaphore, #tpu.memory_space<semaphore_mem>>) src(%dma_wait3A_33 : memref<10000x128xf32, #tpu.memory_space<hbm>>) dst(%arg10 : memref<128x128xf32, #tpu.memory_space<vmem>>)
      "tpu.region"() ({
        %run_scoped3A = tpu.sem_alloc : memref<!tpu.dma_semaphore, #tpu.memory_space<semaphore_mem>>
        %dma_start3A_48 = arith.constant 0 : i32
        %dma_start3A_49 = arith.constant 0 : i32
        %dma_start3A_50 = tpu.memref_slice %arg14[%dma_start3A_48, %dma_start3A_49] : memref<10016x128xf32, #tpu.memory_space<vmem_shared>> -> memref<10016x128xf32, #tpu.memory_space<vmem_shared>>
        tpu.enqueue_indirect_dma source(%arg10 : memref<128x128xf32, #tpu.memory_space<vmem>>) target(%dma_start3A_50 : memref<10016x128xf32, #tpu.memory_space<vmem_shared>>) offsets(%arg9 : memref<128xi32, #tpu.memory_space<vmem>>) semaphore(%run_scoped3A : memref<!tpu.dma_semaphore, #tpu.memory_space<semaphore_mem>>) {add = true}
        %dma_wait3A_51 = arith.constant 0 : i32
        %dma_wait3A_52 = arith.constant 0 : i32
        %dma_wait3A_53 = tpu.memref_slice %arg14[%dma_wait3A_51, %dma_wait3A_52] : memref<10016x128xf32, #tpu.memory_space<vmem_shared>> -> memref<10016x128xf32, #tpu.memory_space<vmem_shared>>
        tpu.wait_indirect_dma semaphore(%run_scoped3A : memref<!tpu.dma_semaphore, #tpu.memory_space<semaphore_mem>>) src(%arg10 : memref<128x128xf32, #tpu.memory_space<vmem>>) dst(%dma_wait3A_53 : memref<10016x128xf32, #tpu.memory_space<vmem_shared>>)
        tpu.yield
      }) : () -> ()
      %dma_wait3A_34 = arith.constant 0 : i32
      %dma_wait3A_35 = arith.constant 0 : i32
      %dma_wait3A_36 = tpu.memref_slice %arg3[%dma_wait3A_34, %dma_wait3A_35] : memref<10000x128xf32, #tpu.memory_space<hbm>> -> memref<10000x128xf32, #tpu.memory_space<hbm>>
      tpu.wait_indirect_dma semaphore(%arg16 : memref<!tpu.dma_semaphore, #tpu.memory_space<semaphore_mem>>) src(%dma_wait3A_36 : memref<10000x128xf32, #tpu.memory_space<hbm>>) dst(%arg13 : memref<128x128xf32, #tpu.memory_space<vmem>>)
      "tpu.region"() ({
        %run_scoped3A = tpu.sem_alloc : memref<!tpu.dma_semaphore, #tpu.memory_space<semaphore_mem>>
        %dma_start3A_48 = arith.constant 0 : i32
        %dma_start3A_49 = arith.constant 0 : i32
        %dma_start3A_50 = tpu.memref_slice %arg14[%dma_start3A_48, %dma_start3A_49] : memref<10016x128xf32, #tpu.memory_space<vmem_shared>> -> memref<10016x128xf32, #tpu.memory_space<vmem_shared>>
        tpu.enqueue_indirect_dma source(%arg13 : memref<128x128xf32, #tpu.memory_space<vmem>>) target(%dma_start3A_50 : memref<10016x128xf32, #tpu.memory_space<vmem_shared>>) offsets(%arg12 : memref<128xi32, #tpu.memory_space<vmem>>) semaphore(%run_scoped3A : memref<!tpu.dma_semaphore, #tpu.memory_space<semaphore_mem>>) {add = true}
        %dma_wait3A_51 = arith.constant 0 : i32
        %dma_wait3A_52 = arith.constant 0 : i32
        %dma_wait3A_53 = tpu.memref_slice %arg14[%dma_wait3A_51, %dma_wait3A_52] : memref<10016x128xf32, #tpu.memory_space<vmem_shared>> -> memref<10016x128xf32, #tpu.memory_space<vmem_shared>>
        tpu.wait_indirect_dma semaphore(%run_scoped3A : memref<!tpu.dma_semaphore, #tpu.memory_space<semaphore_mem>>) src(%arg13 : memref<128x128xf32, #tpu.memory_space<vmem>>) dst(%dma_wait3A_53 : memref<10016x128xf32, #tpu.memory_space<vmem_shared>>)
        tpu.yield
      }) : () -> ()
      %barrier3A_37 = arith.constant 0 : index
      tpu.barrier barrier_id(%barrier3A_37)
      %lt3A_38 = arith.constant 15 : i32
      %lt3A_39 = arith.cmpi slt, %arg1, %lt3A_38 : i32
      %convert_element_type3A_40 = arith.extui %lt3A_39 : i1 to i32
      %cond3A_41 = arith.constant 0 : i32
      %cond3A_42 = arith.cmpi ne, %convert_element_type3A_40, %cond3A_41 : i32
      scf.if %cond3A_42 {
        "tpu.region"() ({
          %run_scoped3A = tpu.sem_alloc : memref<!tpu.dma_semaphore, #tpu.memory_space<semaphore_mem>>
          %dma_start3A_48 = arith.constant 0 : i32
          %dma_start3A_49 = tpu.memref_slice %arg7[%mul3A_0, %dma_start3A_48] : memref<10000x128xf32, #tpu.memory_space<hbm>> -> memref<624x128xf32, #tpu.memory_space<hbm>>
          %dma_start3A_50 = arith.constant 0 : i32
          %dma_start3A_51 = tpu.memref_slice %arg14[%mul3A_0, %dma_start3A_50] : memref<10016x128xf32, #tpu.memory_space<vmem_shared>> -> memref<624x128xf32, #tpu.memory_space<vmem_shared>>
          tpu.enqueue_dma source(%dma_start3A_51 : memref<624x128xf32, #tpu.memory_space<vmem_shared>>) target(%dma_start3A_49 : memref<624x128xf32, #tpu.memory_space<hbm>>) target_semaphore(%run_scoped3A : memref<!tpu.dma_semaphore, #tpu.memory_space<semaphore_mem>>)
          %dma_wait3A_52 = arith.constant 0 : i32
          %dma_wait3A_53 = tpu.memref_slice %arg7[%mul3A_0, %dma_wait3A_52] : memref<10000x128xf32, #tpu.memory_space<hbm>> -> memref<624x128xf32, #tpu.memory_space<hbm>>
          %dma_wait3A_54 = arith.constant 0 : i32
          %dma_wait3A_55 = tpu.memref_slice %arg14[%mul3A_0, %dma_wait3A_54] : memref<10016x128xf32, #tpu.memory_space<vmem_shared>> -> memref<624x128xf32, #tpu.memory_space<vmem_shared>>
          tpu.wait_dma2 semaphore(%run_scoped3A : memref<!tpu.dma_semaphore, #tpu.memory_space<semaphore_mem>>) src(%dma_wait3A_55 : memref<624x128xf32, #tpu.memory_space<vmem_shared>>) dst(%dma_wait3A_53 : memref<624x128xf32, #tpu.memory_space<hbm>>)
          tpu.yield
        }) : () -> ()
      } else {
      }
      %eq3A_43 = arith.constant 15 : i32
      %eq3A_44 = arith.cmpi eq, %arg1, %eq3A_43 : i32
      %convert_element_type3A_45 = arith.extui %eq3A_44 : i1 to i32
      %cond3A_46 = arith.constant 0 : i32
      %cond3A_47 = arith.cmpi ne, %convert_element_type3A_45, %cond3A_46 : i32
      scf.if %cond3A_47 {
        "tpu.region"() ({
          %run_scoped3A = tpu.sem_alloc : memref<!tpu.dma_semaphore, #tpu.memory_space<semaphore_mem>>
          %dma_start3A_48 = arith.constant 0 : i32
          %dma_start3A_49 = tpu.memref_slice %arg7[%mul3A_0, %dma_start3A_48] : memref<10000x128xf32, #tpu.memory_space<hbm>> -> memref<640x128xf32, #tpu.memory_space<hbm>>
          %dma_start3A_50 = arith.constant 0 : i32
          %dma_start3A_51 = tpu.memref_slice %arg14[%mul3A_0, %dma_start3A_50] : memref<10016x128xf32, #tpu.memory_space<vmem_shared>> -> memref<640x128xf32, #tpu.memory_space<vmem_shared>>
          tpu.enqueue_dma source(%dma_start3A_51 : memref<640x128xf32, #tpu.memory_space<vmem_shared>>) target(%dma_start3A_49 : memref<640x128xf32, #tpu.memory_space<hbm>>) target_semaphore(%run_scoped3A : memref<!tpu.dma_semaphore, #tpu.memory_space<semaphore_mem>>)
          %dma_wait3A_52 = arith.constant 0 : i32
          %dma_wait3A_53 = tpu.memref_slice %arg7[%mul3A_0, %dma_wait3A_52] : memref<10000x128xf32, #tpu.memory_space<hbm>> -> memref<640x128xf32, #tpu.memory_space<hbm>>
          %dma_wait3A_54 = arith.constant 0 : i32
          %dma_wait3A_55 = tpu.memref_slice %arg14[%mul3A_0, %dma_wait3A_54] : memref<10016x128xf32, #tpu.memory_space<vmem_shared>> -> memref<640x128xf32, #tpu.memory_space<vmem_shared>>
          tpu.wait_dma2 semaphore(%run_scoped3A : memref<!tpu.dma_semaphore, #tpu.memory_space<semaphore_mem>>) src(%dma_wait3A_55 : memref<640x128xf32, #tpu.memory_space<vmem_shared>>) dst(%dma_wait3A_53 : memref<640x128xf32, #tpu.memory_space<hbm>>)
          tpu.yield
        }) : () -> ()
      } else {
      }
    } else {
    }
    return
  }
}

#map = affine_map<(d0, d1) -> (0, 0)>
#map1 = affine_map<(d0, d1) -> (0)>
module attributes {stable_mosaic.version = 14 : i64} {
  func.func @_sc_body2(%arg0: i32, %arg1: i32, %arg2: memref<10000x128xf32, #tpu.memory_space<hbm>>, %arg3: memref<10000x128xf32, #tpu.memory_space<hbm>>, %arg4: memref<323584xi32, #tpu.memory_space<hbm>>, %arg5: memref<323584xi32, #tpu.memory_space<hbm>>, %arg6: memref<10000x128xf32, #tpu.memory_space<hbm>>, %arg7: memref<10000x128xf32, #tpu.memory_space<hbm>>, %arg8: memref<128xi32, #tpu.memory_space<vmem>>, %arg9: memref<128xi32, #tpu.memory_space<vmem>>, %arg10: memref<128x128xf32, #tpu.memory_space<vmem>>, %arg11: memref<128xi32, #tpu.memory_space<vmem>>, %arg12: memref<128xi32, #tpu.memory_space<vmem>>, %arg13: memref<128x128xf32, #tpu.memory_space<vmem>>, %arg14: memref<10016x128xf32, #tpu.memory_space<vmem_shared>>, %arg15: memref<!tpu.dma_semaphore, #tpu.memory_space<semaphore_mem>>, %arg16: memref<!tpu.dma_semaphore, #tpu.memory_space<semaphore_mem>>) attributes {dimension_semantics = [#tpu.dimension_semantics<core_parallel>, #tpu.dimension_semantics<subcore_parallel>], iteration_bounds = array<i64: 2, 16>, scalar_prefetch = 0 : i64, scratch_operands = 9 : i64, tpu.core_type = #tpu.core_type<sc_vector_subcore>, window_params = [{transform_indices = #map}, {transform_indices = #map}, {transform_indices = #map1}, {transform_indices = #map1}, {transform_indices = #map}, {transform_indices = #map}]} {
    %mul3A = arith.constant 624 : i32
    %mul3A_0 = arith.muli %arg1, %mul3A : i32
    %mul3A_1 = arith.constant 20224 : i32
    %mul3A_2 = arith.muli %arg1, %mul3A_1 : i32
    %eq3A = arith.constant 0 : i32
    %eq3A_3 = arith.cmpi eq, %arg0, %eq3A : i32
    %convert_element_type3A = arith.extui %eq3A_3 : i1 to i32
    %cond3A = arith.constant 0 : i32
    %cond3A_4 = arith.cmpi ne, %convert_element_type3A, %cond3A : i32
    scf.if %cond3A_4 {
      %lt3A = arith.constant 15 : i32
      %lt3A_10 = arith.cmpi slt, %arg1, %lt3A : i32
      %convert_element_type3A_11 = arith.extui %lt3A_10 : i1 to i32
      %cond3A_12 = arith.constant 0 : i32
      %cond3A_13 = arith.cmpi ne, %convert_element_type3A_11, %cond3A_12 : i32
      scf.if %cond3A_13 {
        "tpu.region"() ({
          %run_scoped3A = tpu.sem_alloc : memref<!tpu.dma_semaphore, #tpu.memory_space<semaphore_mem>>
          %dma_start3A_48 = arith.constant 0 : i32
          %dma_start3A_49 = tpu.memref_slice %arg14[%mul3A_0, %dma_start3A_48] : memref<10016x128xf32, #tpu.memory_space<vmem_shared>> -> memref<624x128xf32, #tpu.memory_space<vmem_shared>>
          %dma_start3A_50 = arith.constant 0 : i32
          %dma_start3A_51 = tpu.memref_slice %arg2[%mul3A_0, %dma_start3A_50] : memref<10000x128xf32, #tpu.memory_space<hbm>> -> memref<624x128xf32, #tpu.memory_space<hbm>>
          tpu.enqueue_dma source(%dma_start3A_51 : memref<624x128xf32, #tpu.memory_space<hbm>>) target(%dma_start3A_49 : memref<624x128xf32, #tpu.memory_space<vmem_shared>>) target_semaphore(%run_scoped3A : memref<!tpu.dma_semaphore, #tpu.memory_space<semaphore_mem>>)
          %dma_wait3A_52 = arith.constant 0 : i32
          %dma_wait3A_53 = tpu.memref_slice %arg14[%mul3A_0, %dma_wait3A_52] : memref<10016x128xf32, #tpu.memory_space<vmem_shared>> -> memref<624x128xf32, #tpu.memory_space<vmem_shared>>
          %dma_wait3A_54 = arith.constant 0 : i32
          %dma_wait3A_55 = tpu.memref_slice %arg2[%mul3A_0, %dma_wait3A_54] : memref<10000x128xf32, #tpu.memory_space<hbm>> -> memref<624x128xf32, #tpu.memory_space<hbm>>
          tpu.wait_dma2 semaphore(%run_scoped3A : memref<!tpu.dma_semaphore, #tpu.memory_space<semaphore_mem>>) src(%dma_wait3A_55 : memref<624x128xf32, #tpu.memory_space<hbm>>) dst(%dma_wait3A_53 : memref<624x128xf32, #tpu.memory_space<vmem_shared>>)
          tpu.yield
        }) : () -> ()
      } else {
      }
      %eq3A_14 = arith.constant 15 : i32
      %eq3A_15 = arith.cmpi eq, %arg1, %eq3A_14 : i32
      %convert_element_type3A_16 = arith.extui %eq3A_15 : i1 to i32
      %cond3A_17 = arith.constant 0 : i32
      %cond3A_18 = arith.cmpi ne, %convert_element_type3A_16, %cond3A_17 : i32
      scf.if %cond3A_18 {
        "tpu.region"() ({
          %run_scoped3A = tpu.sem_alloc : memref<!tpu.dma_semaphore, #tpu.memory_space<semaphore_mem>>
          %dma_start3A_48 = arith.constant 0 : i32
          %dma_start3A_49 = tpu.memref_slice %arg14[%mul3A_0, %dma_start3A_48] : memref<10016x128xf32, #tpu.memory_space<vmem_shared>> -> memref<640x128xf32, #tpu.memory_space<vmem_shared>>
          %dma_start3A_50 = arith.constant 0 : i32
          %dma_start3A_51 = tpu.memref_slice %arg2[%mul3A_0, %dma_start3A_50] : memref<10000x128xf32, #tpu.memory_space<hbm>> -> memref<640x128xf32, #tpu.memory_space<hbm>>
          tpu.enqueue_dma source(%dma_start3A_51 : memref<640x128xf32, #tpu.memory_space<hbm>>) target(%dma_start3A_49 : memref<640x128xf32, #tpu.memory_space<vmem_shared>>) target_semaphore(%run_scoped3A : memref<!tpu.dma_semaphore, #tpu.memory_space<semaphore_mem>>)
          %dma_wait3A_52 = arith.constant 0 : i32
          %dma_wait3A_53 = tpu.memref_slice %arg14[%mul3A_0, %dma_wait3A_52] : memref<10016x128xf32, #tpu.memory_space<vmem_shared>> -> memref<640x128xf32, #tpu.memory_space<vmem_shared>>
          %dma_wait3A_54 = arith.constant 0 : i32
          %dma_wait3A_55 = tpu.memref_slice %arg2[%mul3A_0, %dma_wait3A_54] : memref<10000x128xf32, #tpu.memory_space<hbm>> -> memref<640x128xf32, #tpu.memory_space<hbm>>
          tpu.wait_dma2 semaphore(%run_scoped3A : memref<!tpu.dma_semaphore, #tpu.memory_space<semaphore_mem>>) src(%dma_wait3A_55 : memref<640x128xf32, #tpu.memory_space<hbm>>) dst(%dma_wait3A_53 : memref<640x128xf32, #tpu.memory_space<vmem_shared>>)
          tpu.yield
        }) : () -> ()
      } else {
      }
      %barrier3A = arith.constant 0 : index
      tpu.barrier barrier_id(%barrier3A)
      %add3A = arith.constant 0 : i32
      %add3A_19 = arith.addi %mul3A_2, %add3A : i32
      "tpu.region"() ({
        %run_scoped3A = tpu.sem_alloc : memref<!tpu.dma_semaphore, #tpu.memory_space<semaphore_mem>>
        %dma_start3A_48 = tpu.memref_slice %arg4[%add3A_19] : memref<323584xi32, #tpu.memory_space<hbm>> -> memref<128xi32, #tpu.memory_space<hbm>>
        %dma_start3A_49 = tpu.memref_slice %arg4[%add3A_19] : memref<323584xi32, #tpu.memory_space<hbm>> -> memref<128xi32, #tpu.memory_space<hbm>>
        tpu.enqueue_dma source(%dma_start3A_49 : memref<128xi32, #tpu.memory_space<hbm>>) target(%arg8 : memref<128xi32, #tpu.memory_space<vmem>>) target_semaphore(%run_scoped3A : memref<!tpu.dma_semaphore, #tpu.memory_space<semaphore_mem>>)
        %dma_wait3A_50 = tpu.memref_slice %arg4[%add3A_19] : memref<323584xi32, #tpu.memory_space<hbm>> -> memref<128xi32, #tpu.memory_space<hbm>>
        %dma_wait3A_51 = tpu.memref_slice %arg4[%add3A_19] : memref<323584xi32, #tpu.memory_space<hbm>> -> memref<128xi32, #tpu.memory_space<hbm>>
        tpu.wait_dma2 semaphore(%run_scoped3A : memref<!tpu.dma_semaphore, #tpu.memory_space<semaphore_mem>>) src(%dma_wait3A_51 : memref<128xi32, #tpu.memory_space<hbm>>) dst(%arg8 : memref<128xi32, #tpu.memory_space<vmem>>)
        tpu.yield
      }) : () -> ()
      "tpu.region"() ({
        %run_scoped3A = tpu.sem_alloc : memref<!tpu.dma_semaphore, #tpu.memory_space<semaphore_mem>>
        %dma_start3A_48 = tpu.memref_slice %arg5[%add3A_19] : memref<323584xi32, #tpu.memory_space<hbm>> -> memref<128xi32, #tpu.memory_space<hbm>>
        %dma_start3A_49 = tpu.memref_slice %arg5[%add3A_19] : memref<323584xi32, #tpu.memory_space<hbm>> -> memref<128xi32, #tpu.memory_space<hbm>>
        tpu.enqueue_dma source(%dma_start3A_49 : memref<128xi32, #tpu.memory_space<hbm>>) target(%arg9 : memref<128xi32, #tpu.memory_space<vmem>>) target_semaphore(%run_scoped3A : memref<!tpu.dma_semaphore, #tpu.memory_space<semaphore_mem>>)
        %dma_wait3A_50 = tpu.memref_slice %arg5[%add3A_19] : memref<323584xi32, #tpu.memory_space<hbm>> -> memref<128xi32, #tpu.memory_space<hbm>>
        %dma_wait3A_51 = tpu.memref_slice %arg5[%add3A_19] : memref<323584xi32, #tpu.memory_space<hbm>> -> memref<128xi32, #tpu.memory_space<hbm>>
        tpu.wait_dma2 semaphore(%run_scoped3A : memref<!tpu.dma_semaphore, #tpu.memory_space<semaphore_mem>>) src(%dma_wait3A_51 : memref<128xi32, #tpu.memory_space<hbm>>) dst(%arg9 : memref<128xi32, #tpu.memory_space<vmem>>)
        tpu.yield
      }) : () -> ()
      %dma_start3A = arith.constant 0 : i32
      %dma_start3A_20 = arith.constant 0 : i32
      %dma_start3A_21 = tpu.memref_slice %arg2[%dma_start3A, %dma_start3A_20] : memref<10000x128xf32, #tpu.memory_space<hbm>> -> memref<10000x128xf32, #tpu.memory_space<hbm>>
      tpu.enqueue_indirect_dma source(%dma_start3A_21 : memref<10000x128xf32, #tpu.memory_space<hbm>>) target(%arg10 : memref<128x128xf32, #tpu.memory_space<vmem>>) offsets(%arg8 : memref<128xi32, #tpu.memory_space<vmem>>) semaphore(%arg15 : memref<!tpu.dma_semaphore, #tpu.memory_space<semaphore_mem>>)
      %scan3A = arith.constant 0 : i32
      %scan3A_22 = arith.constant 0 : i32
      %scan3A_23 = arith.constant 78 : i32
      %scan3A_24 = arith.addi %scan3A_22, %scan3A_23 : i32
      %scan3A_25 = arith.constant 1 : i32
      scf.for %scan3A_48 = %scan3A_22 to %scan3A_24 step %scan3A_25  : i32 {
        %mul3A_49 = arith.constant 2 : i32
        %mul3A_50 = arith.muli %scan3A_48, %mul3A_49 : i32
        %add3A_51 = arith.constant 1 : i32
        %add3A_52 = arith.addi %mul3A_50, %add3A_51 : i32
        %mul3A_53 = arith.constant 128 : i32
        %mul3A_54 = arith.muli %add3A_52, %mul3A_53 : i32
        %add3A_55 = arith.addi %mul3A_2, %mul3A_54 : i32
        "tpu.region"() ({
          %run_scoped3A = tpu.sem_alloc : memref<!tpu.dma_semaphore, #tpu.memory_space<semaphore_mem>>
          %dma_start3A_73 = tpu.memref_slice %arg4[%add3A_55] : memref<323584xi32, #tpu.memory_space<hbm>> -> memref<128xi32, #tpu.memory_space<hbm>>
          %dma_start3A_74 = tpu.memref_slice %arg4[%add3A_55] : memref<323584xi32, #tpu.memory_space<hbm>> -> memref<128xi32, #tpu.memory_space<hbm>>
          tpu.enqueue_dma source(%dma_start3A_74 : memref<128xi32, #tpu.memory_space<hbm>>) target(%arg11 : memref<128xi32, #tpu.memory_space<vmem>>) target_semaphore(%run_scoped3A : memref<!tpu.dma_semaphore, #tpu.memory_space<semaphore_mem>>)
          %dma_wait3A_75 = tpu.memref_slice %arg4[%add3A_55] : memref<323584xi32, #tpu.memory_space<hbm>> -> memref<128xi32, #tpu.memory_space<hbm>>
          %dma_wait3A_76 = tpu.memref_slice %arg4[%add3A_55] : memref<323584xi32, #tpu.memory_space<hbm>> -> memref<128xi32, #tpu.memory_space<hbm>>
          tpu.wait_dma2 semaphore(%run_scoped3A : memref<!tpu.dma_semaphore, #tpu.memory_space<semaphore_mem>>) src(%dma_wait3A_76 : memref<128xi32, #tpu.memory_space<hbm>>) dst(%arg11 : memref<128xi32, #tpu.memory_space<vmem>>)
          tpu.yield
        }) : () -> ()
        "tpu.region"() ({
          %run_scoped3A = tpu.sem_alloc : memref<!tpu.dma_semaphore, #tpu.memory_space<semaphore_mem>>
          %dma_start3A_73 = tpu.memref_slice %arg5[%add3A_55] : memref<323584xi32, #tpu.memory_space<hbm>> -> memref<128xi32, #tpu.memory_space<hbm>>
          %dma_start3A_74 = tpu.memref_slice %arg5[%add3A_55] : memref<323584xi32, #tpu.memory_space<hbm>> -> memref<128xi32, #tpu.memory_space<hbm>>
          tpu.enqueue_dma source(%dma_start3A_74 : memref<128xi32, #tpu.memory_space<hbm>>) target(%arg12 : memref<128xi32, #tpu.memory_space<vmem>>) target_semaphore(%run_scoped3A : memref<!tpu.dma_semaphore, #tpu.memory_space<semaphore_mem>>)
          %dma_wait3A_75 = tpu.memref_slice %arg5[%add3A_55] : memref<323584xi32, #tpu.memory_space<hbm>> -> memref<128xi32, #tpu.memory_space<hbm>>
          %dma_wait3A_76 = tpu.memref_slice %arg5[%add3A_55] : memref<323584xi32, #tpu.memory_space<hbm>> -> memref<128xi32, #tpu.memory_space<hbm>>
          tpu.wait_dma2 semaphore(%run_scoped3A : memref<!tpu.dma_semaphore, #tpu.memory_space<semaphore_mem>>) src(%dma_wait3A_76 : memref<128xi32, #tpu.memory_space<hbm>>) dst(%arg12 : memref<128xi32, #tpu.memory_space<vmem>>)
          tpu.yield
        }) : () -> ()
        %dma_start3A_56 = arith.constant 0 : i32
        %dma_start3A_57 = arith.constant 0 : i32
        %dma_start3A_58 = tpu.memref_slice %arg2[%dma_start3A_56, %dma_start3A_57] : memref<10000x128xf32, #tpu.memory_space<hbm>> -> memref<10000x128xf32, #tpu.memory_space<hbm>>
        tpu.enqueue_indirect_dma source(%dma_start3A_58 : memref<10000x128xf32, #tpu.memory_space<hbm>>) target(%arg13 : memref<128x128xf32, #tpu.memory_space<vmem>>) offsets(%arg11 : memref<128xi32, #tpu.memory_space<vmem>>) semaphore(%arg16 : memref<!tpu.dma_semaphore, #tpu.memory_space<semaphore_mem>>)
        %dma_wait3A_59 = arith.constant 0 : i32
        %dma_wait3A_60 = arith.constant 0 : i32
        %dma_wait3A_61 = tpu.memref_slice %arg2[%dma_wait3A_59, %dma_wait3A_60] : memref<10000x128xf32, #tpu.memory_space<hbm>> -> memref<10000x128xf32, #tpu.memory_space<hbm>>
        tpu.wait_indirect_dma semaphore(%arg15 : memref<!tpu.dma_semaphore, #tpu.memory_space<semaphore_mem>>) src(%dma_wait3A_61 : memref<10000x128xf32, #tpu.memory_space<hbm>>) dst(%arg10 : memref<128x128xf32, #tpu.memory_space<vmem>>)
        "tpu.region"() ({
          %run_scoped3A = tpu.sem_alloc : memref<!tpu.dma_semaphore, #tpu.memory_space<semaphore_mem>>
          %dma_start3A_73 = arith.constant 0 : i32
          %dma_start3A_74 = arith.constant 0 : i32
          %dma_start3A_75 = tpu.memref_slice %arg14[%dma_start3A_73, %dma_start3A_74] : memref<10016x128xf32, #tpu.memory_space<vmem_shared>> -> memref<10016x128xf32, #tpu.memory_space<vmem_shared>>
          tpu.enqueue_indirect_dma source(%arg10 : memref<128x128xf32, #tpu.memory_space<vmem>>) target(%dma_start3A_75 : memref<10016x128xf32, #tpu.memory_space<vmem_shared>>) offsets(%arg9 : memref<128xi32, #tpu.memory_space<vmem>>) semaphore(%run_scoped3A : memref<!tpu.dma_semaphore, #tpu.memory_space<semaphore_mem>>) {add = true}
          %dma_wait3A_76 = arith.constant 0 : i32
          %dma_wait3A_77 = arith.constant 0 : i32
          %dma_wait3A_78 = tpu.memref_slice %arg14[%dma_wait3A_76, %dma_wait3A_77] : memref<10016x128xf32, #tpu.memory_space<vmem_shared>> -> memref<10016x128xf32, #tpu.memory_space<vmem_shared>>
          tpu.wait_indirect_dma semaphore(%run_scoped3A : memref<!tpu.dma_semaphore, #tpu.memory_space<semaphore_mem>>) src(%arg10 : memref<128x128xf32, #tpu.memory_space<vmem>>) dst(%dma_wait3A_78 : memref<10016x128xf32, #tpu.memory_space<vmem_shared>>)
          tpu.yield
        }) : () -> ()
        %add3A_62 = arith.constant 2 : i32
        %add3A_63 = arith.addi %mul3A_50, %add3A_62 : i32
        %mul3A_64 = arith.constant 128 : i32
        %mul3A_65 = arith.muli %add3A_63, %mul3A_64 : i32
        %add3A_66 = arith.addi %mul3A_2, %mul3A_65 : i32
        "tpu.region"() ({
          %run_scoped3A = tpu.sem_alloc : memref<!tpu.dma_semaphore, #tpu.memory_space<semaphore_mem>>
          %dma_start3A_73 = tpu.memref_slice %arg4[%add3A_66] : memref<323584xi32, #tpu.memory_space<hbm>> -> memref<128xi32, #tpu.memory_space<hbm>>
          %dma_start3A_74 = tpu.memref_slice %arg4[%add3A_66] : memref<323584xi32, #tpu.memory_space<hbm>> -> memref<128xi32, #tpu.memory_space<hbm>>
          tpu.enqueue_dma source(%dma_start3A_74 : memref<128xi32, #tpu.memory_space<hbm>>) target(%arg8 : memref<128xi32, #tpu.memory_space<vmem>>) target_semaphore(%run_scoped3A : memref<!tpu.dma_semaphore, #tpu.memory_space<semaphore_mem>>)
          %dma_wait3A_75 = tpu.memref_slice %arg4[%add3A_66] : memref<323584xi32, #tpu.memory_space<hbm>> -> memref<128xi32, #tpu.memory_space<hbm>>
          %dma_wait3A_76 = tpu.memref_slice %arg4[%add3A_66] : memref<323584xi32, #tpu.memory_space<hbm>> -> memref<128xi32, #tpu.memory_space<hbm>>
          tpu.wait_dma2 semaphore(%run_scoped3A : memref<!tpu.dma_semaphore, #tpu.memory_space<semaphore_mem>>) src(%dma_wait3A_76 : memref<128xi32, #tpu.memory_space<hbm>>) dst(%arg8 : memref<128xi32, #tpu.memory_space<vmem>>)
          tpu.yield
        }) : () -> ()
        "tpu.region"() ({
          %run_scoped3A = tpu.sem_alloc : memref<!tpu.dma_semaphore, #tpu.memory_space<semaphore_mem>>
          %dma_start3A_73 = tpu.memref_slice %arg5[%add3A_66] : memref<323584xi32, #tpu.memory_space<hbm>> -> memref<128xi32, #tpu.memory_space<hbm>>
          %dma_start3A_74 = tpu.memref_slice %arg5[%add3A_66] : memref<323584xi32, #tpu.memory_space<hbm>> -> memref<128xi32, #tpu.memory_space<hbm>>
          tpu.enqueue_dma source(%dma_start3A_74 : memref<128xi32, #tpu.memory_space<hbm>>) target(%arg9 : memref<128xi32, #tpu.memory_space<vmem>>) target_semaphore(%run_scoped3A : memref<!tpu.dma_semaphore, #tpu.memory_space<semaphore_mem>>)
          %dma_wait3A_75 = tpu.memref_slice %arg5[%add3A_66] : memref<323584xi32, #tpu.memory_space<hbm>> -> memref<128xi32, #tpu.memory_space<hbm>>
          %dma_wait3A_76 = tpu.memref_slice %arg5[%add3A_66] : memref<323584xi32, #tpu.memory_space<hbm>> -> memref<128xi32, #tpu.memory_space<hbm>>
          tpu.wait_dma2 semaphore(%run_scoped3A : memref<!tpu.dma_semaphore, #tpu.memory_space<semaphore_mem>>) src(%dma_wait3A_76 : memref<128xi32, #tpu.memory_space<hbm>>) dst(%arg9 : memref<128xi32, #tpu.memory_space<vmem>>)
          tpu.yield
        }) : () -> ()
        %dma_start3A_67 = arith.constant 0 : i32
        %dma_start3A_68 = arith.constant 0 : i32
        %dma_start3A_69 = tpu.memref_slice %arg2[%dma_start3A_67, %dma_start3A_68] : memref<10000x128xf32, #tpu.memory_space<hbm>> -> memref<10000x128xf32, #tpu.memory_space<hbm>>
        tpu.enqueue_indirect_dma source(%dma_start3A_69 : memref<10000x128xf32, #tpu.memory_space<hbm>>) target(%arg10 : memref<128x128xf32, #tpu.memory_space<vmem>>) offsets(%arg8 : memref<128xi32, #tpu.memory_space<vmem>>) semaphore(%arg15 : memref<!tpu.dma_semaphore, #tpu.memory_space<semaphore_mem>>)
        %dma_wait3A_70 = arith.constant 0 : i32
        %dma_wait3A_71 = arith.constant 0 : i32
        %dma_wait3A_72 = tpu.memref_slice %arg2[%dma_wait3A_70, %dma_wait3A_71] : memref<10000x128xf32, #tpu.memory_space<hbm>> -> memref<10000x128xf32, #tpu.memory_space<hbm>>
        tpu.wait_indirect_dma semaphore(%arg16 : memref<!tpu.dma_semaphore, #tpu.memory_space<semaphore_mem>>) src(%dma_wait3A_72 : memref<10000x128xf32, #tpu.memory_space<hbm>>) dst(%arg13 : memref<128x128xf32, #tpu.memory_space<vmem>>)
        "tpu.region"() ({
          %run_scoped3A = tpu.sem_alloc : memref<!tpu.dma_semaphore, #tpu.memory_space<semaphore_mem>>
          %dma_start3A_73 = arith.constant 0 : i32
          %dma_start3A_74 = arith.constant 0 : i32
          %dma_start3A_75 = tpu.memref_slice %arg14[%dma_start3A_73, %dma_start3A_74] : memref<10016x128xf32, #tpu.memory_space<vmem_shared>> -> memref<10016x128xf32, #tpu.memory_space<vmem_shared>>
          tpu.enqueue_indirect_dma source(%arg13 : memref<128x128xf32, #tpu.memory_space<vmem>>) target(%dma_start3A_75 : memref<10016x128xf32, #tpu.memory_space<vmem_shared>>) offsets(%arg12 : memref<128xi32, #tpu.memory_space<vmem>>) semaphore(%run_scoped3A : memref<!tpu.dma_semaphore, #tpu.memory_space<semaphore_mem>>) {add = true}
          %dma_wait3A_76 = arith.constant 0 : i32
          %dma_wait3A_77 = arith.constant 0 : i32
          %dma_wait3A_78 = tpu.memref_slice %arg14[%dma_wait3A_76, %dma_wait3A_77] : memref<10016x128xf32, #tpu.memory_space<vmem_shared>> -> memref<10016x128xf32, #tpu.memory_space<vmem_shared>>
          tpu.wait_indirect_dma semaphore(%run_scoped3A : memref<!tpu.dma_semaphore, #tpu.memory_space<semaphore_mem>>) src(%arg13 : memref<128x128xf32, #tpu.memory_space<vmem>>) dst(%dma_wait3A_78 : memref<10016x128xf32, #tpu.memory_space<vmem_shared>>)
          tpu.yield
        }) : () -> ()
      }
      %scan3A_26 = arith.constant 78 : i32
      %add3A_27 = arith.constant 20096 : i32
      %add3A_28 = arith.addi %mul3A_2, %add3A_27 : i32
      "tpu.region"() ({
        %run_scoped3A = tpu.sem_alloc : memref<!tpu.dma_semaphore, #tpu.memory_space<semaphore_mem>>
        %dma_start3A_48 = tpu.memref_slice %arg4[%add3A_28] : memref<323584xi32, #tpu.memory_space<hbm>> -> memref<128xi32, #tpu.memory_space<hbm>>
        %dma_start3A_49 = tpu.memref_slice %arg4[%add3A_28] : memref<323584xi32, #tpu.memory_space<hbm>> -> memref<128xi32, #tpu.memory_space<hbm>>
        tpu.enqueue_dma source(%dma_start3A_49 : memref<128xi32, #tpu.memory_space<hbm>>) target(%arg11 : memref<128xi32, #tpu.memory_space<vmem>>) target_semaphore(%run_scoped3A : memref<!tpu.dma_semaphore, #tpu.memory_space<semaphore_mem>>)
        %dma_wait3A_50 = tpu.memref_slice %arg4[%add3A_28] : memref<323584xi32, #tpu.memory_space<hbm>> -> memref<128xi32, #tpu.memory_space<hbm>>
        %dma_wait3A_51 = tpu.memref_slice %arg4[%add3A_28] : memref<323584xi32, #tpu.memory_space<hbm>> -> memref<128xi32, #tpu.memory_space<hbm>>
        tpu.wait_dma2 semaphore(%run_scoped3A : memref<!tpu.dma_semaphore, #tpu.memory_space<semaphore_mem>>) src(%dma_wait3A_51 : memref<128xi32, #tpu.memory_space<hbm>>) dst(%arg11 : memref<128xi32, #tpu.memory_space<vmem>>)
        tpu.yield
      }) : () -> ()
      "tpu.region"() ({
        %run_scoped3A = tpu.sem_alloc : memref<!tpu.dma_semaphore, #tpu.memory_space<semaphore_mem>>
        %dma_start3A_48 = tpu.memref_slice %arg5[%add3A_28] : memref<323584xi32, #tpu.memory_space<hbm>> -> memref<128xi32, #tpu.memory_space<hbm>>
        %dma_start3A_49 = tpu.memref_slice %arg5[%add3A_28] : memref<323584xi32, #tpu.memory_space<hbm>> -> memref<128xi32, #tpu.memory_space<hbm>>
        tpu.enqueue_dma source(%dma_start3A_49 : memref<128xi32, #tpu.memory_space<hbm>>) target(%arg12 : memref<128xi32, #tpu.memory_space<vmem>>) target_semaphore(%run_scoped3A : memref<!tpu.dma_semaphore, #tpu.memory_space<semaphore_mem>>)
        %dma_wait3A_50 = tpu.memref_slice %arg5[%add3A_28] : memref<323584xi32, #tpu.memory_space<hbm>> -> memref<128xi32, #tpu.memory_space<hbm>>
        %dma_wait3A_51 = tpu.memref_slice %arg5[%add3A_28] : memref<323584xi32, #tpu.memory_space<hbm>> -> memref<128xi32, #tpu.memory_space<hbm>>
        tpu.wait_dma2 semaphore(%run_scoped3A : memref<!tpu.dma_semaphore, #tpu.memory_space<semaphore_mem>>) src(%dma_wait3A_51 : memref<128xi32, #tpu.memory_space<hbm>>) dst(%arg12 : memref<128xi32, #tpu.memory_space<vmem>>)
        tpu.yield
      }) : () -> ()
      %dma_start3A_29 = arith.constant 0 : i32
      %dma_start3A_30 = arith.constant 0 : i32
      %dma_start3A_31 = tpu.memref_slice %arg2[%dma_start3A_29, %dma_start3A_30] : memref<10000x128xf32, #tpu.memory_space<hbm>> -> memref<10000x128xf32, #tpu.memory_space<hbm>>
      tpu.enqueue_indirect_dma source(%dma_start3A_31 : memref<10000x128xf32, #tpu.memory_space<hbm>>) target(%arg13 : memref<128x128xf32, #tpu.memory_space<vmem>>) offsets(%arg11 : memref<128xi32, #tpu.memory_space<vmem>>) semaphore(%arg16 : memref<!tpu.dma_semaphore, #tpu.memory_space<semaphore_mem>>)
      %dma_wait3A = arith.constant 0 : i32
      %dma_wait3A_32 = arith.constant 0 : i32
      %dma_wait3A_33 = tpu.memref_slice %arg2[%dma_wait3A, %dma_wait3A_32] : memref<10000x128xf32, #tpu.memory_space<hbm>> -> memref<10000x128xf32, #tpu.memory_space<hbm>>
      tpu.wait_indirect_dma semaphore(%arg15 : memref<!tpu.dma_semaphore, #tpu.memory_space<semaphore_mem>>) src(%dma_wait3A_33 : memref<10000x128xf32, #tpu.memory_space<hbm>>) dst(%arg10 : memref<128x128xf32, #tpu.memory_space<vmem>>)
      "tpu.region"() ({
        %run_scoped3A = tpu.sem_alloc : memref<!tpu.dma_semaphore, #tpu.memory_space<semaphore_mem>>
        %dma_start3A_48 = arith.constant 0 : i32
        %dma_start3A_49 = arith.constant 0 : i32
        %dma_start3A_50 = tpu.memref_slice %arg14[%dma_start3A_48, %dma_start3A_49] : memref<10016x128xf32, #tpu.memory_space<vmem_shared>> -> memref<10016x128xf32, #tpu.memory_space<vmem_shared>>
        tpu.enqueue_indirect_dma source(%arg10 : memref<128x128xf32, #tpu.memory_space<vmem>>) target(%dma_start3A_50 : memref<10016x128xf32, #tpu.memory_space<vmem_shared>>) offsets(%arg9 : memref<128xi32, #tpu.memory_space<vmem>>) semaphore(%run_scoped3A : memref<!tpu.dma_semaphore, #tpu.memory_space<semaphore_mem>>) {add = true}
        %dma_wait3A_51 = arith.constant 0 : i32
        %dma_wait3A_52 = arith.constant 0 : i32
        %dma_wait3A_53 = tpu.memref_slice %arg14[%dma_wait3A_51, %dma_wait3A_52] : memref<10016x128xf32, #tpu.memory_space<vmem_shared>> -> memref<10016x128xf32, #tpu.memory_space<vmem_shared>>
        tpu.wait_indirect_dma semaphore(%run_scoped3A : memref<!tpu.dma_semaphore, #tpu.memory_space<semaphore_mem>>) src(%arg10 : memref<128x128xf32, #tpu.memory_space<vmem>>) dst(%dma_wait3A_53 : memref<10016x128xf32, #tpu.memory_space<vmem_shared>>)
        tpu.yield
      }) : () -> ()
      %dma_wait3A_34 = arith.constant 0 : i32
      %dma_wait3A_35 = arith.constant 0 : i32
      %dma_wait3A_36 = tpu.memref_slice %arg2[%dma_wait3A_34, %dma_wait3A_35] : memref<10000x128xf32, #tpu.memory_space<hbm>> -> memref<10000x128xf32, #tpu.memory_space<hbm>>
      tpu.wait_indirect_dma semaphore(%arg16 : memref<!tpu.dma_semaphore, #tpu.memory_space<semaphore_mem>>) src(%dma_wait3A_36 : memref<10000x128xf32, #tpu.memory_space<hbm>>) dst(%arg13 : memref<128x128xf32, #tpu.memory_space<vmem>>)
      "tpu.region"() ({
        %run_scoped3A = tpu.sem_alloc : memref<!tpu.dma_semaphore, #tpu.memory_space<semaphore_mem>>
        %dma_start3A_48 = arith.constant 0 : i32
        %dma_start3A_49 = arith.constant 0 : i32
        %dma_start3A_50 = tpu.memref_slice %arg14[%dma_start3A_48, %dma_start3A_49] : memref<10016x128xf32, #tpu.memory_space<vmem_shared>> -> memref<10016x128xf32, #tpu.memory_space<vmem_shared>>
        tpu.enqueue_indirect_dma source(%arg13 : memref<128x128xf32, #tpu.memory_space<vmem>>) target(%dma_start3A_50 : memref<10016x128xf32, #tpu.memory_space<vmem_shared>>) offsets(%arg12 : memref<128xi32, #tpu.memory_space<vmem>>) semaphore(%run_scoped3A : memref<!tpu.dma_semaphore, #tpu.memory_space<semaphore_mem>>) {add = true}
        %dma_wait3A_51 = arith.constant 0 : i32
        %dma_wait3A_52 = arith.constant 0 : i32
        %dma_wait3A_53 = tpu.memref_slice %arg14[%dma_wait3A_51, %dma_wait3A_52] : memref<10016x128xf32, #tpu.memory_space<vmem_shared>> -> memref<10016x128xf32, #tpu.memory_space<vmem_shared>>
        tpu.wait_indirect_dma semaphore(%run_scoped3A : memref<!tpu.dma_semaphore, #tpu.memory_space<semaphore_mem>>) src(%arg13 : memref<128x128xf32, #tpu.memory_space<vmem>>) dst(%dma_wait3A_53 : memref<10016x128xf32, #tpu.memory_space<vmem_shared>>)
        tpu.yield
      }) : () -> ()
      %barrier3A_37 = arith.constant 0 : index
      tpu.barrier barrier_id(%barrier3A_37)
      %lt3A_38 = arith.constant 15 : i32
      %lt3A_39 = arith.cmpi slt, %arg1, %lt3A_38 : i32
      %convert_element_type3A_40 = arith.extui %lt3A_39 : i1 to i32
      %cond3A_41 = arith.constant 0 : i32
      %cond3A_42 = arith.cmpi ne, %convert_element_type3A_40, %cond3A_41 : i32
      scf.if %cond3A_42 {
        "tpu.region"() ({
          %run_scoped3A = tpu.sem_alloc : memref<!tpu.dma_semaphore, #tpu.memory_space<semaphore_mem>>
          %dma_start3A_48 = arith.constant 0 : i32
          %dma_start3A_49 = tpu.memref_slice %arg6[%mul3A_0, %dma_start3A_48] : memref<10000x128xf32, #tpu.memory_space<hbm>> -> memref<624x128xf32, #tpu.memory_space<hbm>>
          %dma_start3A_50 = arith.constant 0 : i32
          %dma_start3A_51 = tpu.memref_slice %arg14[%mul3A_0, %dma_start3A_50] : memref<10016x128xf32, #tpu.memory_space<vmem_shared>> -> memref<624x128xf32, #tpu.memory_space<vmem_shared>>
          tpu.enqueue_dma source(%dma_start3A_51 : memref<624x128xf32, #tpu.memory_space<vmem_shared>>) target(%dma_start3A_49 : memref<624x128xf32, #tpu.memory_space<hbm>>) target_semaphore(%run_scoped3A : memref<!tpu.dma_semaphore, #tpu.memory_space<semaphore_mem>>)
          %dma_wait3A_52 = arith.constant 0 : i32
          %dma_wait3A_53 = tpu.memref_slice %arg6[%mul3A_0, %dma_wait3A_52] : memref<10000x128xf32, #tpu.memory_space<hbm>> -> memref<624x128xf32, #tpu.memory_space<hbm>>
          %dma_wait3A_54 = arith.constant 0 : i32
          %dma_wait3A_55 = tpu.memref_slice %arg14[%mul3A_0, %dma_wait3A_54] : memref<10016x128xf32, #tpu.memory_space<vmem_shared>> -> memref<624x128xf32, #tpu.memory_space<vmem_shared>>
          tpu.wait_dma2 semaphore(%run_scoped3A : memref<!tpu.dma_semaphore, #tpu.memory_space<semaphore_mem>>) src(%dma_wait3A_55 : memref<624x128xf32, #tpu.memory_space<vmem_shared>>) dst(%dma_wait3A_53 : memref<624x128xf32, #tpu.memory_space<hbm>>)
          tpu.yield
        }) : () -> ()
      } else {
      }
      %eq3A_43 = arith.constant 15 : i32
      %eq3A_44 = arith.cmpi eq, %arg1, %eq3A_43 : i32
      %convert_element_type3A_45 = arith.extui %eq3A_44 : i1 to i32
      %cond3A_46 = arith.constant 0 : i32
      %cond3A_47 = arith.cmpi ne, %convert_element_type3A_45, %cond3A_46 : i32
      scf.if %cond3A_47 {
        "tpu.region"() ({
          %run_scoped3A = tpu.sem_alloc : memref<!tpu.dma_semaphore, #tpu.memory_space<semaphore_mem>>
          %dma_start3A_48 = arith.constant 0 : i32
          %dma_start3A_49 = tpu.memref_slice %arg6[%mul3A_0, %dma_start3A_48] : memref<10000x128xf32, #tpu.memory_space<hbm>> -> memref<640x128xf32, #tpu.memory_space<hbm>>
          %dma_start3A_50 = arith.constant 0 : i32
          %dma_start3A_51 = tpu.memref_slice %arg14[%mul3A_0, %dma_start3A_50] : memref<10016x128xf32, #tpu.memory_space<vmem_shared>> -> memref<640x128xf32, #tpu.memory_space<vmem_shared>>
          tpu.enqueue_dma source(%dma_start3A_51 : memref<640x128xf32, #tpu.memory_space<vmem_shared>>) target(%dma_start3A_49 : memref<640x128xf32, #tpu.memory_space<hbm>>) target_semaphore(%run_scoped3A : memref<!tpu.dma_semaphore, #tpu.memory_space<semaphore_mem>>)
          %dma_wait3A_52 = arith.constant 0 : i32
          %dma_wait3A_53 = tpu.memref_slice %arg6[%mul3A_0, %dma_wait3A_52] : memref<10000x128xf32, #tpu.memory_space<hbm>> -> memref<640x128xf32, #tpu.memory_space<hbm>>
          %dma_wait3A_54 = arith.constant 0 : i32
          %dma_wait3A_55 = tpu.memref_slice %arg14[%mul3A_0, %dma_wait3A_54] : memref<10016x128xf32, #tpu.memory_space<vmem_shared>> -> memref<640x128xf32, #tpu.memory_space<vmem_shared>>
          tpu.wait_dma2 semaphore(%run_scoped3A : memref<!tpu.dma_semaphore, #tpu.memory_space<semaphore_mem>>) src(%dma_wait3A_55 : memref<640x128xf32, #tpu.memory_space<vmem_shared>>) dst(%dma_wait3A_53 : memref<640x128xf32, #tpu.memory_space<hbm>>)
          tpu.yield
        }) : () -> ()
      } else {
      }
    } else {
    }
    %eq3A_5 = arith.constant 1 : i32
    %eq3A_6 = arith.cmpi eq, %arg0, %eq3A_5 : i32
    %convert_element_type3A_7 = arith.extui %eq3A_6 : i1 to i32
    %cond3A_8 = arith.constant 0 : i32
    %cond3A_9 = arith.cmpi ne, %convert_element_type3A_7, %cond3A_8 : i32
    scf.if %cond3A_9 {
      %lt3A = arith.constant 15 : i32
      %lt3A_10 = arith.cmpi slt, %arg1, %lt3A : i32
      %convert_element_type3A_11 = arith.extui %lt3A_10 : i1 to i32
      %cond3A_12 = arith.constant 0 : i32
      %cond3A_13 = arith.cmpi ne, %convert_element_type3A_11, %cond3A_12 : i32
      scf.if %cond3A_13 {
        "tpu.region"() ({
          %run_scoped3A = tpu.sem_alloc : memref<!tpu.dma_semaphore, #tpu.memory_space<semaphore_mem>>
          %dma_start3A_48 = arith.constant 0 : i32
          %dma_start3A_49 = tpu.memref_slice %arg14[%mul3A_0, %dma_start3A_48] : memref<10016x128xf32, #tpu.memory_space<vmem_shared>> -> memref<624x128xf32, #tpu.memory_space<vmem_shared>>
          %dma_start3A_50 = arith.constant 0 : i32
          %dma_start3A_51 = tpu.memref_slice %arg3[%mul3A_0, %dma_start3A_50] : memref<10000x128xf32, #tpu.memory_space<hbm>> -> memref<624x128xf32, #tpu.memory_space<hbm>>
          tpu.enqueue_dma source(%dma_start3A_51 : memref<624x128xf32, #tpu.memory_space<hbm>>) target(%dma_start3A_49 : memref<624x128xf32, #tpu.memory_space<vmem_shared>>) target_semaphore(%run_scoped3A : memref<!tpu.dma_semaphore, #tpu.memory_space<semaphore_mem>>)
          %dma_wait3A_52 = arith.constant 0 : i32
          %dma_wait3A_53 = tpu.memref_slice %arg14[%mul3A_0, %dma_wait3A_52] : memref<10016x128xf32, #tpu.memory_space<vmem_shared>> -> memref<624x128xf32, #tpu.memory_space<vmem_shared>>
          %dma_wait3A_54 = arith.constant 0 : i32
          %dma_wait3A_55 = tpu.memref_slice %arg3[%mul3A_0, %dma_wait3A_54] : memref<10000x128xf32, #tpu.memory_space<hbm>> -> memref<624x128xf32, #tpu.memory_space<hbm>>
          tpu.wait_dma2 semaphore(%run_scoped3A : memref<!tpu.dma_semaphore, #tpu.memory_space<semaphore_mem>>) src(%dma_wait3A_55 : memref<624x128xf32, #tpu.memory_space<hbm>>) dst(%dma_wait3A_53 : memref<624x128xf32, #tpu.memory_space<vmem_shared>>)
          tpu.yield
        }) : () -> ()
      } else {
      }
      %eq3A_14 = arith.constant 15 : i32
      %eq3A_15 = arith.cmpi eq, %arg1, %eq3A_14 : i32
      %convert_element_type3A_16 = arith.extui %eq3A_15 : i1 to i32
      %cond3A_17 = arith.constant 0 : i32
      %cond3A_18 = arith.cmpi ne, %convert_element_type3A_16, %cond3A_17 : i32
      scf.if %cond3A_18 {
        "tpu.region"() ({
          %run_scoped3A = tpu.sem_alloc : memref<!tpu.dma_semaphore, #tpu.memory_space<semaphore_mem>>
          %dma_start3A_48 = arith.constant 0 : i32
          %dma_start3A_49 = tpu.memref_slice %arg14[%mul3A_0, %dma_start3A_48] : memref<10016x128xf32, #tpu.memory_space<vmem_shared>> -> memref<640x128xf32, #tpu.memory_space<vmem_shared>>
          %dma_start3A_50 = arith.constant 0 : i32
          %dma_start3A_51 = tpu.memref_slice %arg3[%mul3A_0, %dma_start3A_50] : memref<10000x128xf32, #tpu.memory_space<hbm>> -> memref<640x128xf32, #tpu.memory_space<hbm>>
          tpu.enqueue_dma source(%dma_start3A_51 : memref<640x128xf32, #tpu.memory_space<hbm>>) target(%dma_start3A_49 : memref<640x128xf32, #tpu.memory_space<vmem_shared>>) target_semaphore(%run_scoped3A : memref<!tpu.dma_semaphore, #tpu.memory_space<semaphore_mem>>)
          %dma_wait3A_52 = arith.constant 0 : i32
          %dma_wait3A_53 = tpu.memref_slice %arg14[%mul3A_0, %dma_wait3A_52] : memref<10016x128xf32, #tpu.memory_space<vmem_shared>> -> memref<640x128xf32, #tpu.memory_space<vmem_shared>>
          %dma_wait3A_54 = arith.constant 0 : i32
          %dma_wait3A_55 = tpu.memref_slice %arg3[%mul3A_0, %dma_wait3A_54] : memref<10000x128xf32, #tpu.memory_space<hbm>> -> memref<640x128xf32, #tpu.memory_space<hbm>>
          tpu.wait_dma2 semaphore(%run_scoped3A : memref<!tpu.dma_semaphore, #tpu.memory_space<semaphore_mem>>) src(%dma_wait3A_55 : memref<640x128xf32, #tpu.memory_space<hbm>>) dst(%dma_wait3A_53 : memref<640x128xf32, #tpu.memory_space<vmem_shared>>)
          tpu.yield
        }) : () -> ()
      } else {
      }
      %barrier3A = arith.constant 0 : index
      tpu.barrier barrier_id(%barrier3A)
      %add3A = arith.constant 0 : i32
      %add3A_19 = arith.addi %mul3A_2, %add3A : i32
      "tpu.region"() ({
        %run_scoped3A = tpu.sem_alloc : memref<!tpu.dma_semaphore, #tpu.memory_space<semaphore_mem>>
        %dma_start3A_48 = tpu.memref_slice %arg4[%add3A_19] : memref<323584xi32, #tpu.memory_space<hbm>> -> memref<128xi32, #tpu.memory_space<hbm>>
        %dma_start3A_49 = tpu.memref_slice %arg4[%add3A_19] : memref<323584xi32, #tpu.memory_space<hbm>> -> memref<128xi32, #tpu.memory_space<hbm>>
        tpu.enqueue_dma source(%dma_start3A_49 : memref<128xi32, #tpu.memory_space<hbm>>) target(%arg8 : memref<128xi32, #tpu.memory_space<vmem>>) target_semaphore(%run_scoped3A : memref<!tpu.dma_semaphore, #tpu.memory_space<semaphore_mem>>)
        %dma_wait3A_50 = tpu.memref_slice %arg4[%add3A_19] : memref<323584xi32, #tpu.memory_space<hbm>> -> memref<128xi32, #tpu.memory_space<hbm>>
        %dma_wait3A_51 = tpu.memref_slice %arg4[%add3A_19] : memref<323584xi32, #tpu.memory_space<hbm>> -> memref<128xi32, #tpu.memory_space<hbm>>
        tpu.wait_dma2 semaphore(%run_scoped3A : memref<!tpu.dma_semaphore, #tpu.memory_space<semaphore_mem>>) src(%dma_wait3A_51 : memref<128xi32, #tpu.memory_space<hbm>>) dst(%arg8 : memref<128xi32, #tpu.memory_space<vmem>>)
        tpu.yield
      }) : () -> ()
      "tpu.region"() ({
        %run_scoped3A = tpu.sem_alloc : memref<!tpu.dma_semaphore, #tpu.memory_space<semaphore_mem>>
        %dma_start3A_48 = tpu.memref_slice %arg5[%add3A_19] : memref<323584xi32, #tpu.memory_space<hbm>> -> memref<128xi32, #tpu.memory_space<hbm>>
        %dma_start3A_49 = tpu.memref_slice %arg5[%add3A_19] : memref<323584xi32, #tpu.memory_space<hbm>> -> memref<128xi32, #tpu.memory_space<hbm>>
        tpu.enqueue_dma source(%dma_start3A_49 : memref<128xi32, #tpu.memory_space<hbm>>) target(%arg9 : memref<128xi32, #tpu.memory_space<vmem>>) target_semaphore(%run_scoped3A : memref<!tpu.dma_semaphore, #tpu.memory_space<semaphore_mem>>)
        %dma_wait3A_50 = tpu.memref_slice %arg5[%add3A_19] : memref<323584xi32, #tpu.memory_space<hbm>> -> memref<128xi32, #tpu.memory_space<hbm>>
        %dma_wait3A_51 = tpu.memref_slice %arg5[%add3A_19] : memref<323584xi32, #tpu.memory_space<hbm>> -> memref<128xi32, #tpu.memory_space<hbm>>
        tpu.wait_dma2 semaphore(%run_scoped3A : memref<!tpu.dma_semaphore, #tpu.memory_space<semaphore_mem>>) src(%dma_wait3A_51 : memref<128xi32, #tpu.memory_space<hbm>>) dst(%arg9 : memref<128xi32, #tpu.memory_space<vmem>>)
        tpu.yield
      }) : () -> ()
      %dma_start3A = arith.constant 0 : i32
      %dma_start3A_20 = arith.constant 0 : i32
      %dma_start3A_21 = tpu.memref_slice %arg3[%dma_start3A, %dma_start3A_20] : memref<10000x128xf32, #tpu.memory_space<hbm>> -> memref<10000x128xf32, #tpu.memory_space<hbm>>
      tpu.enqueue_indirect_dma source(%dma_start3A_21 : memref<10000x128xf32, #tpu.memory_space<hbm>>) target(%arg10 : memref<128x128xf32, #tpu.memory_space<vmem>>) offsets(%arg8 : memref<128xi32, #tpu.memory_space<vmem>>) semaphore(%arg15 : memref<!tpu.dma_semaphore, #tpu.memory_space<semaphore_mem>>)
      %scan3A = arith.constant 0 : i32
      %scan3A_22 = arith.constant 0 : i32
      %scan3A_23 = arith.constant 78 : i32
      %scan3A_24 = arith.addi %scan3A_22, %scan3A_23 : i32
      %scan3A_25 = arith.constant 1 : i32
      scf.for %scan3A_48 = %scan3A_22 to %scan3A_24 step %scan3A_25  : i32 {
        %mul3A_49 = arith.constant 2 : i32
        %mul3A_50 = arith.muli %scan3A_48, %mul3A_49 : i32
        %add3A_51 = arith.constant 1 : i32
        %add3A_52 = arith.addi %mul3A_50, %add3A_51 : i32
        %mul3A_53 = arith.constant 128 : i32
        %mul3A_54 = arith.muli %add3A_52, %mul3A_53 : i32
        %add3A_55 = arith.addi %mul3A_2, %mul3A_54 : i32
        "tpu.region"() ({
          %run_scoped3A = tpu.sem_alloc : memref<!tpu.dma_semaphore, #tpu.memory_space<semaphore_mem>>
          %dma_start3A_73 = tpu.memref_slice %arg4[%add3A_55] : memref<323584xi32, #tpu.memory_space<hbm>> -> memref<128xi32, #tpu.memory_space<hbm>>
          %dma_start3A_74 = tpu.memref_slice %arg4[%add3A_55] : memref<323584xi32, #tpu.memory_space<hbm>> -> memref<128xi32, #tpu.memory_space<hbm>>
          tpu.enqueue_dma source(%dma_start3A_74 : memref<128xi32, #tpu.memory_space<hbm>>) target(%arg11 : memref<128xi32, #tpu.memory_space<vmem>>) target_semaphore(%run_scoped3A : memref<!tpu.dma_semaphore, #tpu.memory_space<semaphore_mem>>)
          %dma_wait3A_75 = tpu.memref_slice %arg4[%add3A_55] : memref<323584xi32, #tpu.memory_space<hbm>> -> memref<128xi32, #tpu.memory_space<hbm>>
          %dma_wait3A_76 = tpu.memref_slice %arg4[%add3A_55] : memref<323584xi32, #tpu.memory_space<hbm>> -> memref<128xi32, #tpu.memory_space<hbm>>
          tpu.wait_dma2 semaphore(%run_scoped3A : memref<!tpu.dma_semaphore, #tpu.memory_space<semaphore_mem>>) src(%dma_wait3A_76 : memref<128xi32, #tpu.memory_space<hbm>>) dst(%arg11 : memref<128xi32, #tpu.memory_space<vmem>>)
          tpu.yield
        }) : () -> ()
        "tpu.region"() ({
          %run_scoped3A = tpu.sem_alloc : memref<!tpu.dma_semaphore, #tpu.memory_space<semaphore_mem>>
          %dma_start3A_73 = tpu.memref_slice %arg5[%add3A_55] : memref<323584xi32, #tpu.memory_space<hbm>> -> memref<128xi32, #tpu.memory_space<hbm>>
          %dma_start3A_74 = tpu.memref_slice %arg5[%add3A_55] : memref<323584xi32, #tpu.memory_space<hbm>> -> memref<128xi32, #tpu.memory_space<hbm>>
          tpu.enqueue_dma source(%dma_start3A_74 : memref<128xi32, #tpu.memory_space<hbm>>) target(%arg12 : memref<128xi32, #tpu.memory_space<vmem>>) target_semaphore(%run_scoped3A : memref<!tpu.dma_semaphore, #tpu.memory_space<semaphore_mem>>)
          %dma_wait3A_75 = tpu.memref_slice %arg5[%add3A_55] : memref<323584xi32, #tpu.memory_space<hbm>> -> memref<128xi32, #tpu.memory_space<hbm>>
          %dma_wait3A_76 = tpu.memref_slice %arg5[%add3A_55] : memref<323584xi32, #tpu.memory_space<hbm>> -> memref<128xi32, #tpu.memory_space<hbm>>
          tpu.wait_dma2 semaphore(%run_scoped3A : memref<!tpu.dma_semaphore, #tpu.memory_space<semaphore_mem>>) src(%dma_wait3A_76 : memref<128xi32, #tpu.memory_space<hbm>>) dst(%arg12 : memref<128xi32, #tpu.memory_space<vmem>>)
          tpu.yield
        }) : () -> ()
        %dma_start3A_56 = arith.constant 0 : i32
        %dma_start3A_57 = arith.constant 0 : i32
        %dma_start3A_58 = tpu.memref_slice %arg3[%dma_start3A_56, %dma_start3A_57] : memref<10000x128xf32, #tpu.memory_space<hbm>> -> memref<10000x128xf32, #tpu.memory_space<hbm>>
        tpu.enqueue_indirect_dma source(%dma_start3A_58 : memref<10000x128xf32, #tpu.memory_space<hbm>>) target(%arg13 : memref<128x128xf32, #tpu.memory_space<vmem>>) offsets(%arg11 : memref<128xi32, #tpu.memory_space<vmem>>) semaphore(%arg16 : memref<!tpu.dma_semaphore, #tpu.memory_space<semaphore_mem>>)
        %dma_wait3A_59 = arith.constant 0 : i32
        %dma_wait3A_60 = arith.constant 0 : i32
        %dma_wait3A_61 = tpu.memref_slice %arg3[%dma_wait3A_59, %dma_wait3A_60] : memref<10000x128xf32, #tpu.memory_space<hbm>> -> memref<10000x128xf32, #tpu.memory_space<hbm>>
        tpu.wait_indirect_dma semaphore(%arg15 : memref<!tpu.dma_semaphore, #tpu.memory_space<semaphore_mem>>) src(%dma_wait3A_61 : memref<10000x128xf32, #tpu.memory_space<hbm>>) dst(%arg10 : memref<128x128xf32, #tpu.memory_space<vmem>>)
        "tpu.region"() ({
          %run_scoped3A = tpu.sem_alloc : memref<!tpu.dma_semaphore, #tpu.memory_space<semaphore_mem>>
          %dma_start3A_73 = arith.constant 0 : i32
          %dma_start3A_74 = arith.constant 0 : i32
          %dma_start3A_75 = tpu.memref_slice %arg14[%dma_start3A_73, %dma_start3A_74] : memref<10016x128xf32, #tpu.memory_space<vmem_shared>> -> memref<10016x128xf32, #tpu.memory_space<vmem_shared>>
          tpu.enqueue_indirect_dma source(%arg10 : memref<128x128xf32, #tpu.memory_space<vmem>>) target(%dma_start3A_75 : memref<10016x128xf32, #tpu.memory_space<vmem_shared>>) offsets(%arg9 : memref<128xi32, #tpu.memory_space<vmem>>) semaphore(%run_scoped3A : memref<!tpu.dma_semaphore, #tpu.memory_space<semaphore_mem>>) {add = true}
          %dma_wait3A_76 = arith.constant 0 : i32
          %dma_wait3A_77 = arith.constant 0 : i32
          %dma_wait3A_78 = tpu.memref_slice %arg14[%dma_wait3A_76, %dma_wait3A_77] : memref<10016x128xf32, #tpu.memory_space<vmem_shared>> -> memref<10016x128xf32, #tpu.memory_space<vmem_shared>>
          tpu.wait_indirect_dma semaphore(%run_scoped3A : memref<!tpu.dma_semaphore, #tpu.memory_space<semaphore_mem>>) src(%arg10 : memref<128x128xf32, #tpu.memory_space<vmem>>) dst(%dma_wait3A_78 : memref<10016x128xf32, #tpu.memory_space<vmem_shared>>)
          tpu.yield
        }) : () -> ()
        %add3A_62 = arith.constant 2 : i32
        %add3A_63 = arith.addi %mul3A_50, %add3A_62 : i32
        %mul3A_64 = arith.constant 128 : i32
        %mul3A_65 = arith.muli %add3A_63, %mul3A_64 : i32
        %add3A_66 = arith.addi %mul3A_2, %mul3A_65 : i32
        "tpu.region"() ({
          %run_scoped3A = tpu.sem_alloc : memref<!tpu.dma_semaphore, #tpu.memory_space<semaphore_mem>>
          %dma_start3A_73 = tpu.memref_slice %arg4[%add3A_66] : memref<323584xi32, #tpu.memory_space<hbm>> -> memref<128xi32, #tpu.memory_space<hbm>>
          %dma_start3A_74 = tpu.memref_slice %arg4[%add3A_66] : memref<323584xi32, #tpu.memory_space<hbm>> -> memref<128xi32, #tpu.memory_space<hbm>>
          tpu.enqueue_dma source(%dma_start3A_74 : memref<128xi32, #tpu.memory_space<hbm>>) target(%arg8 : memref<128xi32, #tpu.memory_space<vmem>>) target_semaphore(%run_scoped3A : memref<!tpu.dma_semaphore, #tpu.memory_space<semaphore_mem>>)
          %dma_wait3A_75 = tpu.memref_slice %arg4[%add3A_66] : memref<323584xi32, #tpu.memory_space<hbm>> -> memref<128xi32, #tpu.memory_space<hbm>>
          %dma_wait3A_76 = tpu.memref_slice %arg4[%add3A_66] : memref<323584xi32, #tpu.memory_space<hbm>> -> memref<128xi32, #tpu.memory_space<hbm>>
          tpu.wait_dma2 semaphore(%run_scoped3A : memref<!tpu.dma_semaphore, #tpu.memory_space<semaphore_mem>>) src(%dma_wait3A_76 : memref<128xi32, #tpu.memory_space<hbm>>) dst(%arg8 : memref<128xi32, #tpu.memory_space<vmem>>)
          tpu.yield
        }) : () -> ()
        "tpu.region"() ({
          %run_scoped3A = tpu.sem_alloc : memref<!tpu.dma_semaphore, #tpu.memory_space<semaphore_mem>>
          %dma_start3A_73 = tpu.memref_slice %arg5[%add3A_66] : memref<323584xi32, #tpu.memory_space<hbm>> -> memref<128xi32, #tpu.memory_space<hbm>>
          %dma_start3A_74 = tpu.memref_slice %arg5[%add3A_66] : memref<323584xi32, #tpu.memory_space<hbm>> -> memref<128xi32, #tpu.memory_space<hbm>>
          tpu.enqueue_dma source(%dma_start3A_74 : memref<128xi32, #tpu.memory_space<hbm>>) target(%arg9 : memref<128xi32, #tpu.memory_space<vmem>>) target_semaphore(%run_scoped3A : memref<!tpu.dma_semaphore, #tpu.memory_space<semaphore_mem>>)
          %dma_wait3A_75 = tpu.memref_slice %arg5[%add3A_66] : memref<323584xi32, #tpu.memory_space<hbm>> -> memref<128xi32, #tpu.memory_space<hbm>>
          %dma_wait3A_76 = tpu.memref_slice %arg5[%add3A_66] : memref<323584xi32, #tpu.memory_space<hbm>> -> memref<128xi32, #tpu.memory_space<hbm>>
          tpu.wait_dma2 semaphore(%run_scoped3A : memref<!tpu.dma_semaphore, #tpu.memory_space<semaphore_mem>>) src(%dma_wait3A_76 : memref<128xi32, #tpu.memory_space<hbm>>) dst(%arg9 : memref<128xi32, #tpu.memory_space<vmem>>)
          tpu.yield
        }) : () -> ()
        %dma_start3A_67 = arith.constant 0 : i32
        %dma_start3A_68 = arith.constant 0 : i32
        %dma_start3A_69 = tpu.memref_slice %arg3[%dma_start3A_67, %dma_start3A_68] : memref<10000x128xf32, #tpu.memory_space<hbm>> -> memref<10000x128xf32, #tpu.memory_space<hbm>>
        tpu.enqueue_indirect_dma source(%dma_start3A_69 : memref<10000x128xf32, #tpu.memory_space<hbm>>) target(%arg10 : memref<128x128xf32, #tpu.memory_space<vmem>>) offsets(%arg8 : memref<128xi32, #tpu.memory_space<vmem>>) semaphore(%arg15 : memref<!tpu.dma_semaphore, #tpu.memory_space<semaphore_mem>>)
        %dma_wait3A_70 = arith.constant 0 : i32
        %dma_wait3A_71 = arith.constant 0 : i32
        %dma_wait3A_72 = tpu.memref_slice %arg3[%dma_wait3A_70, %dma_wait3A_71] : memref<10000x128xf32, #tpu.memory_space<hbm>> -> memref<10000x128xf32, #tpu.memory_space<hbm>>
        tpu.wait_indirect_dma semaphore(%arg16 : memref<!tpu.dma_semaphore, #tpu.memory_space<semaphore_mem>>) src(%dma_wait3A_72 : memref<10000x128xf32, #tpu.memory_space<hbm>>) dst(%arg13 : memref<128x128xf32, #tpu.memory_space<vmem>>)
        "tpu.region"() ({
          %run_scoped3A = tpu.sem_alloc : memref<!tpu.dma_semaphore, #tpu.memory_space<semaphore_mem>>
          %dma_start3A_73 = arith.constant 0 : i32
          %dma_start3A_74 = arith.constant 0 : i32
          %dma_start3A_75 = tpu.memref_slice %arg14[%dma_start3A_73, %dma_start3A_74] : memref<10016x128xf32, #tpu.memory_space<vmem_shared>> -> memref<10016x128xf32, #tpu.memory_space<vmem_shared>>
          tpu.enqueue_indirect_dma source(%arg13 : memref<128x128xf32, #tpu.memory_space<vmem>>) target(%dma_start3A_75 : memref<10016x128xf32, #tpu.memory_space<vmem_shared>>) offsets(%arg12 : memref<128xi32, #tpu.memory_space<vmem>>) semaphore(%run_scoped3A : memref<!tpu.dma_semaphore, #tpu.memory_space<semaphore_mem>>) {add = true}
          %dma_wait3A_76 = arith.constant 0 : i32
          %dma_wait3A_77 = arith.constant 0 : i32
          %dma_wait3A_78 = tpu.memref_slice %arg14[%dma_wait3A_76, %dma_wait3A_77] : memref<10016x128xf32, #tpu.memory_space<vmem_shared>> -> memref<10016x128xf32, #tpu.memory_space<vmem_shared>>
          tpu.wait_indirect_dma semaphore(%run_scoped3A : memref<!tpu.dma_semaphore, #tpu.memory_space<semaphore_mem>>) src(%arg13 : memref<128x128xf32, #tpu.memory_space<vmem>>) dst(%dma_wait3A_78 : memref<10016x128xf32, #tpu.memory_space<vmem_shared>>)
          tpu.yield
        }) : () -> ()
      }
      %scan3A_26 = arith.constant 78 : i32
      %add3A_27 = arith.constant 20096 : i32
      %add3A_28 = arith.addi %mul3A_2, %add3A_27 : i32
      "tpu.region"() ({
        %run_scoped3A = tpu.sem_alloc : memref<!tpu.dma_semaphore, #tpu.memory_space<semaphore_mem>>
        %dma_start3A_48 = tpu.memref_slice %arg4[%add3A_28] : memref<323584xi32, #tpu.memory_space<hbm>> -> memref<128xi32, #tpu.memory_space<hbm>>
        %dma_start3A_49 = tpu.memref_slice %arg4[%add3A_28] : memref<323584xi32, #tpu.memory_space<hbm>> -> memref<128xi32, #tpu.memory_space<hbm>>
        tpu.enqueue_dma source(%dma_start3A_49 : memref<128xi32, #tpu.memory_space<hbm>>) target(%arg11 : memref<128xi32, #tpu.memory_space<vmem>>) target_semaphore(%run_scoped3A : memref<!tpu.dma_semaphore, #tpu.memory_space<semaphore_mem>>)
        %dma_wait3A_50 = tpu.memref_slice %arg4[%add3A_28] : memref<323584xi32, #tpu.memory_space<hbm>> -> memref<128xi32, #tpu.memory_space<hbm>>
        %dma_wait3A_51 = tpu.memref_slice %arg4[%add3A_28] : memref<323584xi32, #tpu.memory_space<hbm>> -> memref<128xi32, #tpu.memory_space<hbm>>
        tpu.wait_dma2 semaphore(%run_scoped3A : memref<!tpu.dma_semaphore, #tpu.memory_space<semaphore_mem>>) src(%dma_wait3A_51 : memref<128xi32, #tpu.memory_space<hbm>>) dst(%arg11 : memref<128xi32, #tpu.memory_space<vmem>>)
        tpu.yield
      }) : () -> ()
      "tpu.region"() ({
        %run_scoped3A = tpu.sem_alloc : memref<!tpu.dma_semaphore, #tpu.memory_space<semaphore_mem>>
        %dma_start3A_48 = tpu.memref_slice %arg5[%add3A_28] : memref<323584xi32, #tpu.memory_space<hbm>> -> memref<128xi32, #tpu.memory_space<hbm>>
        %dma_start3A_49 = tpu.memref_slice %arg5[%add3A_28] : memref<323584xi32, #tpu.memory_space<hbm>> -> memref<128xi32, #tpu.memory_space<hbm>>
        tpu.enqueue_dma source(%dma_start3A_49 : memref<128xi32, #tpu.memory_space<hbm>>) target(%arg12 : memref<128xi32, #tpu.memory_space<vmem>>) target_semaphore(%run_scoped3A : memref<!tpu.dma_semaphore, #tpu.memory_space<semaphore_mem>>)
        %dma_wait3A_50 = tpu.memref_slice %arg5[%add3A_28] : memref<323584xi32, #tpu.memory_space<hbm>> -> memref<128xi32, #tpu.memory_space<hbm>>
        %dma_wait3A_51 = tpu.memref_slice %arg5[%add3A_28] : memref<323584xi32, #tpu.memory_space<hbm>> -> memref<128xi32, #tpu.memory_space<hbm>>
        tpu.wait_dma2 semaphore(%run_scoped3A : memref<!tpu.dma_semaphore, #tpu.memory_space<semaphore_mem>>) src(%dma_wait3A_51 : memref<128xi32, #tpu.memory_space<hbm>>) dst(%arg12 : memref<128xi32, #tpu.memory_space<vmem>>)
        tpu.yield
      }) : () -> ()
      %dma_start3A_29 = arith.constant 0 : i32
      %dma_start3A_30 = arith.constant 0 : i32
      %dma_start3A_31 = tpu.memref_slice %arg3[%dma_start3A_29, %dma_start3A_30] : memref<10000x128xf32, #tpu.memory_space<hbm>> -> memref<10000x128xf32, #tpu.memory_space<hbm>>
      tpu.enqueue_indirect_dma source(%dma_start3A_31 : memref<10000x128xf32, #tpu.memory_space<hbm>>) target(%arg13 : memref<128x128xf32, #tpu.memory_space<vmem>>) offsets(%arg11 : memref<128xi32, #tpu.memory_space<vmem>>) semaphore(%arg16 : memref<!tpu.dma_semaphore, #tpu.memory_space<semaphore_mem>>)
      %dma_wait3A = arith.constant 0 : i32
      %dma_wait3A_32 = arith.constant 0 : i32
      %dma_wait3A_33 = tpu.memref_slice %arg3[%dma_wait3A, %dma_wait3A_32] : memref<10000x128xf32, #tpu.memory_space<hbm>> -> memref<10000x128xf32, #tpu.memory_space<hbm>>
      tpu.wait_indirect_dma semaphore(%arg15 : memref<!tpu.dma_semaphore, #tpu.memory_space<semaphore_mem>>) src(%dma_wait3A_33 : memref<10000x128xf32, #tpu.memory_space<hbm>>) dst(%arg10 : memref<128x128xf32, #tpu.memory_space<vmem>>)
      "tpu.region"() ({
        %run_scoped3A = tpu.sem_alloc : memref<!tpu.dma_semaphore, #tpu.memory_space<semaphore_mem>>
        %dma_start3A_48 = arith.constant 0 : i32
        %dma_start3A_49 = arith.constant 0 : i32
        %dma_start3A_50 = tpu.memref_slice %arg14[%dma_start3A_48, %dma_start3A_49] : memref<10016x128xf32, #tpu.memory_space<vmem_shared>> -> memref<10016x128xf32, #tpu.memory_space<vmem_shared>>
        tpu.enqueue_indirect_dma source(%arg10 : memref<128x128xf32, #tpu.memory_space<vmem>>) target(%dma_start3A_50 : memref<10016x128xf32, #tpu.memory_space<vmem_shared>>) offsets(%arg9 : memref<128xi32, #tpu.memory_space<vmem>>) semaphore(%run_scoped3A : memref<!tpu.dma_semaphore, #tpu.memory_space<semaphore_mem>>) {add = true}
        %dma_wait3A_51 = arith.constant 0 : i32
        %dma_wait3A_52 = arith.constant 0 : i32
        %dma_wait3A_53 = tpu.memref_slice %arg14[%dma_wait3A_51, %dma_wait3A_52] : memref<10016x128xf32, #tpu.memory_space<vmem_shared>> -> memref<10016x128xf32, #tpu.memory_space<vmem_shared>>
        tpu.wait_indirect_dma semaphore(%run_scoped3A : memref<!tpu.dma_semaphore, #tpu.memory_space<semaphore_mem>>) src(%arg10 : memref<128x128xf32, #tpu.memory_space<vmem>>) dst(%dma_wait3A_53 : memref<10016x128xf32, #tpu.memory_space<vmem_shared>>)
        tpu.yield
      }) : () -> ()
      %dma_wait3A_34 = arith.constant 0 : i32
      %dma_wait3A_35 = arith.constant 0 : i32
      %dma_wait3A_36 = tpu.memref_slice %arg3[%dma_wait3A_34, %dma_wait3A_35] : memref<10000x128xf32, #tpu.memory_space<hbm>> -> memref<10000x128xf32, #tpu.memory_space<hbm>>
      tpu.wait_indirect_dma semaphore(%arg16 : memref<!tpu.dma_semaphore, #tpu.memory_space<semaphore_mem>>) src(%dma_wait3A_36 : memref<10000x128xf32, #tpu.memory_space<hbm>>) dst(%arg13 : memref<128x128xf32, #tpu.memory_space<vmem>>)
      "tpu.region"() ({
        %run_scoped3A = tpu.sem_alloc : memref<!tpu.dma_semaphore, #tpu.memory_space<semaphore_mem>>
        %dma_start3A_48 = arith.constant 0 : i32
        %dma_start3A_49 = arith.constant 0 : i32
        %dma_start3A_50 = tpu.memref_slice %arg14[%dma_start3A_48, %dma_start3A_49] : memref<10016x128xf32, #tpu.memory_space<vmem_shared>> -> memref<10016x128xf32, #tpu.memory_space<vmem_shared>>
        tpu.enqueue_indirect_dma source(%arg13 : memref<128x128xf32, #tpu.memory_space<vmem>>) target(%dma_start3A_50 : memref<10016x128xf32, #tpu.memory_space<vmem_shared>>) offsets(%arg12 : memref<128xi32, #tpu.memory_space<vmem>>) semaphore(%run_scoped3A : memref<!tpu.dma_semaphore, #tpu.memory_space<semaphore_mem>>) {add = true}
        %dma_wait3A_51 = arith.constant 0 : i32
        %dma_wait3A_52 = arith.constant 0 : i32
        %dma_wait3A_53 = tpu.memref_slice %arg14[%dma_wait3A_51, %dma_wait3A_52] : memref<10016x128xf32, #tpu.memory_space<vmem_shared>> -> memref<10016x128xf32, #tpu.memory_space<vmem_shared>>
        tpu.wait_indirect_dma semaphore(%run_scoped3A : memref<!tpu.dma_semaphore, #tpu.memory_space<semaphore_mem>>) src(%arg13 : memref<128x128xf32, #tpu.memory_space<vmem>>) dst(%dma_wait3A_53 : memref<10016x128xf32, #tpu.memory_space<vmem_shared>>)
        tpu.yield
      }) : () -> ()
      %barrier3A_37 = arith.constant 0 : index
      tpu.barrier barrier_id(%barrier3A_37)
      %lt3A_38 = arith.constant 15 : i32
      %lt3A_39 = arith.cmpi slt, %arg1, %lt3A_38 : i32
      %convert_element_type3A_40 = arith.extui %lt3A_39 : i1 to i32
      %cond3A_41 = arith.constant 0 : i32
      %cond3A_42 = arith.cmpi ne, %convert_element_type3A_40, %cond3A_41 : i32
      scf.if %cond3A_42 {
        "tpu.region"() ({
          %run_scoped3A = tpu.sem_alloc : memref<!tpu.dma_semaphore, #tpu.memory_space<semaphore_mem>>
          %dma_start3A_48 = arith.constant 0 : i32
          %dma_start3A_49 = tpu.memref_slice %arg7[%mul3A_0, %dma_start3A_48] : memref<10000x128xf32, #tpu.memory_space<hbm>> -> memref<624x128xf32, #tpu.memory_space<hbm>>
          %dma_start3A_50 = arith.constant 0 : i32
          %dma_start3A_51 = tpu.memref_slice %arg14[%mul3A_0, %dma_start3A_50] : memref<10016x128xf32, #tpu.memory_space<vmem_shared>> -> memref<624x128xf32, #tpu.memory_space<vmem_shared>>
          tpu.enqueue_dma source(%dma_start3A_51 : memref<624x128xf32, #tpu.memory_space<vmem_shared>>) target(%dma_start3A_49 : memref<624x128xf32, #tpu.memory_space<hbm>>) target_semaphore(%run_scoped3A : memref<!tpu.dma_semaphore, #tpu.memory_space<semaphore_mem>>)
          %dma_wait3A_52 = arith.constant 0 : i32
          %dma_wait3A_53 = tpu.memref_slice %arg7[%mul3A_0, %dma_wait3A_52] : memref<10000x128xf32, #tpu.memory_space<hbm>> -> memref<624x128xf32, #tpu.memory_space<hbm>>
          %dma_wait3A_54 = arith.constant 0 : i32
          %dma_wait3A_55 = tpu.memref_slice %arg14[%mul3A_0, %dma_wait3A_54] : memref<10016x128xf32, #tpu.memory_space<vmem_shared>> -> memref<624x128xf32, #tpu.memory_space<vmem_shared>>
          tpu.wait_dma2 semaphore(%run_scoped3A : memref<!tpu.dma_semaphore, #tpu.memory_space<semaphore_mem>>) src(%dma_wait3A_55 : memref<624x128xf32, #tpu.memory_space<vmem_shared>>) dst(%dma_wait3A_53 : memref<624x128xf32, #tpu.memory_space<hbm>>)
          tpu.yield
        }) : () -> ()
      } else {
      }
      %eq3A_43 = arith.constant 15 : i32
      %eq3A_44 = arith.cmpi eq, %arg1, %eq3A_43 : i32
      %convert_element_type3A_45 = arith.extui %eq3A_44 : i1 to i32
      %cond3A_46 = arith.constant 0 : i32
      %cond3A_47 = arith.cmpi ne, %convert_element_type3A_45, %cond3A_46 : i32
      scf.if %cond3A_47 {
        "tpu.region"() ({
          %run_scoped3A = tpu.sem_alloc : memref<!tpu.dma_semaphore, #tpu.memory_space<semaphore_mem>>
          %dma_start3A_48 = arith.constant 0 : i32
          %dma_start3A_49 = tpu.memref_slice %arg7[%mul3A_0, %dma_start3A_48] : memref<10000x128xf32, #tpu.memory_space<hbm>> -> memref<640x128xf32, #tpu.memory_space<hbm>>
          %dma_start3A_50 = arith.constant 0 : i32
          %dma_start3A_51 = tpu.memref_slice %arg14[%mul3A_0, %dma_start3A_50] : memref<10016x128xf32, #tpu.memory_space<vmem_shared>> -> memref<640x128xf32, #tpu.memory_space<vmem_shared>>
          tpu.enqueue_dma source(%dma_start3A_51 : memref<640x128xf32, #tpu.memory_space<vmem_shared>>) target(%dma_start3A_49 : memref<640x128xf32, #tpu.memory_space<hbm>>) target_semaphore(%run_scoped3A : memref<!tpu.dma_semaphore, #tpu.memory_space<semaphore_mem>>)
          %dma_wait3A_52 = arith.constant 0 : i32
          %dma_wait3A_53 = tpu.memref_slice %arg7[%mul3A_0, %dma_wait3A_52] : memref<10000x128xf32, #tpu.memory_space<hbm>> -> memref<640x128xf32, #tpu.memory_space<hbm>>
          %dma_wait3A_54 = arith.constant 0 : i32
          %dma_wait3A_55 = tpu.memref_slice %arg14[%mul3A_0, %dma_wait3A_54] : memref<10016x128xf32, #tpu.memory_space<vmem_shared>> -> memref<640x128xf32, #tpu.memory_space<vmem_shared>>
          tpu.wait_dma2 semaphore(%run_scoped3A : memref<!tpu.dma_semaphore, #tpu.memory_space<semaphore_mem>>) src(%dma_wait3A_55 : memref<640x128xf32, #tpu.memory_space<vmem_shared>>) dst(%dma_wait3A_53 : memref<640x128xf32, #tpu.memory_space<hbm>>)
          tpu.yield
        }) : () -> ()
      } else {
      }
    } else {
    }
    return
  }
}

module attributes {stable_mosaic.version = 14 : i64} {
  func.func @_enc_body(%arg0: i32, %arg1: memref<1000x128xf32, #tpu.memory_space<vmem>>, %arg2: memref<128x256xf32, #tpu.memory_space<vmem>>, %arg3: memref<1x256xf32, #tpu.memory_space<vmem>>, %arg4: memref<1000x128xf32, #tpu.memory_space<vmem>>, %arg5: memref<1000x128xf32, #tpu.memory_space<vmem>>) attributes {dimension_semantics = [#tpu.dimension_semantics<arbitrary>], iteration_bounds = array<i64: 10>, scalar_prefetch = 0 : i64, scratch_operands = 0 : i64, tpu.core_type = #tpu.core_type<tc>, window_params = [{transform_indices = @transform_0, window_bounds = array<i64: 1000, 128>}, {pipeline_mode = #tpu.pipeline_mode<synchronous>, transform_indices = @transform_1, window_bounds = array<i64: 128, 256>}, {pipeline_mode = #tpu.pipeline_mode<synchronous>, transform_indices = @transform_2, window_bounds = array<i64: 1, 256>}, {transform_indices = @transform_3, window_bounds = array<i64: 1000, 128>}, {transform_indices = @transform_4, window_bounds = array<i64: 1000, 128>}]} {
    %get3A = arith.constant 0 : index
    %get3A_0 = arith.constant 0 : index
    %get3A_1 = vector.load %arg1[%get3A, %get3A_0] : memref<1000x128xf32, #tpu.memory_space<vmem>>, vector<1000x128xf32>
    %get3A_2 = arith.constant 0 : index
    %get3A_3 = arith.constant 0 : index
    %get3A_4 = vector.load %arg2[%get3A_2, %get3A_3] : memref<128x256xf32, #tpu.memory_space<vmem>>, vector<128x256xf32>
    %dot_general3A = arith.constant dense<0.000000e+00> : vector<1000x256xf32>
    %dot_general3A_5 = tpu.matmul %get3A_1, %get3A_4, %dot_general3A {dimension_numbers = #tpu.dot_dimension_numbers<[1], [0], [0], [1], [0, 0, 1, 1], [], []>, transpose_lhs_hint = false} : vector<1000x128xf32>, vector<128x256xf32>, vector<1000x256xf32> -> vector<1000x256xf32>
    %get3A_6 = arith.constant 0 : index
    %get3A_7 = arith.constant 0 : index
    %get3A_8 = vector.load %arg3[%get3A_6, %get3A_7] : memref<1x256xf32, #tpu.memory_space<vmem>>, vector<1x256xf32>
    %add3A = vector.broadcast %get3A_8 : vector<1x256xf32> to vector<1000x256xf32>
    %add3A_9 = arith.addf %dot_general3A_5, %add3A : vector<1000x256xf32>
    %slice3A = vector.extract_strided_slice %add3A_9 {offsets = [0, 0], sizes = [1000, 128], strides = [1, 1]} : vector<1000x256xf32> to vector<1000x128xf32>
    %swap3A = arith.constant 0 : index
    %swap3A_10 = arith.constant 0 : index
    %swap3A_11 = vector.load %arg4[%swap3A, %swap3A_10] : memref<1000x128xf32, #tpu.memory_space<vmem>>, vector<1000x128xf32>
    tpu.vector_store %arg4[%swap3A, %swap3A_10], %slice3A {strides = array<i32>} : memref<1000x128xf32, #tpu.memory_space<vmem>>, vector<1000x128xf32>,
    %slice3A_12 = vector.extract_strided_slice %add3A_9 {offsets = [0, 128], sizes = [1000, 128], strides = [1, 1]} : vector<1000x256xf32> to vector<1000x128xf32>
    %swap3A_13 = arith.constant 0 : index
    %swap3A_14 = arith.constant 0 : index
    %swap3A_15 = vector.load %arg5[%swap3A_13, %swap3A_14] : memref<1000x128xf32, #tpu.memory_space<vmem>>, vector<1000x128xf32>
    tpu.vector_store %arg5[%swap3A_13, %swap3A_14], %slice3A_12 {strides = array<i32>} : memref<1000x128xf32, #tpu.memory_space<vmem>>, vector<1000x128xf32>,
    return
  }
  func.func @transform_0(%arg0: i32) -> (i32, i32) {
    %c0_i32 = arith.constant 0 : i32
    %c0_i32_0 = arith.constant 0 : i32
    return %arg0, %c0_i32 : i32, i32
  }
  func.func @transform_1(%arg0: i32) -> (i32, i32) {
    %c0_i32 = arith.constant 0 : i32
    %c0_i32_0 = arith.constant 0 : i32
    %c0_i32_1 = arith.constant 0 : i32
    return %c0_i32, %c0_i32_0 : i32, i32
  }
  func.func @transform_2(%arg0: i32) -> (i32, i32) {
    %c0_i32 = arith.constant 0 : i32
    %c0_i32_0 = arith.constant 0 : i32
    %c0_i32_1 = arith.constant 0 : i32
    return %c0_i32, %c0_i32_0 : i32, i32
  }
  func.func @transform_3(%arg0: i32) -> (i32, i32) {
    %c0_i32 = arith.constant 0 : i32
    %c0_i32_0 = arith.constant 0 : i32
    return %arg0, %c0_i32 : i32, i32
  }
  func.func @transform_4(%arg0: i32) -> (i32, i32) {
    %c0_i32 = arith.constant 0 : i32
    %c0_i32_0 = arith.constant 0 : i32
    return %arg0, %c0_i32 : i32, i32
  }
}

module attributes {stable_mosaic.version = 14 : i64} {
  func.func @_mlp_body(%arg0: i32, %arg1: memref<1000x128xf32, #tpu.memory_space<vmem>>, %arg2: memref<1000x128xf32, #tpu.memory_space<vmem>>, %arg3: memref<256x256xf32, #tpu.memory_space<vmem>>, %arg4: memref<1x256xf32, #tpu.memory_space<vmem>>, %arg5: memref<256x256xf32, #tpu.memory_space<vmem>>, %arg6: memref<1x256xf32, #tpu.memory_space<vmem>>, %arg7: memref<1000x128xf32, #tpu.memory_space<vmem>>, %arg8: memref<1000x128xf32, #tpu.memory_space<vmem>>) attributes {dimension_semantics = [#tpu.dimension_semantics<arbitrary>], iteration_bounds = array<i64: 10>, scalar_prefetch = 0 : i64, scratch_operands = 0 : i64, tpu.core_type = #tpu.core_type<tc>, window_params = [{transform_indices = @transform_0, window_bounds = array<i64: 1000, 128>}, {transform_indices = @transform_1, window_bounds = array<i64: 1000, 128>}, {pipeline_mode = #tpu.pipeline_mode<synchronous>, transform_indices = @transform_2, window_bounds = array<i64: 256, 256>}, {pipeline_mode = #tpu.pipeline_mode<synchronous>, transform_indices = @transform_3, window_bounds = array<i64: 1, 256>}, {pipeline_mode = #tpu.pipeline_mode<synchronous>, transform_indices = @transform_4, window_bounds = array<i64: 256, 256>}, {pipeline_mode = #tpu.pipeline_mode<synchronous>, transform_indices = @transform_5, window_bounds = array<i64: 1, 256>}, {transform_indices = @transform_6, window_bounds = array<i64: 1000, 128>}, {transform_indices = @transform_7, window_bounds = array<i64: 1000, 128>}]} {
    %get3A = arith.constant 0 : index
    %get3A_0 = arith.constant 0 : index
    %get3A_1 = vector.load %arg1[%get3A, %get3A_0] : memref<1000x128xf32, #tpu.memory_space<vmem>>, vector<1000x128xf32>
    %get3A_2 = arith.constant 0 : index
    %get3A_3 = arith.constant 0 : index
    %get3A_4 = vector.load %arg2[%get3A_2, %get3A_3] : memref<1000x128xf32, #tpu.memory_space<vmem>>, vector<1000x128xf32>
    %concatenate3A = tpu.concatenate %get3A_1, %get3A_4 in 1 : vector<1000x128xf32>, vector<1000x128xf32> -> vector<1000x256xf32>
    %get3A_5 = arith.constant 0 : index
    %get3A_6 = arith.constant 0 : index
    %get3A_7 = vector.load %arg3[%get3A_5, %get3A_6] : memref<256x256xf32, #tpu.memory_space<vmem>>, vector<256x256xf32>
    %dot_general3A = arith.constant dense<0.000000e+00> : vector<1000x256xf32>
    %dot_general3A_8 = tpu.matmul %concatenate3A, %get3A_7, %dot_general3A {dimension_numbers = #tpu.dot_dimension_numbers<[1], [0], [0], [1], [0, 0, 1, 1], [], []>, transpose_lhs_hint = false} : vector<1000x256xf32>, vector<256x256xf32>, vector<1000x256xf32> -> vector<1000x256xf32>
    %get3A_9 = arith.constant 0 : index
    %get3A_10 = arith.constant 0 : index
    %get3A_11 = vector.load %arg4[%get3A_9, %get3A_10] : memref<1x256xf32, #tpu.memory_space<vmem>>, vector<1x256xf32>
    %add3A = vector.broadcast %get3A_11 : vector<1x256xf32> to vector<1000x256xf32>
    %add3A_12 = arith.addf %dot_general3A_8, %add3A : vector<1000x256xf32>
    %max3A = arith.constant 0.000000e+00 : f32
    %max3A_13 = vector.broadcast %max3A : f32 to vector<1000x256xf32>
    %max3A_14 = arith.maximumf %add3A_12, %max3A_13 : vector<1000x256xf32>
    %get3A_15 = arith.constant 0 : index
    %get3A_16 = arith.constant 0 : index
    %get3A_17 = vector.load %arg5[%get3A_15, %get3A_16] : memref<256x256xf32, #tpu.memory_space<vmem>>, vector<256x256xf32>
    %dot_general3A_18 = arith.constant dense<0.000000e+00> : vector<1000x256xf32>
    %dot_general3A_19 = tpu.matmul %max3A_14, %get3A_17, %dot_general3A_18 {dimension_numbers = #tpu.dot_dimension_numbers<[1], [0], [0], [1], [0, 0, 1, 1], [], []>, transpose_lhs_hint = false} : vector<1000x256xf32>, vector<256x256xf32>, vector<1000x256xf32> -> vector<1000x256xf32>
    %get3A_20 = arith.constant 0 : index
    %get3A_21 = arith.constant 0 : index
    %get3A_22 = vector.load %arg6[%get3A_20, %get3A_21] : memref<1x256xf32, #tpu.memory_space<vmem>>, vector<1x256xf32>
    %add3A_23 = vector.broadcast %get3A_22 : vector<1x256xf32> to vector<1000x256xf32>
    %add3A_24 = arith.addf %dot_general3A_19, %add3A_23 : vector<1000x256xf32>
    %gt3A = arith.constant 0.000000e+00 : f32
    %gt3A_25 = vector.broadcast %gt3A : f32 to vector<1000x256xf32>
    %gt3A_26 = arith.cmpf ogt, %add3A_24, %gt3A_25 : vector<1000x256xf32>
    %min3A = arith.constant 0.000000e+00 : f32
    %min3A_27 = vector.broadcast %min3A : f32 to vector<1000x256xf32>
    %min3A_28 = arith.minimumf %add3A_24, %min3A_27 : vector<1000x256xf32>
    %exp3A = math.exp %min3A_28 : vector<1000x256xf32>
    %sub3A = arith.constant 1.000000e+00 : f32
    %sub3A_29 = vector.broadcast %sub3A : f32 to vector<1000x256xf32>
    %sub3A_30 = arith.subf %exp3A, %sub3A_29 : vector<1000x256xf32>
    %select_n3A = arith.select %gt3A_26, %add3A_24, %sub3A_30 : vector<1000x256xi1>, vector<1000x256xf32>
    %slice3A = vector.extract_strided_slice %select_n3A {offsets = [0, 0], sizes = [1000, 128], strides = [1, 1]} : vector<1000x256xf32> to vector<1000x128xf32>
    %swap3A = arith.constant 0 : index
    %swap3A_31 = arith.constant 0 : index
    %swap3A_32 = vector.load %arg7[%swap3A, %swap3A_31] : memref<1000x128xf32, #tpu.memory_space<vmem>>, vector<1000x128xf32>
    tpu.vector_store %arg7[%swap3A, %swap3A_31], %slice3A {strides = array<i32>} : memref<1000x128xf32, #tpu.memory_space<vmem>>, vector<1000x128xf32>,
    %slice3A_33 = vector.extract_strided_slice %select_n3A {offsets = [0, 128], sizes = [1000, 128], strides = [1, 1]} : vector<1000x256xf32> to vector<1000x128xf32>
    %swap3A_34 = arith.constant 0 : index
    %swap3A_35 = arith.constant 0 : index
    %swap3A_36 = vector.load %arg8[%swap3A_34, %swap3A_35] : memref<1000x128xf32, #tpu.memory_space<vmem>>, vector<1000x128xf32>
    tpu.vector_store %arg8[%swap3A_34, %swap3A_35], %slice3A_33 {strides = array<i32>} : memref<1000x128xf32, #tpu.memory_space<vmem>>, vector<1000x128xf32>,
    return
  }
  func.func @transform_0(%arg0: i32) -> (i32, i32) {
    %c0_i32 = arith.constant 0 : i32
    %c0_i32_0 = arith.constant 0 : i32
    return %arg0, %c0_i32 : i32, i32
  }
  func.func @transform_1(%arg0: i32) -> (i32, i32) {
    %c0_i32 = arith.constant 0 : i32
    %c0_i32_0 = arith.constant 0 : i32
    return %arg0, %c0_i32 : i32, i32
  }
  func.func @transform_2(%arg0: i32) -> (i32, i32) {
    %c0_i32 = arith.constant 0 : i32
    %c0_i32_0 = arith.constant 0 : i32
    %c0_i32_1 = arith.constant 0 : i32
    return %c0_i32, %c0_i32_0 : i32, i32
  }
  func.func @transform_3(%arg0: i32) -> (i32, i32) {
    %c0_i32 = arith.constant 0 : i32
    %c0_i32_0 = arith.constant 0 : i32
    %c0_i32_1 = arith.constant 0 : i32
    return %c0_i32, %c0_i32_0 : i32, i32
  }
  func.func @transform_4(%arg0: i32) -> (i32, i32) {
    %c0_i32 = arith.constant 0 : i32
    %c0_i32_0 = arith.constant 0 : i32
    %c0_i32_1 = arith.constant 0 : i32
    return %c0_i32, %c0_i32_0 : i32, i32
  }
  func.func @transform_5(%arg0: i32) -> (i32, i32) {
    %c0_i32 = arith.constant 0 : i32
    %c0_i32_0 = arith.constant 0 : i32
    %c0_i32_1 = arith.constant 0 : i32
    return %c0_i32, %c0_i32_0 : i32, i32
  }
  func.func @transform_6(%arg0: i32) -> (i32, i32) {
    %c0_i32 = arith.constant 0 : i32
    %c0_i32_0 = arith.constant 0 : i32
    return %arg0, %c0_i32 : i32, i32
  }
  func.func @transform_7(%arg0: i32) -> (i32, i32) {
    %c0_i32 = arith.constant 0 : i32
    %c0_i32_0 = arith.constant 0 : i32
    return %arg0, %c0_i32 : i32, i32
  }
}

module attributes {stable_mosaic.version = 14 : i64} {
  func.func @_mlp_body(%arg0: i32, %arg1: memref<1000x128xf32, #tpu.memory_space<vmem>>, %arg2: memref<1000x128xf32, #tpu.memory_space<vmem>>, %arg3: memref<256x256xf32, #tpu.memory_space<vmem>>, %arg4: memref<1x256xf32, #tpu.memory_space<vmem>>, %arg5: memref<256x256xf32, #tpu.memory_space<vmem>>, %arg6: memref<1x256xf32, #tpu.memory_space<vmem>>, %arg7: memref<1000x256xf32, #tpu.memory_space<vmem>>) attributes {dimension_semantics = [#tpu.dimension_semantics<arbitrary>], iteration_bounds = array<i64: 10>, scalar_prefetch = 0 : i64, scratch_operands = 0 : i64, tpu.core_type = #tpu.core_type<tc>, window_params = [{transform_indices = @transform_0, window_bounds = array<i64: 1000, 128>}, {transform_indices = @transform_1, window_bounds = array<i64: 1000, 128>}, {pipeline_mode = #tpu.pipeline_mode<synchronous>, transform_indices = @transform_2, window_bounds = array<i64: 256, 256>}, {pipeline_mode = #tpu.pipeline_mode<synchronous>, transform_indices = @transform_3, window_bounds = array<i64: 1, 256>}, {pipeline_mode = #tpu.pipeline_mode<synchronous>, transform_indices = @transform_4, window_bounds = array<i64: 256, 256>}, {pipeline_mode = #tpu.pipeline_mode<synchronous>, transform_indices = @transform_5, window_bounds = array<i64: 1, 256>}, {transform_indices = @transform_6, window_bounds = array<i64: 1000, 256>}]} {
    %get3A = arith.constant 0 : index
    %get3A_0 = arith.constant 0 : index
    %get3A_1 = vector.load %arg1[%get3A, %get3A_0] : memref<1000x128xf32, #tpu.memory_space<vmem>>, vector<1000x128xf32>
    %get3A_2 = arith.constant 0 : index
    %get3A_3 = arith.constant 0 : index
    %get3A_4 = vector.load %arg2[%get3A_2, %get3A_3] : memref<1000x128xf32, #tpu.memory_space<vmem>>, vector<1000x128xf32>
    %concatenate3A = tpu.concatenate %get3A_1, %get3A_4 in 1 : vector<1000x128xf32>, vector<1000x128xf32> -> vector<1000x256xf32>
    %get3A_5 = arith.constant 0 : index
    %get3A_6 = arith.constant 0 : index
    %get3A_7 = vector.load %arg3[%get3A_5, %get3A_6] : memref<256x256xf32, #tpu.memory_space<vmem>>, vector<256x256xf32>
    %dot_general3A = arith.constant dense<0.000000e+00> : vector<1000x256xf32>
    %dot_general3A_8 = tpu.matmul %concatenate3A, %get3A_7, %dot_general3A {dimension_numbers = #tpu.dot_dimension_numbers<[1], [0], [0], [1], [0, 0, 1, 1], [], []>, transpose_lhs_hint = false} : vector<1000x256xf32>, vector<256x256xf32>, vector<1000x256xf32> -> vector<1000x256xf32>
    %get3A_9 = arith.constant 0 : index
    %get3A_10 = arith.constant 0 : index
    %get3A_11 = vector.load %arg4[%get3A_9, %get3A_10] : memref<1x256xf32, #tpu.memory_space<vmem>>, vector<1x256xf32>
    %add3A = vector.broadcast %get3A_11 : vector<1x256xf32> to vector<1000x256xf32>
    %add3A_12 = arith.addf %dot_general3A_8, %add3A : vector<1000x256xf32>
    %max3A = arith.constant 0.000000e+00 : f32
    %max3A_13 = vector.broadcast %max3A : f32 to vector<1000x256xf32>
    %max3A_14 = arith.maximumf %add3A_12, %max3A_13 : vector<1000x256xf32>
    %get3A_15 = arith.constant 0 : index
    %get3A_16 = arith.constant 0 : index
    %get3A_17 = vector.load %arg5[%get3A_15, %get3A_16] : memref<256x256xf32, #tpu.memory_space<vmem>>, vector<256x256xf32>
    %dot_general3A_18 = arith.constant dense<0.000000e+00> : vector<1000x256xf32>
    %dot_general3A_19 = tpu.matmul %max3A_14, %get3A_17, %dot_general3A_18 {dimension_numbers = #tpu.dot_dimension_numbers<[1], [0], [0], [1], [0, 0, 1, 1], [], []>, transpose_lhs_hint = false} : vector<1000x256xf32>, vector<256x256xf32>, vector<1000x256xf32> -> vector<1000x256xf32>
    %get3A_20 = arith.constant 0 : index
    %get3A_21 = arith.constant 0 : index
    %get3A_22 = vector.load %arg6[%get3A_20, %get3A_21] : memref<1x256xf32, #tpu.memory_space<vmem>>, vector<1x256xf32>
    %add3A_23 = vector.broadcast %get3A_22 : vector<1x256xf32> to vector<1000x256xf32>
    %add3A_24 = arith.addf %dot_general3A_19, %add3A_23 : vector<1000x256xf32>
    %swap3A = arith.constant 0 : index
    %swap3A_25 = arith.constant 0 : index
    %swap3A_26 = vector.load %arg7[%swap3A, %swap3A_25] : memref<1000x256xf32, #tpu.memory_space<vmem>>, vector<1000x256xf32>
    tpu.vector_store %arg7[%swap3A, %swap3A_25], %add3A_24 {strides = array<i32>} : memref<1000x256xf32, #tpu.memory_space<vmem>>, vector<1000x256xf32>,
    return
  }
  func.func @transform_0(%arg0: i32) -> (i32, i32) {
    %c0_i32 = arith.constant 0 : i32
    %c0_i32_0 = arith.constant 0 : i32
    return %arg0, %c0_i32 : i32, i32
  }
  func.func @transform_1(%arg0: i32) -> (i32, i32) {
    %c0_i32 = arith.constant 0 : i32
    %c0_i32_0 = arith.constant 0 : i32
    return %arg0, %c0_i32 : i32, i32
  }
  func.func @transform_2(%arg0: i32) -> (i32, i32) {
    %c0_i32 = arith.constant 0 : i32
    %c0_i32_0 = arith.constant 0 : i32
    %c0_i32_1 = arith.constant 0 : i32
    return %c0_i32, %c0_i32_0 : i32, i32
  }
  func.func @transform_3(%arg0: i32) -> (i32, i32) {
    %c0_i32 = arith.constant 0 : i32
    %c0_i32_0 = arith.constant 0 : i32
    %c0_i32_1 = arith.constant 0 : i32
    return %c0_i32, %c0_i32_0 : i32, i32
  }
  func.func @transform_4(%arg0: i32) -> (i32, i32) {
    %c0_i32 = arith.constant 0 : i32
    %c0_i32_0 = arith.constant 0 : i32
    %c0_i32_1 = arith.constant 0 : i32
    return %c0_i32, %c0_i32_0 : i32, i32
  }
  func.func @transform_5(%arg0: i32) -> (i32, i32) {
    %c0_i32 = arith.constant 0 : i32
    %c0_i32_0 = arith.constant 0 : i32
    %c0_i32_1 = arith.constant 0 : i32
    return %c0_i32, %c0_i32_0 : i32, i32
  }
  func.func @transform_6(%arg0: i32) -> (i32, i32) {
    %c0_i32 = arith.constant 0 : i32
    %c0_i32_0 = arith.constant 0 : i32
    return %arg0, %c0_i32 : i32, i32
  }
}

</mosaic_0001>

<sc_bundles>
// kernel: kernel.10.cloned.1.call-start
scs
__scs_entry_jumppad:
0x0: {  	(pc) =	sbr.rel $0x88, $3  }
0x1: {  	(tag) =	ssettag $0x0;
	lr =	simm.s32 $0x1  }
0x2: {  	[smem:$0x3F95] =	sst lr;
	_ =	strace $0xD0000000  }
0x3: {  	_ = 	snop  }
0x4: {  	_ = 	snop  }
0x5: {  	_ = 	snop  }
0x6: {  	_ = 	snop  }
0x7: {  	_ = 	snop  }
__scs_overlays_trampoline_lowered:
0x8: {  	[smem:$0x3FA4] =	sst s0  }
0x9: {  	[smem:$0x3FA5] =	sst s1  }
0xa: {  	[smem:$0x3FA6] =	sst s2  }
0xb: {  	[smem:$0x3FA7] =	sst s3  }
0xc: {  	[smem:$0x3FA8] =	sst s4  }
0xd: {  	[smem:$0x3FA9] =	sst s5  }
0xe: {  	[smem:$0x3FAA] =	sst s6  }
0xf: {  	[smem:$0x3FAB] =	sst s7  }
0x10: {  	[smem:$0x3FAC] =	sst s8  }
0x11: {  	[smem:$0x3FAD] =	sst s9;
	s0 =	simm.s32 @!p0 $0x0  }
0x12: {  	s1 =	sld [smem:$0x3F93];
	s0 =	simm.s32 @p0 $0x1  }
0x13: {  	[smem:$0x3FAE] =	sst s0;
	s0 =	simm.s32 @!p1 $0x0  }
0x14: {  	s2 =	sld [smem:$0x3F92];
	s0 =	simm.s32 @p1 $0x1  }
0x15: {  	[smem:$0x3FAF] =	sst s0;
	s0 =	simm.s32 @!p2 $0x0  }
0x16: {  	s3 =	sld [smem:$0x3FDB];
	s0 =	simm.s32 @p2 $0x1  }
0x17: {  	s4 =	simm.s32 $0x1BF5;
	[smem:$0x3FB1] =	sst s0  }
0x18: {  	s0 =	sld [smem:$0x3F94];
	_ =	swait.ge [sflag:s4], $0x0  }
0x19: {  	s7 =	sld [smem:$0x3F95]  }
0x1a: {  	s8 =	sadd.s32 $0xFFFFE003, lr  }
0x1b: {  	s9 =	sadd.s32 $0xFFFFFEF7, lr;
	s5 =	simm.s32 $0xFFFFFFFF;
	p2 =	slt.u32 s8, $0xFFFFF086  }
0x1c: {  	p1 =	slt.u32 s9, $0xF7A;
	s5 =	simm.s32 @!p2 $0x0  }
0x1d: {  	s5 =	simm.s32 @p1 $0x1;
	p0 =	seq.s32 s7, s2  }
0x1e: {  	s7 =	smul.u32 @!p0 $0xF7A, s2;
	p2 =	seq.s32 @!p0 s5, $0x0  }
0x1f: {  	s9 =	smul.u32 $0xF7A, s1;
	s8 =	simm.s32 @!p0 $0x1BF5;
	p2 =	por !p2, p0  }
0x20: {  	[sflag:s8] =	ssyncset.s32 @!p0 $0xFFFFF086;
	s6 =	sadd.s32 @!p0 s3, s7;
	s7 =	simm.s32 @!p0 $0x108  }
0x21: {  	s3 =	sadd.s32 s3, s9;
	s6 =	sadd.s32 @!p0 $0x88, s6;
	s7 =	simm.s32 @p2 $0x1082  }
0x22: {  	[simem:s7], [sflag:s8] =	dma.local @!p0 [hbm:s6], $0xF7A  }
0x23: {  	s9 =	sor.u32 $0xD0000000, s2;
	s6 =	simm.s32 $0x108;
	_ =	swait.ge @!p0 [sflag:s8], $0x0  }
0x24: {  	s3 =	sadd.s32 $0x88, s3;
	s6 =	simm.s32 @!p1 $0x1082;
	[sflag:s4] =	ssyncset.s32 $0xFFFFF086  }
0x25: {  	[simem:s6], [sflag:s4] =	dma.local [hbm:s3], $0xF7A  }
0x26: {  	[smem:$0x3F95] =	sst s1;
	(tag) =	ssettag s2;
	_ =	strace s9  }
0x27: {  	s1 =	sld [smem:$0x3FA5]  }
0x28: {  	s2 =	sld [smem:$0x3FA6]  }
0x29: {  	s4 =	sld [smem:$0x3FA8]  }
0x2a: {  	p0 =	seq.s32 s5, $0x0;
	s5 =	sld [smem:$0x3FA9]  }
0x2b: {  	s6 =	sld [smem:$0x3FAA]  }
0x2c: {  	s7 =	sld [smem:$0x3FAB]  }
0x2d: {  	s3 =	simm.s32 $0x108;
	s8 =	sld [smem:$0x3FAC]  }
0x2e: {  	s3 =	simm.s32 @!p0 $0x1082;
	s9 =	sld [smem:$0x3FAD]  }
0x2f: {  	lr =	sadd.s32 s0, s3;
	s0 =	sld [smem:$0x3FA4]  }
0x30: {  	s3 =	sld [smem:$0x3FA7]  }
0x31: {  	[smem:$0x3FB0] =	sst s10  }
0x32: {  	s10 =	sld [smem:$0x3FAE];
	_ =	sdelay $0x3  }
0x33: {  	p0 =	seq.s32 s10, $0x1;
	s10 =	sld [smem:$0x3FB0];
	_ =	sdelay $0x3  }
0x34: {  	[smem:$0x3FB0] =	sst s10  }
0x35: {  	s10 =	sld [smem:$0x3FAF];
	_ =	sdelay $0x3  }
0x36: {  	p1 =	seq.s32 s10, $0x1;
	s10 =	sld [smem:$0x3FB0];
	_ =	sdelay $0x3  }
0x37: {  	[smem:$0x3FB0] =	sst s10  }
0x38: {  	s10 =	sld [smem:$0x3FB1]  }
0x39: {  	_ = 	snop;
	(pc) =	sbr.ind lr, $3  }
0x3a: {  	_ = 	snop  }
0x3b: {  	_ = 	snop  }
0x3c: {  	p2 =	seq.s32 s10, $0x1;
	s10 =	sld [smem:$0x3FB0]  }
0x3d: {  	_ =	shalt  }
0x3e: {  	_ =	shalt  }
0x3f: {  	_ =	shalt  }
0x40: {  	_ =	shalt  }
0x41: {  	_ =	shalt  }
0x42: {  	_ =	shalt  }
0x43: {  	_ =	shalt  }
0x44: {  	_ =	shalt  }
0x45: {  	_ =	shalt  }
0x46: {  	_ =	shalt  }
0x47: {  	_ =	shalt  }
0x48: {  	_ =	shalt  }
0x49: {  	_ =	shalt  }
0x4a: {  	_ =	shalt  }
0x4b: {  	_ =	shalt  }
0x4c: {  	_ =	shalt  }
0x4d: {  	_ =	shalt  }
0x4e: {  	_ =	shalt  }
0x4f: {  	_ =	shalt  }
0x50: {  	_ =	shalt  }
0x51: {  	_ =	shalt  }
0x52: {  	_ =	shalt  }
0x53: {  	_ =	shalt  }
0x54: {  	_ =	shalt  }
0x55: {  	_ =	shalt  }
0x56: {  	_ =	shalt  }
0x57: {  	_ =	shalt  }
0x58: {  	_ =	shalt  }
0x59: {  	_ =	shalt  }
0x5a: {  	_ =	shalt  }
0x5b: {  	_ =	shalt  }
0x5c: {  	_ =	shalt  }
0x5d: {  	_ =	shalt  }
0x5e: {  	_ =	shalt  }
0x5f: {  	_ =	shalt  }
0x60: {  	_ =	shalt  }
0x61: {  	_ =	shalt  }
0x62: {  	_ =	shalt  }
0x63: {  	_ =	shalt  }
0x64: {  	_ =	shalt  }
0x65: {  	_ =	shalt  }
0x66: {  	_ =	shalt  }
0x67: {  	_ =	shalt  }
0x68: {  	_ =	shalt  }
0x69: {  	_ =	shalt  }
0x6a: {  	_ =	shalt  }
0x6b: {  	_ =	shalt  }
0x6c: {  	_ =	shalt  }
0x6d: {  	_ =	shalt  }
0x6e: {  	_ =	shalt  }
0x6f: {  	_ =	shalt  }
0x70: {  	_ =	shalt  }
0x71: {  	_ =	shalt  }
0x72: {  	_ =	shalt  }
0x73: {  	_ =	shalt  }
0x74: {  	_ =	shalt  }
0x75: {  	_ =	shalt  }
0x76: {  	_ =	shalt  }
0x77: {  	_ =	shalt  }
0x78: {  	_ =	shalt  }
0x79: {  	_ =	shalt  }
0x7a: {  	_ =	shalt  }
0x7b: {  	_ =	shalt  }
0x7c: {  	_ =	shalt  }
0x7d: {  	_ =	shalt  }
0x7e: {  	_ =	shalt  }
0x7f: {  	_ =	shalt  }
0x80: {  	_ =	shalt  }
0x81: {  	_ =	shalt  }
0x82: {  	_ =	shalt  }
0x83: {  	_ =	shalt  }
0x84: {  	_ =	shalt  }
0x85: {  	_ =	shalt  }
0x86: {  	_ =	shalt  }
0x87: {  	_ =	shalt  }
.Lfunc_end0:
.L_simem_size_0:
called_computation.1_lowered:
.L_overlay_start_0:
0x88: {  	s2 =	sld [smem:$0x3FD9]  }
0x89: {  	s3 =	sld [smem:$0x3FFE];
	_ =	sdelay $0x1  }
0x8a: {  	s1 =	srdreg.scid  }
0x8b: {  	s0 =	sand.u32 $0x1, s1  }
0x8c: {  	s17 =	sshll.u32 s0, $0xA;
	s2 =	sadd.s32 s3, s2  }
0x8d: {  	s2 =	sadd.s32 s2, s17  }
0x8e: {  	[smem:$0x3FBC] =	sst s2  }
0x8f: {  	_ = 	snop  }
0x90: {  	s2 =	sld [smem:$0x3FD0];
	(tm) =	ssettm $0x1  }
0x91: {  	s18 =	sld [smem:$0x3FFB];
	_ =	sdelay $0x3  }
0x92: {  	_ =	strace s18  }
0x93: {  	s3 =	sld [smem:$0x3FFC];
	_ =	sdelay $0x3  }
0x94: {  	_ =	strace s3  }
0x95: {  	s3 =	sld [smem:$0x3FFD];
	_ =	sdelay $0x3  }
0x96: {  	_ =	strace s3  }
0x97: {  	_ =	strace $0x8FFFFFFF  }
0x98: {  	s19 =	sld [smem:$0x3FDB];
	_ =	sdelay $0x1  }
0x99: {  	s4 =	simm.s32 $_scs_section_size  }
0x9a: {  	s5 =	simm.s32 $_size__tile_overlayer_lowered;
	s6 =	simm.s32 $_tile_overlayer_lowered  }
0x9b: {  	s22 =	simm.s32 $0x1BFF;
	s21 =	sshll.u32 s6, $0x1;
	s3 =	sadd.s32 s4, s19  }
0x9c: {  	s7 =	simm.s32 $0x0;
	s20 =	sshll.u32 s5, $0x1;
	s5 =	sadd.s32 s21, s3  }
0x9d: {  	[timem:s7], [sflag:s22] =	dma.local [hbm:s5], s20  }
0x9e: {  	_ =	swait.ge [sflag:s22], s20  }
0x9f: {  	s4 =	ssub.s32 $0x0, s20;
	[sflag:s22] =	ssyncset.done $0x0  }
0xa0: {  	[sflag:s22] =	ssyncadd.s32 s4;
	_ =	sdelay $0x1  }
0xa1: {  	s23 =	simm.s32 $0x1B8B  }
0xa2: {  	_ =	swait.ge [sflag:s23], $0x1  }
0xa3: {  	[sflag:s23] =	ssyncset.done $0x0  }
0xa4: {  	s25 =	simm.s32 $0x1B8E;
	s24 =	sld [smem:$0x3FFE];
	[sflag:s23] =	ssyncadd.s32 $0xFFFFFFFF  }
0xa5: {  	s26 =	simm.s32 $execute0_lowered;
	[smem:$0x3FD2] =	sst s25  }
0xa6: {  	s5 =	sshll.u32 s26, $0x1;
	_ =	strace $0x80000049;
	[dreg:$0x1] =	wrdreg $0xFFFFFFFF  }
0xa7: {  	s28 =	simm.s32 $_size_execute0_lowered;
	s3 =	sadd.s32 s3, s5;
	[dreg:$0x0] =	wrdreg $0x0  }
0xa8: {  	s5 =	sshll.u32 s28, $0x1;
	[dreg:$0x2] =	wrdreg s3  }
0xa9: {  	[dreg:$0x3] =	wrdreg s5  }
0xaa: {  	[dreg:$0x4] =	wrdreg $0xC0  }
0xab: {  	_ =	task [dreg:s7], $0x5FFFF  }
0xac: {  	[dreg:$0x1] =	wrdreg $0xFFFFFFFF  }
0xad: {  	[dreg:$0x0] =	wrdreg $0x60  }
0xae: {  	[dreg:$0x2] =	wrdreg s2  }
0xaf: {  	[dreg:$0x3] =	wrdreg s24  }
0xb0: {  	[dreg:$0x4] =	wrdreg $0x82000  }
0xb1: {  	[dreg:$0x5] =	wrdreg $0x9  }
0xb2: {  	_ =	task.clear_ibuf [dreg:s7], $0x6FFFF;
	_ =	strace $0x90000049  }
0xb3: {  	s29 =	simm.s32 $0x9;
	_ =	strace $0x8000004B  }
0xb4: {  	_ =	swait.ge [sflag:s29], $0x1  }
0xb5: {  	[sflag:s29] =	ssyncadd.s32 $0xFFFFFFFF  }
0xb6: {  	_ =	strace $0x9000004B  }
0xb7: {  	_ =	sfence  }
0xb8: {  	s30 =	sld [smem:$0x0];
	_ =	sdelay $0x2  }
0xb9: {  	s31 =	sshll.u32 s1, $0xD;
	s1 =	sshrl.u32 s1, $0x2  }
0xba: {  	s3 =	sand.u32 $0x4000, s31;
	s1 =	sadd.s32 s1, s30  }
0xbb: {  	s0 =	sor.u32 s3, s0;
	s1 =	sshll.u32 s1, $0x11  }
0xbc: {  	s0 =	sor.u32 s1, s0  }
0xbd: {  	s0 =	sadd.s32 $0x8F2B, s0  }
0xbe: {  	[sflag:s0] =	ssyncadd.remote.s32 $0x1  }
0xbf: {  	_ =	sfence.sel $0xFFFF  }
0xc0: {  	[dreg:$0x0] =	wrdreg $0xFFFFFFFF;
	(pc) =	sbr.abs _section_cstart, $3  }
0xc1: {  	[dreg:$0x1] =	wrdreg $0xFFFFFFFF  }
0xc2: {  	_ =	task.clear_ibuf [dreg:s7], $0x2FFFF;
	_ =	strace $0x9FFFFFFF  }
0xc3: {  	(tm) =	ssettm $0x7FFFFFFF  }
tec
execute0_lowered:
.L_overlay_start_1:
0x0: {  	(tag) =	ssettag $0x1  }
0x1: {  	s1 =	rddreg [dreg:$0x0]  }
0x2: {  	s0 =	rddreg [dreg:$0x1]  }
0x3: {  	s2 =	rddreg [dreg:$0x2]  }
0x4: {  	s4 =	simm.s32 $0x0;
	s3 =	stileid.u32;
	s6 =	srdreg.scid  }
0x5: {  	s28 =	simm.s32 $0x4180;
	s29 =	simm.s32 $0x4200;
	s30 =	simm.s32 $0x1  }
0x6: {  	s31 =	simm.s32 $0x2;
	[smem:$0x7FF] =	sst s4;
	s9 =	smul.u32 $0x2700, s3  }
0x7: {  	s5 =	sadd.s32 $0x16E00, s0;
	s7 =	sadd.s32 $0xD000, s0;
	s10 =	smul.u32 $0x4E000, s3  }
0x8: {  	s6 =	sand.u32 $0x1, s6;
	s14 =	sadd.s32 $0x3200, s0;
	s12 =	smul.u32 $0x4F00, s3  }
0x9: {  	s23 =	sadd.s32 $0x24900, s1;
	s24 =	sadd.s32 $0x62900, s0;
	s25 =	sadd.s32 $0x3B700, s0  }
0xa: {  	s26 =	smul.u32 $0x9E0, s3;
	_ =	strace $0x8000004A;
	[dreg:$0x5] =	wrdreg s23  }
0xb: {  	p1 =	seq.s32 s3, $0xF;
	s8 =	ssub.s32 $0x2, s6;
	[dreg:$0x7] =	wrdreg s24  }
0xc: {  	p0 =	seq.s32 s6, $0x1;
	[dreg:$0x9] =	wrdreg s25;
	s23 =	simm.s32 $0x3  }
0xd: {  	s24 =	simm.s32 $0x80;
	s25 =	simm.s32 $0x100;
	s15 =	sadd.s32 s9, s0  }
0xe: {  	s11 =	sshrl.u32 s8, $0x1;
	s20 =	sshrl.u32 s10, $0x2;
	s21 =	sadd.s32 s1, s9  }
0xf: {  	s22 =	sshrl.u32 s12, $0x3;
	s9 =	sadd.s32 s5, s9;
	s0 =	sadd.s32 $0x89B00, s0  }
0x10: {  	s16 =	ssub.s32 s8, s11;
	s6 =	sadd.s32 s20, s2;
	[dreg:$0x4] =	wrdreg s21  }
0x11: {  	s8 =	sadd.s32 $0x124800, s2;
	s13 =	sadd.s32 $0x9D0, s22;
	s10 =	sadd.s32 s7, s22  }
.Ltmp0:
0x12: {  	s11 =	sadd.s32 s14, s22;
	[dreg:$0x8] =	wrdreg s9;
	(pc) =	sbr.rel .LBB2_1-.Ltmp0, $4  }
0x13: {  	s17 =	sadd.s32 $0x3E000, s15;
	s15 =	sadd.s32 $0x65200, s15;
	[dreg:$0xb] =	wrdreg s0  }
0x14: {  	s21 =	sadd.s32 s26, s14;
	s22 =	sadd.s32 s26, s7;
	s26 =	simm.s32 $0x4100  }
0x15: {  	s0 =	simm.s32 $0x0;
	s12 =	sadd.s32 s7, s13;
	[dreg:$0x6] =	wrdreg s17  }
0x16: {  	s13 =	sadd.s32 s14, s13;
	[dreg:$0xa] =	wrdreg s15;
	s20 =	smax.u32 s16, $0x1  }
.LBB2_7:
0x17: {  	s3 =	sadd.s32 $0x9D0, s17;
	[sflag:s23] =	ssyncadd.s32 $0xFFFFC000  }
0x18: {  	[tilespmem:s26], [sflag:$0x3] =	stream.linear.gather [hbm4b:s3+s4], $0x80, $0x38;
	[tilespmem:$0x1BB00] =	vst v63  }
0x19: {  	_ =	swait.ge [sflag:s23], $0x80  }
0x1a: {  	s18 =	sadd.s32 s15, s21;
	[sflag:s23] =	ssyncset.done $0x0  }
0x1b: {  	s15 =	sadd.s32 $0x9D0, s18;
	[sflag:s23] =	ssyncadd.s32 $0xFFFFFF80  }
0x1c: {  	[tilespmem:s28], [sflag:$0x3] =	stream.linear.gather [hbm4b:s15+s4], $0x80, $0x38;
	[tilespmem:$0x1BB00] =	vst v63  }
0x1d: {  	_ =	swait.ge [sflag:s23], $0x80  }
0x1e: {  	[sflag:s23] =	ssyncset.done $0x0  }
0x1f: {  	[sflag:s23] =	ssyncadd.s32 $0xFFFFFF80  }
0x20: {  	[tilespmem:s29], [sflag:$0x2] =	stream.indirect.gather [hbm4b:s5+s24], $0x80, s26, s24, $0xb8;
	[tilespmem:$0x1BB00] =	vst v63  }
0x21: {  	_ =	swait.ge [sflag:s30], $0x4000  }
0x22: {  	[sflag:s30] =	ssyncset.done $0x0  }
0x23: {  	[sflag:s30] =	ssyncadd.s32 $0xFFFFC000  }
0x24: {  	[spmem:s2] =	stream.indirect.scatter.add.f32 [tilespmem:s25], [sflag:$0x3], $0x80, s24, s24, $0xb8;
	[tilespmem:$0x1BB00] =	vst v63  }
0x25: {  	_ =	swait.ge [sflag:s23], $0x4000  }
0x26: {  	[sflag:s23] =	ssyncset.done $0x0  }
0x27: {  	s19 =	sadd.s32 $0x9E0, s17;
	[sflag:s23] =	ssyncadd.s32 $0xFFFFC000  }
0x28: {  	[tilespmem:s4], [sflag:$0x3] =	stream.linear.gather [hbm4b:s19+s4], $0x80, $0x38;
	[tilespmem:$0x1BB00] =	vst v63  }
0x29: {  	_ =	swait.ge [sflag:s23], $0x80  }
0x2a: {  	[sflag:s23] =	ssyncset.done $0x0  }
0x2b: {  	s3 =	sadd.s32 $0x9E0, s18;
	[sflag:s23] =	ssyncadd.s32 $0xFFFFFF80  }
0x2c: {  	[tilespmem:s24], [sflag:$0x3] =	stream.linear.gather [hbm4b:s3+s4], $0x80, $0x38;
	[tilespmem:$0x1BB00] =	vst v63  }
0x2d: {  	_ =	swait.ge [sflag:s23], $0x80  }
0x2e: {  	[sflag:s23] =	ssyncset.done $0x0  }
0x2f: {  	[sflag:s23] =	ssyncadd.s32 $0xFFFFFF80  }
0x30: {  	[tilespmem:s25], [sflag:$0x1] =	stream.indirect.gather [hbm4b:s5+s24], $0x80, s4, s24, $0xb8;
	[tilespmem:$0x1BB00] =	vst v63  }
0x31: {  	_ =	swait.ge [sflag:s31], $0x4000  }
0x32: {  	[sflag:s31] =	ssyncset.done $0x0  }
0x33: {  	[sflag:s31] =	ssyncadd.s32 $0xFFFFC000  }
0x34: {  	[spmem:s2] =	stream.indirect.scatter.add.f32 [tilespmem:s29], [sflag:$0x3], $0x80, s28, s24, $0xb8;
	[tilespmem:$0x1BB00] =	vst v63  }
0x35: {  	_ =	swait.ge [sflag:s23], $0x4000  }
0x36: {  	[sflag:s23] =	ssyncset.done $0x0  }
0x37: {  	[sflag:s23] =	ssyncadd.s32 $0xFFFFC000  }
0x38: {  	[tilespmem:s26], [sflag:$0x3] =	stream.linear.gather [hbm4b:s12+s4], $0x80, $0x38;
	[tilespmem:$0x1BB00] =	vst v63  }
0x39: {  	_ =	swait.ge [sflag:s23], $0x80  }
0x3a: {  	[sflag:s23] =	ssyncset.done $0x0  }
0x3b: {  	[sflag:s23] =	ssyncadd.s32 $0xFFFFFF80  }
0x3c: {  	[tilespmem:s28], [sflag:$0x3] =	stream.linear.gather [hbm4b:s13+s4], $0x80, $0x38;
	[tilespmem:$0x1BB00] =	vst v63  }
0x3d: {  	_ =	swait.ge [sflag:s23], $0x80  }
0x3e: {  	[sflag:s23] =	ssyncset.done $0x0  }
0x3f: {  	[sflag:s23] =	ssyncadd.s32 $0xFFFFFF80  }
0x40: {  	[tilespmem:s29], [sflag:$0x2] =	stream.indirect.gather [hbm4b:s5+s24], $0x80, s26, s24, $0xb8;
	[tilespmem:$0x1BB00] =	vst v63  }
0x41: {  	_ =	swait.ge [sflag:s30], $0x4000  }
0x42: {  	[sflag:s30] =	ssyncset.done $0x0  }
0x43: {  	[sflag:s30] =	ssyncadd.s32 $0xFFFFC000  }
0x44: {  	[spmem:s2] =	stream.indirect.scatter.add.f32 [tilespmem:s25], [sflag:$0x3], $0x80, s24, s24, $0xb8;
	[tilespmem:$0x1BB00] =	vst v63  }
0x45: {  	_ =	swait.ge [sflag:s23], $0x4000  }
0x46: {  	[sflag:s23] =	ssyncset.done $0x0  }
0x47: {  	[sflag:s23] =	ssyncadd.s32 $0xFFFFC000  }
0x48: {  	_ =	swait.ge [sflag:s31], $0x4000  }
0x49: {  	[sflag:s31] =	ssyncset.done $0x0  }
0x4a: {  	[sflag:s31] =	ssyncadd.s32 $0xFFFFC000  }
0x4b: {  	[spmem:s2] =	stream.indirect.scatter.add.f32 [tilespmem:s29], [sflag:$0x3], $0x80, s28, s24, $0xb8;
	[tilespmem:$0x1BB00] =	vst v63  }
0x4c: {  	_ =	swait.ge [sflag:s23], $0x4000  }
0x4d: {  	[sflag:s23] =	ssyncset.done $0x0  }
0x4e: {  	[sflag:s23] =	ssyncadd.s32 $0xFFFFC000  }
0x4f: {  	[bflag:$0x0] =	sbarrier.arrive $0xFFFF  }
0x50: {  	s3 =	simm.s32 @p1 $0x1FC3;
	s15 =	rddreg [dreg:$0xb]  }
0x51: {  	[hbm:s15], [sflag:s3] =	dma.local @p1 [spmem:s14], $0x2800  }
0x52: {  	s3 =	simm.s32 @p1 $0x3  }
0x53: {  	_ =	swait.ge @p1 [sflag:s3], $0x2800  }
0x54: {  	[sflag:s3] =	ssyncset.done @p1 $0x0  }
0x55: {  	[sflag:s3] =	ssyncadd.s32 @p1 $0xFFFFD800;
	s3 =	rddreg [dreg:$0xa]  }
0x56: {  	[hbm:s3], [sflag:s9] =	dma.local @!p1 [spmem:s7], $0x2700  }
0x57: {  	s3 =	simm.s32 @!p1 $0x3  }
0x58: {  	_ =	swait.ge @!p1 [sflag:s3], $0x2700  }
0x59: {  	[sflag:s3] =	ssyncset.done @!p1 $0x0  }
0x5a: {  	[sflag:s3] =	ssyncadd.s32 @!p1 $0xFFFFD900  }
.LBB2_8:
0x5b: {  	s0 =	sadd.s32 $0x1, s0  }
0x5c: {  	p2 =	sne.s32 s0, s20  }
.Ltmp1:
0x5d: {  	_ = 	snop;
	(pc) =	sbr.rel @!p2 .LBB2_9-.Ltmp1, $1  }
0x5e: {  	_ =	sdelay $0x3  }
.LBB2_1:
.Ltmp2:
0x5f: {  	(pc) =	sbr.rel @!p0 .LBB2_2-.Ltmp2, $4  }
0x60: {  	_ = 	snop  }
0x61: {  	s3 =	stileid.u32  }
0x62: {  	s9 =	sshll.u32 @!p1 s3, $0x6  }
0x63: {  	s14 =	sshrl.u32 @p1 s8, $0x3;
	s7 =	sshrl.u32 @!p1 s6, $0x3;
	s9 =	sor.u32 @!p1 $0x1C03, s9  }
0x64: {  	s3 =	simm.s32 @p1 $0x1FC3;
	s15 =	rddreg [dreg:$0x9]  }
0x65: {  	[spmem:s14], [sflag:s3] =	dma.local @p1 [hbm:s15], $0x2800  }
0x66: {  	s3 =	simm.s32 @p1 $0x3  }
0x67: {  	_ =	swait.ge @p1 [sflag:s3], $0x2800  }
0x68: {  	[sflag:s3] =	ssyncset.done @p1 $0x0  }
0x69: {  	[sflag:s3] =	ssyncadd.s32 @p1 $0xFFFFD800;
	s3 =	rddreg [dreg:$0x8]  }
0x6a: {  	[spmem:s7], [sflag:s9] =	dma.local @!p1 [hbm:s3], $0x2700  }
0x6b: {  	s3 =	simm.s32 @!p1 $0x3  }
0x6c: {  	_ =	swait.ge @!p1 [sflag:s3], $0x2700  }
0x6d: {  	[sflag:s3] =	ssyncset.done @!p1 $0x0  }
0x6e: {  	[sflag:s3] =	ssyncadd.s32 @!p1 $0xFFFFD900  }
0x6f: {  	[bflag:$0x0] =	sbarrier.arrive $0xFFFF  }
0x70: {  	[tilespmem:s4], [sflag:$0x3] =	stream.linear.gather [hbm4b:s10+s4], $0x80, $0x38;
	[tilespmem:$0x1BB00] =	vst v63  }
0x71: {  	_ =	swait.ge [sflag:s23], $0x80  }
0x72: {  	[sflag:s23] =	ssyncset.done $0x0  }
0x73: {  	[sflag:s23] =	ssyncadd.s32 $0xFFFFFF80  }
0x74: {  	[tilespmem:s24], [sflag:$0x3] =	stream.linear.gather [hbm4b:s11+s4], $0x80, $0x38;
	[tilespmem:$0x1BB00] =	vst v63  }
0x75: {  	_ =	swait.ge [sflag:s23], $0x80  }
0x76: {  	[sflag:s23] =	ssyncset.done $0x0  }
0x77: {  	s19 =	sadd.s32 $0xFFFFF640, s22;
	[sflag:s23] =	ssyncadd.s32 $0xFFFFFF80  }
0x78: {  	[tilespmem:s25], [sflag:$0x1] =	stream.indirect.gather [hbm4b:s5+s24], $0x80, s4, s24, $0xb8;
	[tilespmem:$0x1BB00] =	vst v63  }
0x79: {  	s17 =	sadd.s32 $0x9D0, s19  }
0x7a: {  	[tilespmem:s26], [sflag:$0x3] =	stream.linear.gather [hbm4b:s17+s4], $0x80, $0x38;
	[tilespmem:$0x1BB00] =	vst v63  }
0x7b: {  	_ =	swait.ge [sflag:s23], $0x80  }
0x7c: {  	s18 =	sadd.s32 $0xFFFFF640, s21;
	[sflag:s23] =	ssyncset.done $0x0  }
0x7d: {  	s16 =	sadd.s32 $0x9D0, s18;
	[sflag:s23] =	ssyncadd.s32 $0xFFFFFF80  }
0x7e: {  	[tilespmem:s28], [sflag:$0x3] =	stream.linear.gather [hbm4b:s16+s4], $0x80, $0x38;
	[tilespmem:$0x1BB00] =	vst v63  }
0x7f: {  	_ =	swait.ge [sflag:s23], $0x80  }
0x80: {  	[sflag:s23] =	ssyncset.done $0x0  }
0x81: {  	[sflag:s23] =	ssyncadd.s32 $0xFFFFFF80  }
0x82: {  	[tilespmem:s29], [sflag:$0x2] =	stream.indirect.gather [hbm4b:s5+s24], $0x80, s26, s24, $0xb8;
	[tilespmem:$0x1BB00] =	vst v63  }
0x83: {  	_ =	swait.ge [sflag:s30], $0x4000  }
0x84: {  	[sflag:s30] =	ssyncset.done $0x0  }
0x85: {  	[sflag:s30] =	ssyncadd.s32 $0xFFFFC000  }
0x86: {  	[spmem:s2] =	stream.indirect.scatter.add.f32 [tilespmem:s25], [sflag:$0x3], $0x80, s24, s24, $0xb8;
	[tilespmem:$0x1BB00] =	vst v63  }
0x87: {  	_ =	swait.ge [sflag:s23], $0x4000  }
0x88: {  	[sflag:s23] =	ssyncset.done $0x0  }
0x89: {  	s3 =	sadd.s32 $0x9E0, s19;
	[sflag:s23] =	ssyncadd.s32 $0xFFFFC000  }
0x8a: {  	[tilespmem:s4], [sflag:$0x3] =	stream.linear.gather [hbm4b:s3+s4], $0x80, $0x38;
	[tilespmem:$0x1BB00] =	vst v63  }
0x8b: {  	_ =	swait.ge [sflag:s23], $0x80  }
0x8c: {  	[sflag:s23] =	ssyncset.done $0x0  }
0x8d: {  	s19 =	sadd.s32 $0x9E0, s18;
	[sflag:s23] =	ssyncadd.s32 $0xFFFFFF80  }
0x8e: {  	[tilespmem:s24], [sflag:$0x3] =	stream.linear.gather [hbm4b:s19+s4], $0x80, $0x38;
	[tilespmem:$0x1BB00] =	vst v63  }
0x8f: {  	_ =	swait.ge [sflag:s23], $0x80  }
0x90: {  	[sflag:s23] =	ssyncset.done $0x0  }
0x91: {  	[sflag:s23] =	ssyncadd.s32 $0xFFFFFF80  }
0x92: {  	[tilespmem:s25], [sflag:$0x1] =	stream.indirect.gather [hbm4b:s5+s24], $0x80, s4, s24, $0xb8;
	[tilespmem:$0x1BB00] =	vst v63  }
0x93: {  	_ =	swait.ge [sflag:s31], $0x4000  }
0x94: {  	[sflag:s31] =	ssyncset.done $0x0  }
0x95: {  	[sflag:s31] =	ssyncadd.s32 $0xFFFFC000  }
0x96: {  	[spmem:s2] =	stream.indirect.scatter.add.f32 [tilespmem:s29], [sflag:$0x3], $0x80, s28, s24, $0xb8;
	[tilespmem:$0x1BB00] =	vst v63  }
0x97: {  	s15 =	simm.s32 $0xFFFFF660;
	_ =	swait.ge [sflag:s23], $0x4000  }
0x98: {  	s18 =	simm.s32 $0xFFFFF680;
	s17 =	sadd.s32 $0xFFFFF660, s22;
	[sflag:s23] =	ssyncset.done $0x0  }
.LBB2_6:
0x99: {  	s3 =	sadd.s32 $0x9D0, s17  }
0x9a: {  	[sflag:s23] =	ssyncadd.s32 $0xFFFFC000;
	s19 =	smov.u32 s18;
	s16 =	sadd.s32 $0x20, s18  }
0x9b: {  	[tilespmem:s26], [sflag:$0x3] =	stream.linear.gather [hbm4b:s3+s4], $0x80, $0x38;
	[tilespmem:$0x1BB00] =	vst v63  }
0x9c: {  	p2 =	sne.s32 s18, $0xFFFFFFE0;
	_ =	swait.ge [sflag:s23], $0x80  }
0x9d: {  	s3 =	sadd.s32 s15, s21;
	s15 =	smov.u32 s19;
	[sflag:s23] =	ssyncset.done $0x0  }
0x9e: {  	s18 =	sadd.s32 $0x9D0, s3;
	[sflag:s23] =	ssyncadd.s32 $0xFFFFFF80  }
0x9f: {  	[tilespmem:s28], [sflag:$0x3] =	stream.linear.gather [hbm4b:s18+s4], $0x80, $0x38;
	[tilespmem:$0x1BB00] =	vst v63  }
0xa0: {  	_ =	swait.ge [sflag:s23], $0x80  }
0xa1: {  	[sflag:s23] =	ssyncset.done $0x0  }
0xa2: {  	[sflag:s23] =	ssyncadd.s32 $0xFFFFFF80  }
0xa3: {  	[tilespmem:s29], [sflag:$0x2] =	stream.indirect.gather [hbm4b:s5+s24], $0x80, s26, s24, $0xb8;
	[tilespmem:$0x1BB00] =	vst v63  }
0xa4: {  	_ =	swait.ge [sflag:s30], $0x4000  }
0xa5: {  	[sflag:s30] =	ssyncset.done $0x0  }
0xa6: {  	[sflag:s30] =	ssyncadd.s32 $0xFFFFC000  }
0xa7: {  	[spmem:s2] =	stream.indirect.scatter.add.f32 [tilespmem:s25], [sflag:$0x3], $0x80, s24, s24, $0xb8;
	[tilespmem:$0x1BB00] =	vst v63  }
0xa8: {  	_ =	swait.ge [sflag:s23], $0x4000  }
0xa9: {  	[sflag:s23] =	ssyncset.done $0x0  }
0xaa: {  	s17 =	sadd.s32 $0x9E0, s17;
	[sflag:s23] =	ssyncadd.s32 $0xFFFFC000  }
0xab: {  	[tilespmem:s4], [sflag:$0x3] =	stream.linear.gather [hbm4b:s17+s4], $0x80, $0x38;
	[tilespmem:$0x1BB00] =	vst v63  }
0xac: {  	_ =	swait.ge [sflag:s23], $0x80  }
0xad: {  	[sflag:s23] =	ssyncset.done $0x0  }
0xae: {  	s3 =	sadd.s32 $0x9E0, s3;
	[sflag:s23] =	ssyncadd.s32 $0xFFFFFF80  }
0xaf: {  	[tilespmem:s24], [sflag:$0x3] =	stream.linear.gather [hbm4b:s3+s4], $0x80, $0x38;
	[tilespmem:$0x1BB00] =	vst v63  }
0xb0: {  	_ =	swait.ge [sflag:s23], $0x80  }
0xb1: {  	[sflag:s23] =	ssyncset.done $0x0  }
0xb2: {  	[sflag:s23] =	ssyncadd.s32 $0xFFFFFF80  }
0xb3: {  	[tilespmem:s25], [sflag:$0x1] =	stream.indirect.gather [hbm4b:s5+s24], $0x80, s4, s24, $0xb8;
	[tilespmem:$0x1BB00] =	vst v63  }
0xb4: {  	_ =	swait.ge [sflag:s31], $0x4000  }
.Ltmp3:
0xb5: {  	[sflag:s31] =	ssyncset.done $0x0;
	(pc) =	sbr.rel @p2 .LBB2_6-.Ltmp3, $4  }
0xb6: {  	[sflag:s31] =	ssyncadd.s32 $0xFFFFC000  }
0xb7: {  	[spmem:s2] =	stream.indirect.scatter.add.f32 [tilespmem:s29], [sflag:$0x3], $0x80, s28, s24, $0xb8;
	[tilespmem:$0x1BB00] =	vst v63  }
0xb8: {  	_ =	swait.ge [sflag:s23], $0x4000  }
0xb9: {  	s18 =	smov.u32 s16;
	s17 =	sadd.s32 s15, s22;
	[sflag:s23] =	ssyncset.done $0x0  }
.Ltmp4:
0xba: {  	_ = 	snop;
	(pc) =	sbr.rel .LBB2_7-.Ltmp4, $1  }
0xbb: {  	_ =	sdelay $0x3  }
.LBB2_2:
0xbc: {  	s15 =	simm.s32 @p1 $0x1FC3;
	s3 =	rddreg [dreg:$0x5]  }
0xbd: {  	[spmem:s14], [sflag:s15] =	dma.local @p1 [hbm:s3], $0x2800  }
0xbe: {  	s15 =	simm.s32 @p1 $0x3  }
0xbf: {  	_ =	swait.ge @p1 [sflag:s15], $0x2800  }
0xc0: {  	[sflag:s15] =	ssyncset.done @p1 $0x0  }
0xc1: {  	s3 =	rddreg [dreg:$0x4];
	[sflag:s15] =	ssyncadd.s32 @p1 $0xFFFFD800;
	s15 =	simm.s32 @!p1 $0x3  }
0xc2: {  	[spmem:s7], [sflag:s9] =	dma.local @!p1 [hbm:s3], $0x2700  }
0xc3: {  	_ =	swait.ge @!p1 [sflag:s15], $0x2700  }
0xc4: {  	[sflag:s15] =	ssyncset.done @!p1 $0x0  }
0xc5: {  	[sflag:s15] =	ssyncadd.s32 @!p1 $0xFFFFD900  }
0xc6: {  	[bflag:$0x0] =	sbarrier.arrive $0xFFFF  }
0xc7: {  	[tilespmem:s4], [sflag:$0x3] =	stream.linear.gather [hbm4b:s10+s4], $0x80, $0x38;
	[tilespmem:$0x1BB00] =	vst v63  }
0xc8: {  	_ =	swait.ge [sflag:s23], $0x80  }
0xc9: {  	[sflag:s23] =	ssyncset.done $0x0  }
0xca: {  	[sflag:s23] =	ssyncadd.s32 $0xFFFFFF80  }
0xcb: {  	[tilespmem:s24], [sflag:$0x3] =	stream.linear.gather [hbm4b:s11+s4], $0x80, $0x38;
	[tilespmem:$0x1BB00] =	vst v63  }
0xcc: {  	_ =	swait.ge [sflag:s23], $0x80  }
0xcd: {  	[sflag:s23] =	ssyncset.done $0x0  }
0xce: {  	s3 =	sadd.s32 $0xFFFFF640, s22;
	[sflag:s23] =	ssyncadd.s32 $0xFFFFFF80  }
0xcf: {  	[tilespmem:s25], [sflag:$0x1] =	stream.indirect.gather [hbm4b:s1+s24], $0x80, s4, s24, $0xb8;
	[tilespmem:$0x1BB00] =	vst v63  }
0xd0: {  	s16 =	sadd.s32 $0x9D0, s3  }
0xd1: {  	[tilespmem:s26], [sflag:$0x3] =	stream.linear.gather [hbm4b:s16+s4], $0x80, $0x38;
	[tilespmem:$0x1BB00] =	vst v63  }
0xd2: {  	_ =	swait.ge [sflag:s23], $0x80  }
0xd3: {  	s18 =	sadd.s32 $0xFFFFF640, s21;
	[sflag:s23] =	ssyncset.done $0x0  }
0xd4: {  	s17 =	sadd.s32 $0x9D0, s18;
	[sflag:s23] =	ssyncadd.s32 $0xFFFFFF80  }
0xd5: {  	[tilespmem:s28], [sflag:$0x3] =	stream.linear.gather [hbm4b:s17+s4], $0x80, $0x38;
	[tilespmem:$0x1BB00] =	vst v63  }
0xd6: {  	_ =	swait.ge [sflag:s23], $0x80  }
0xd7: {  	[sflag:s23] =	ssyncset.done $0x0  }
0xd8: {  	[sflag:s23] =	ssyncadd.s32 $0xFFFFFF80  }
0xd9: {  	[tilespmem:s29], [sflag:$0x2] =	stream.indirect.gather [hbm4b:s1+s24], $0x80, s26, s24, $0xb8;
	[tilespmem:$0x1BB00] =	vst v63  }
0xda: {  	_ =	swait.ge [sflag:s30], $0x4000  }
0xdb: {  	[sflag:s30] =	ssyncset.done $0x0  }
0xdc: {  	[sflag:s30] =	ssyncadd.s32 $0xFFFFC000  }
0xdd: {  	[spmem:s2] =	stream.indirect.scatter.add.f32 [tilespmem:s25], [sflag:$0x3], $0x80, s24, s24, $0xb8;
	[tilespmem:$0x1BB00] =	vst v63  }
0xde: {  	_ =	swait.ge [sflag:s23], $0x4000  }
0xdf: {  	[sflag:s23] =	ssyncset.done $0x0  }
0xe0: {  	s15 =	sadd.s32 $0x9E0, s3;
	[sflag:s23] =	ssyncadd.s32 $0xFFFFC000  }
0xe1: {  	[tilespmem:s4], [sflag:$0x3] =	stream.linear.gather [hbm4b:s15+s4], $0x80, $0x38;
	[tilespmem:$0x1BB00] =	vst v63  }
0xe2: {  	_ =	swait.ge [sflag:s23], $0x80  }
0xe3: {  	[sflag:s23] =	ssyncset.done $0x0  }
0xe4: {  	s19 =	sadd.s32 $0x9E0, s18;
	[sflag:s23] =	ssyncadd.s32 $0xFFFFFF80  }
0xe5: {  	[tilespmem:s24], [sflag:$0x3] =	stream.linear.gather [hbm4b:s19+s4], $0x80, $0x38;
	[tilespmem:$0x1BB00] =	vst v63  }
0xe6: {  	_ =	swait.ge [sflag:s23], $0x80  }
0xe7: {  	[sflag:s23] =	ssyncset.done $0x0  }
0xe8: {  	[sflag:s23] =	ssyncadd.s32 $0xFFFFFF80  }
0xe9: {  	[tilespmem:s25], [sflag:$0x1] =	stream.indirect.gather [hbm4b:s1+s24], $0x80, s4, s24, $0xb8;
	[tilespmem:$0x1BB00] =	vst v63  }
0xea: {  	_ =	swait.ge [sflag:s31], $0x4000  }
0xeb: {  	[sflag:s31] =	ssyncset.done $0x0  }
0xec: {  	[sflag:s31] =	ssyncadd.s32 $0xFFFFC000  }
0xed: {  	[spmem:s2] =	stream.indirect.scatter.add.f32 [tilespmem:s29], [sflag:$0x3], $0x80, s28, s24, $0xb8;
	[tilespmem:$0x1BB00] =	vst v63  }
0xee: {  	s16 =	simm.s32 $0xFFFFF680;
	_ =	swait.ge [sflag:s23], $0x4000  }
0xef: {  	s17 =	sadd.s32 $0xFFFFF660, s22;
	s15 =	simm.s32 $0xFFFFF660;
	[sflag:s23] =	ssyncset.done $0x0  }
.LBB2_3:
0xf0: {  	s19 =	sadd.s32 $0x9D0, s17  }
0xf1: {  	[sflag:s23] =	ssyncadd.s32 $0xFFFFC000;
	s3 =	smov.u32 s16;
	s18 =	sadd.s32 $0x20, s16  }
0xf2: {  	[tilespmem:s26], [sflag:$0x3] =	stream.linear.gather [hbm4b:s19+s4], $0x80, $0x38;
	[tilespmem:$0x1BB00] =	vst v63  }
0xf3: {  	p2 =	sne.s32 s16, $0xFFFFFFE0;
	_ =	swait.ge [sflag:s23], $0x80  }
0xf4: {  	s16 =	sadd.s32 s15, s21;
	s15 =	smov.u32 s3;
	[sflag:s23] =	ssyncset.done $0x0  }
0xf5: {  	s3 =	sadd.s32 $0x9D0, s16;
	[sflag:s23] =	ssyncadd.s32 $0xFFFFFF80  }
0xf6: {  	[tilespmem:s28], [sflag:$0x3] =	stream.linear.gather [hbm4b:s3+s4], $0x80, $0x38;
	[tilespmem:$0x1BB00] =	vst v63  }
0xf7: {  	_ =	swait.ge [sflag:s23], $0x80  }
0xf8: {  	[sflag:s23] =	ssyncset.done $0x0  }
0xf9: {  	[sflag:s23] =	ssyncadd.s32 $0xFFFFFF80  }
0xfa: {  	[tilespmem:s29], [sflag:$0x2] =	stream.indirect.gather [hbm4b:s1+s24], $0x80, s26, s24, $0xb8;
	[tilespmem:$0x1BB00] =	vst v63  }
0xfb: {  	_ =	swait.ge [sflag:s30], $0x4000  }
0xfc: {  	[sflag:s30] =	ssyncset.done $0x0  }
0xfd: {  	[sflag:s30] =	ssyncadd.s32 $0xFFFFC000  }
0xfe: {  	[spmem:s2] =	stream.indirect.scatter.add.f32 [tilespmem:s25], [sflag:$0x3], $0x80, s24, s24, $0xb8;
	[tilespmem:$0x1BB00] =	vst v63  }
0xff: {  	_ =	swait.ge [sflag:s23], $0x4000  }
0x100: {  	[sflag:s23] =	ssyncset.done $0x0  }
0x101: {  	s3 =	sadd.s32 $0x9E0, s17;
	[sflag:s23] =	ssyncadd.s32 $0xFFFFC000  }
0x102: {  	[tilespmem:s4], [sflag:$0x3] =	stream.linear.gather [hbm4b:s3+s4], $0x80, $0x38;
	[tilespmem:$0x1BB00] =	vst v63  }
0x103: {  	_ =	swait.ge [sflag:s23], $0x80  }
0x104: {  	[sflag:s23] =	ssyncset.done $0x0  }
0x105: {  	s3 =	sadd.s32 $0x9E0, s16;
	[sflag:s23] =	ssyncadd.s32 $0xFFFFFF80  }
0x106: {  	[tilespmem:s24], [sflag:$0x3] =	stream.linear.gather [hbm4b:s3+s4], $0x80, $0x38;
	[tilespmem:$0x1BB00] =	vst v63  }
0x107: {  	_ =	swait.ge [sflag:s23], $0x80  }
0x108: {  	[sflag:s23] =	ssyncset.done $0x0  }
0x109: {  	[sflag:s23] =	ssyncadd.s32 $0xFFFFFF80  }
0x10a: {  	[tilespmem:s25], [sflag:$0x1] =	stream.indirect.gather [hbm4b:s1+s24], $0x80, s4, s24, $0xb8;
	[tilespmem:$0x1BB00] =	vst v63  }
0x10b: {  	_ =	swait.ge [sflag:s31], $0x4000  }
.Ltmp5:
0x10c: {  	[sflag:s31] =	ssyncset.done $0x0;
	(pc) =	sbr.rel @p2 .LBB2_3-.Ltmp5, $4  }
0x10d: {  	[sflag:s31] =	ssyncadd.s32 $0xFFFFC000  }
0x10e: {  	[spmem:s2] =	stream.indirect.scatter.add.f32 [tilespmem:s29], [sflag:$0x3], $0x80, s28, s24, $0xb8;
	[tilespmem:$0x1BB00] =	vst v63  }
0x10f: {  	_ =	swait.ge [sflag:s23], $0x4000  }
0x110: {  	s17 =	sadd.s32 s15, s22;
	s16 =	smov.u32 s18;
	[sflag:s23] =	ssyncset.done $0x0  }
0x111: {  	s3 =	sadd.s32 $0x9D0, s17;
	[sflag:s23] =	ssyncadd.s32 $0xFFFFC000  }
0x112: {  	[tilespmem:s26], [sflag:$0x3] =	stream.linear.gather [hbm4b:s3+s4], $0x80, $0x38;
	[tilespmem:$0x1BB00] =	vst v63  }
0x113: {  	_ =	swait.ge [sflag:s23], $0x80  }
0x114: {  	s18 =	sadd.s32 s15, s21;
	[sflag:s23] =	ssyncset.done $0x0  }
0x115: {  	s15 =	sadd.s32 $0x9D0, s18;
	[sflag:s23] =	ssyncadd.s32 $0xFFFFFF80  }
0x116: {  	[tilespmem:s28], [sflag:$0x3] =	stream.linear.gather [hbm4b:s15+s4], $0x80, $0x38;
	[tilespmem:$0x1BB00] =	vst v63  }
0x117: {  	_ =	swait.ge [sflag:s23], $0x80  }
0x118: {  	[sflag:s23] =	ssyncset.done $0x0  }
0x119: {  	[sflag:s23] =	ssyncadd.s32 $0xFFFFFF80  }
0x11a: {  	[tilespmem:s29], [sflag:$0x2] =	stream.indirect.gather [hbm4b:s1+s24], $0x80, s26, s24, $0xb8;
	[tilespmem:$0x1BB00] =	vst v63  }
0x11b: {  	_ =	swait.ge [sflag:s30], $0x4000  }
0x11c: {  	[sflag:s30] =	ssyncset.done $0x0  }
0x11d: {  	[sflag:s30] =	ssyncadd.s32 $0xFFFFC000  }
0x11e: {  	[spmem:s2] =	stream.indirect.scatter.add.f32 [tilespmem:s25], [sflag:$0x3], $0x80, s24, s24, $0xb8;
	[tilespmem:$0x1BB00] =	vst v63  }
0x11f: {  	_ =	swait.ge [sflag:s23], $0x4000  }
0x120: {  	[sflag:s23] =	ssyncset.done $0x0  }
0x121: {  	s19 =	sadd.s32 $0x9E0, s17;
	[sflag:s23] =	ssyncadd.s32 $0xFFFFC000  }
0x122: {  	[tilespmem:s4], [sflag:$0x3] =	stream.linear.gather [hbm4b:s19+s4], $0x80, $0x38;
	[tilespmem:$0x1BB00] =	vst v63  }
0x123: {  	_ =	swait.ge [sflag:s23], $0x80  }
0x124: {  	[sflag:s23] =	ssyncset.done $0x0  }
0x125: {  	s3 =	sadd.s32 $0x9E0, s18;
	[sflag:s23] =	ssyncadd.s32 $0xFFFFFF80  }
0x126: {  	[tilespmem:s24], [sflag:$0x3] =	stream.linear.gather [hbm4b:s3+s4], $0x80, $0x38;
	[tilespmem:$0x1BB00] =	vst v63  }
0x127: {  	_ =	swait.ge [sflag:s23], $0x80  }
0x128: {  	[sflag:s23] =	ssyncset.done $0x0  }
0x129: {  	[sflag:s23] =	ssyncadd.s32 $0xFFFFFF80  }
0x12a: {  	[tilespmem:s25], [sflag:$0x1] =	stream.indirect.gather [hbm4b:s1+s24], $0x80, s4, s24, $0xb8;
	[tilespmem:$0x1BB00] =	vst v63  }
0x12b: {  	_ =	swait.ge [sflag:s31], $0x4000  }
0x12c: {  	[sflag:s31] =	ssyncset.done $0x0  }
0x12d: {  	[sflag:s31] =	ssyncadd.s32 $0xFFFFC000  }
0x12e: {  	[spmem:s2] =	stream.indirect.scatter.add.f32 [tilespmem:s29], [sflag:$0x3], $0x80, s28, s24, $0xb8;
	[tilespmem:$0x1BB00] =	vst v63  }
0x12f: {  	_ =	swait.ge [sflag:s23], $0x4000  }
0x130: {  	[sflag:s23] =	ssyncset.done $0x0  }
0x131: {  	[sflag:s23] =	ssyncadd.s32 $0xFFFFC000  }
0x132: {  	[tilespmem:s26], [sflag:$0x3] =	stream.linear.gather [hbm4b:s12+s4], $0x80, $0x38;
	[tilespmem:$0x1BB00] =	vst v63  }
0x133: {  	_ =	swait.ge [sflag:s23], $0x80  }
0x134: {  	[sflag:s23] =	ssyncset.done $0x0  }
0x135: {  	[sflag:s23] =	ssyncadd.s32 $0xFFFFFF80  }
0x136: {  	[tilespmem:s28], [sflag:$0x3] =	stream.linear.gather [hbm4b:s13+s4], $0x80, $0x38;
	[tilespmem:$0x1BB00] =	vst v63  }
0x137: {  	_ =	swait.ge [sflag:s23], $0x80  }
0x138: {  	[sflag:s23] =	ssyncset.done $0x0  }
0x139: {  	[sflag:s23] =	ssyncadd.s32 $0xFFFFFF80  }
0x13a: {  	[tilespmem:s29], [sflag:$0x2] =	stream.indirect.gather [hbm4b:s1+s24], $0x80, s26, s24, $0xb8;
	[tilespmem:$0x1BB00] =	vst v63  }
0x13b: {  	_ =	swait.ge [sflag:s30], $0x4000  }
0x13c: {  	[sflag:s30] =	ssyncset.done $0x0  }
0x13d: {  	[sflag:s30] =	ssyncadd.s32 $0xFFFFC000  }
0x13e: {  	[spmem:s2] =	stream.indirect.scatter.add.f32 [tilespmem:s25], [sflag:$0x3], $0x80, s24, s24, $0xb8;
	[tilespmem:$0x1BB00] =	vst v63  }
0x13f: {  	_ =	swait.ge [sflag:s23], $0x4000  }
0x140: {  	[sflag:s23] =	ssyncset.done $0x0  }
0x141: {  	[sflag:s23] =	ssyncadd.s32 $0xFFFFC000  }
0x142: {  	_ =	swait.ge [sflag:s31], $0x4000  }
0x143: {  	[sflag:s31] =	ssyncset.done $0x0  }
0x144: {  	[sflag:s31] =	ssyncadd.s32 $0xFFFFC000  }
0x145: {  	[spmem:s2] =	stream.indirect.scatter.add.f32 [tilespmem:s29], [sflag:$0x3], $0x80, s28, s24, $0xb8;
	[tilespmem:$0x1BB00] =	vst v63  }
0x146: {  	_ =	swait.ge [sflag:s23], $0x4000  }
0x147: {  	[sflag:s23] =	ssyncset.done $0x0  }
0x148: {  	[sflag:s23] =	ssyncadd.s32 $0xFFFFC000  }
0x149: {  	[bflag:$0x0] =	sbarrier.arrive $0xFFFF  }
0x14a: {  	s3 =	simm.s32 @p1 $0x1FC3;
	s15 =	rddreg [dreg:$0x7]  }
0x14b: {  	[hbm:s15], [sflag:s3] =	dma.local @p1 [spmem:s14], $0x2800  }
0x14c: {  	s3 =	simm.s32 @p1 $0x3  }
0x14d: {  	_ =	swait.ge @p1 [sflag:s3], $0x2800  }
0x14e: {  	[sflag:s3] =	ssyncset.done @p1 $0x0  }
0x14f: {  	[sflag:s3] =	ssyncadd.s32 @p1 $0xFFFFD800;
	s3 =	rddreg [dreg:$0x6]  }
0x150: {  	[hbm:s3], [sflag:s9] =	dma.local @!p1 [spmem:s7], $0x2700  }
.Ltmp6:
0x151: {  	_ = 	snop;
	(pc) =	sbr.rel .LBB2_8-.Ltmp6, $4  }
0x152: {  	s3 =	simm.s32 @!p1 $0x3  }
0x153: {  	_ =	swait.ge @!p1 [sflag:s3], $0x2700  }
0x154: {  	[sflag:s3] =	ssyncset.done @!p1 $0x0  }
0x155: {  	[sflag:s3] =	ssyncadd.s32 @!p1 $0xFFFFD900  }
.LBB2_9:
0x156: {  	_ =	sfence.sel $0x180000  }
0x157: {  	[bflag:$0x0] =	sbarrier.arrive $0xFFFF  }
0x158: {  	_ =	strace $0x9000004A  }
0x159: {  	s0 =	stileid.u32;
	[bflag:$0x2] =	sbarrier.arrive $0xFFFF  }
0x15a: {  	p0 =	sne.s32 s0, $0x0;
	s0 =	rddreg [dreg:$0x3]  }
0x15b: {  	s0 =	sadd.s32 @!p0 $0x100000, s0  }
0x15c: {  	[sflag:s0] =	ssyncadd.tile.s32 @!p0 $0x1;
	_ =	shalt  }
.Lfunc_end2:
_tile_overlayer_lowered:
.L_overlay_start_2:
0x15d: {  	(tag) =	ssettag $0x2  }
0x15e: {  	s0 =	rddreg [dreg:$0x0];
	s2 =	stileid.u32  }
0x15f: {  	s1 =	rddreg [dreg:$0x1];
	p0 =	sne.s32 s2, $0x0  }
0x160: {  	s3 =	rddreg [dreg:$0x2];
	[bflag:$0x3] =	sbarrier.arrive $0xFFFF;
	s2 =	simm.s32 @!p0 $0x1C03  }
0x161: {  	[timem:s3], [sflag:s2] =	dma.local @!p0 [hbm:s0], s1  }
0x162: {  	s0 =	simm.s32 @!p0 $0x3  }
0x163: {  	_ =	swait.ge @!p0 [sflag:s0], s1  }
0x164: {  	s1 =	ssub.s32 @!p0 $0x0, s1;
	[sflag:s0] =	ssyncset.done @!p0 $0x0  }
0x165: {  	[sflag:s0] =	ssyncadd.s32 @!p0 s1  }
0x166: {  	[bflag:$0x3] =	sbarrier.arrive $0xFFFF  }
0x167: {  	_ =	shalt  }

// kernel: kernel.7.cloned.1.call-start
scs
__scs_entry_jumppad:
0x0: {  	(pc) =	sbr.rel $0x88, $3  }
0x1: {  	(tag) =	ssettag $0x0;
	lr =	simm.s32 $0x1  }
0x2: {  	[smem:$0x3F95] =	sst lr;
	_ =	strace $0xD0000000  }
0x3: {  	_ = 	snop  }
0x4: {  	_ = 	snop  }
0x5: {  	_ = 	snop  }
0x6: {  	_ = 	snop  }
0x7: {  	_ = 	snop  }
__scs_overlays_trampoline_lowered:
0x8: {  	[smem:$0x3FA4] =	sst s0  }
0x9: {  	[smem:$0x3FA5] =	sst s1  }
0xa: {  	[smem:$0x3FA6] =	sst s2  }
0xb: {  	[smem:$0x3FA7] =	sst s3  }
0xc: {  	[smem:$0x3FA8] =	sst s4  }
0xd: {  	[smem:$0x3FA9] =	sst s5  }
0xe: {  	[smem:$0x3FAA] =	sst s6  }
0xf: {  	[smem:$0x3FAB] =	sst s7  }
0x10: {  	[smem:$0x3FAC] =	sst s8  }
0x11: {  	[smem:$0x3FAD] =	sst s9;
	s0 =	simm.s32 @!p0 $0x0  }
0x12: {  	s1 =	sld [smem:$0x3F93];
	s0 =	simm.s32 @p0 $0x1  }
0x13: {  	[smem:$0x3FAE] =	sst s0;
	s0 =	simm.s32 @!p1 $0x0  }
0x14: {  	s2 =	sld [smem:$0x3F92];
	s0 =	simm.s32 @p1 $0x1  }
0x15: {  	[smem:$0x3FAF] =	sst s0;
	s0 =	simm.s32 @!p2 $0x0  }
0x16: {  	s3 =	sld [smem:$0x3FDB];
	s0 =	simm.s32 @p2 $0x1  }
0x17: {  	s4 =	simm.s32 $0x1BF5;
	[smem:$0x3FB1] =	sst s0  }
0x18: {  	s0 =	sld [smem:$0x3F94];
	_ =	swait.ge [sflag:s4], $0x0  }
0x19: {  	s7 =	sld [smem:$0x3F95]  }
0x1a: {  	s8 =	sadd.s32 $0xFFFFE003, lr  }
0x1b: {  	s9 =	sadd.s32 $0xFFFFFEF7, lr;
	s5 =	simm.s32 $0xFFFFFFFF;
	p2 =	slt.u32 s8, $0xFFFFF086  }
0x1c: {  	p1 =	slt.u32 s9, $0xF7A;
	s5 =	simm.s32 @!p2 $0x0  }
0x1d: {  	s5 =	simm.s32 @p1 $0x1;
	p0 =	seq.s32 s7, s2  }
0x1e: {  	s7 =	smul.u32 @!p0 $0xF7A, s2;
	p2 =	seq.s32 @!p0 s5, $0x0  }
0x1f: {  	s9 =	smul.u32 $0xF7A, s1;
	s8 =	simm.s32 @!p0 $0x1BF5;
	p2 =	por !p2, p0  }
0x20: {  	[sflag:s8] =	ssyncset.s32 @!p0 $0xFFFFF086;
	s6 =	sadd.s32 @!p0 s3, s7;
	s7 =	simm.s32 @!p0 $0x108  }
0x21: {  	s3 =	sadd.s32 s3, s9;
	s6 =	sadd.s32 @!p0 $0x88, s6;
	s7 =	simm.s32 @p2 $0x1082  }
0x22: {  	[simem:s7], [sflag:s8] =	dma.local @!p0 [hbm:s6], $0xF7A  }
0x23: {  	s9 =	sor.u32 $0xD0000000, s2;
	s6 =	simm.s32 $0x108;
	_ =	swait.ge @!p0 [sflag:s8], $0x0  }
0x24: {  	s3 =	sadd.s32 $0x88, s3;
	s6 =	simm.s32 @!p1 $0x1082;
	[sflag:s4] =	ssyncset.s32 $0xFFFFF086  }
0x25: {  	[simem:s6], [sflag:s4] =	dma.local [hbm:s3], $0xF7A  }
0x26: {  	[smem:$0x3F95] =	sst s1;
	(tag) =	ssettag s2;
	_ =	strace s9  }
0x27: {  	s1 =	sld [smem:$0x3FA5]  }
0x28: {  	s2 =	sld [smem:$0x3FA6]  }
0x29: {  	s4 =	sld [smem:$0x3FA8]  }
0x2a: {  	p0 =	seq.s32 s5, $0x0;
	s5 =	sld [smem:$0x3FA9]  }
0x2b: {  	s6 =	sld [smem:$0x3FAA]  }
0x2c: {  	s7 =	sld [smem:$0x3FAB]  }
0x2d: {  	s3 =	simm.s32 $0x108;
	s8 =	sld [smem:$0x3FAC]  }
0x2e: {  	s3 =	simm.s32 @!p0 $0x1082;
	s9 =	sld [smem:$0x3FAD]  }
0x2f: {  	lr =	sadd.s32 s0, s3;
	s0 =	sld [smem:$0x3FA4]  }
0x30: {  	s3 =	sld [smem:$0x3FA7]  }
0x31: {  	[smem:$0x3FB0] =	sst s10  }
0x32: {  	s10 =	sld [smem:$0x3FAE];
	_ =	sdelay $0x3  }
0x33: {  	p0 =	seq.s32 s10, $0x1;
	s10 =	sld [smem:$0x3FB0];
	_ =	sdelay $0x3  }
0x34: {  	[smem:$0x3FB0] =	sst s10  }
0x35: {  	s10 =	sld [smem:$0x3FAF];
	_ =	sdelay $0x3  }
0x36: {  	p1 =	seq.s32 s10, $0x1;
	s10 =	sld [smem:$0x3FB0];
	_ =	sdelay $0x3  }
0x37: {  	[smem:$0x3FB0] =	sst s10  }
0x38: {  	s10 =	sld [smem:$0x3FB1]  }
0x39: {  	_ = 	snop;
	(pc) =	sbr.ind lr, $3  }
0x3a: {  	_ = 	snop  }
0x3b: {  	_ = 	snop  }
0x3c: {  	p2 =	seq.s32 s10, $0x1;
	s10 =	sld [smem:$0x3FB0]  }
0x3d: {  	_ =	shalt  }
0x3e: {  	_ =	shalt  }
0x3f: {  	_ =	shalt  }
0x40: {  	_ =	shalt  }
0x41: {  	_ =	shalt  }
0x42: {  	_ =	shalt  }
0x43: {  	_ =	shalt  }
0x44: {  	_ =	shalt  }
0x45: {  	_ =	shalt  }
0x46: {  	_ =	shalt  }
0x47: {  	_ =	shalt  }
0x48: {  	_ =	shalt  }
0x49: {  	_ =	shalt  }
0x4a: {  	_ =	shalt  }
0x4b: {  	_ =	shalt  }
0x4c: {  	_ =	shalt  }
0x4d: {  	_ =	shalt  }
0x4e: {  	_ =	shalt  }
0x4f: {  	_ =	shalt  }
0x50: {  	_ =	shalt  }
0x51: {  	_ =	shalt  }
0x52: {  	_ =	shalt  }
0x53: {  	_ =	shalt  }
0x54: {  	_ =	shalt  }
0x55: {  	_ =	shalt  }
0x56: {  	_ =	shalt  }
0x57: {  	_ =	shalt  }
0x58: {  	_ =	shalt  }
0x59: {  	_ =	shalt  }
0x5a: {  	_ =	shalt  }
0x5b: {  	_ =	shalt  }
0x5c: {  	_ =	shalt  }
0x5d: {  	_ =	shalt  }
0x5e: {  	_ =	shalt  }
0x5f: {  	_ =	shalt  }
0x60: {  	_ =	shalt  }
0x61: {  	_ =	shalt  }
0x62: {  	_ =	shalt  }
0x63: {  	_ =	shalt  }
0x64: {  	_ =	shalt  }
0x65: {  	_ =	shalt  }
0x66: {  	_ =	shalt  }
0x67: {  	_ =	shalt  }
0x68: {  	_ =	shalt  }
0x69: {  	_ =	shalt  }
0x6a: {  	_ =	shalt  }
0x6b: {  	_ =	shalt  }
0x6c: {  	_ =	shalt  }
0x6d: {  	_ =	shalt  }
0x6e: {  	_ =	shalt  }
0x6f: {  	_ =	shalt  }
0x70: {  	_ =	shalt  }
0x71: {  	_ =	shalt  }
0x72: {  	_ =	shalt  }
0x73: {  	_ =	shalt  }
0x74: {  	_ =	shalt  }
0x75: {  	_ =	shalt  }
0x76: {  	_ =	shalt  }
0x77: {  	_ =	shalt  }
0x78: {  	_ =	shalt  }
0x79: {  	_ =	shalt  }
0x7a: {  	_ =	shalt  }
0x7b: {  	_ =	shalt  }
0x7c: {  	_ =	shalt  }
0x7d: {  	_ =	shalt  }
0x7e: {  	_ =	shalt  }
0x7f: {  	_ =	shalt  }
0x80: {  	_ =	shalt  }
0x81: {  	_ =	shalt  }
0x82: {  	_ =	shalt  }
0x83: {  	_ =	shalt  }
0x84: {  	_ =	shalt  }
0x85: {  	_ =	shalt  }
0x86: {  	_ =	shalt  }
0x87: {  	_ =	shalt  }
.Lfunc_end0:
.L_simem_size_0:
called_computation_lowered:
.L_overlay_start_0:
0x88: {  	s2 =	sld [smem:$0x3FD9]  }
0x89: {  	s3 =	sld [smem:$0x3FFE];
	_ =	sdelay $0x1  }
0x8a: {  	s1 =	srdreg.scid  }
0x8b: {  	s0 =	sand.u32 $0x1, s1  }
0x8c: {  	s17 =	sshll.u32 s0, $0xA;
	s2 =	sadd.s32 s3, s2  }
0x8d: {  	s2 =	sadd.s32 s2, s17  }
0x8e: {  	[smem:$0x3FBC] =	sst s2  }
0x8f: {  	_ = 	snop  }
0x90: {  	s2 =	sld [smem:$0x3FD0];
	(tm) =	ssettm $0x1  }
0x91: {  	s18 =	sld [smem:$0x3FFB];
	_ =	sdelay $0x3  }
0x92: {  	_ =	strace s18  }
0x93: {  	s3 =	sld [smem:$0x3FFC];
	_ =	sdelay $0x3  }
0x94: {  	_ =	strace s3  }
0x95: {  	s3 =	sld [smem:$0x3FFD];
	_ =	sdelay $0x3  }
0x96: {  	_ =	strace s3  }
0x97: {  	_ =	strace $0x8FFFFFFF  }
0x98: {  	s19 =	sld [smem:$0x3FDB];
	_ =	sdelay $0x1  }
0x99: {  	s4 =	simm.s32 $_scs_section_size  }
0x9a: {  	s5 =	simm.s32 $_size__tile_overlayer_lowered;
	s6 =	simm.s32 $_tile_overlayer_lowered  }
0x9b: {  	s22 =	simm.s32 $0x1BFF;
	s21 =	sshll.u32 s6, $0x1;
	s3 =	sadd.s32 s4, s19  }
0x9c: {  	s7 =	simm.s32 $0x0;
	s20 =	sshll.u32 s5, $0x1;
	s5 =	sadd.s32 s21, s3  }
0x9d: {  	[timem:s7], [sflag:s22] =	dma.local [hbm:s5], s20  }
0x9e: {  	_ =	swait.ge [sflag:s22], s20  }
0x9f: {  	s4 =	ssub.s32 $0x0, s20;
	[sflag:s22] =	ssyncset.done $0x0  }
0xa0: {  	[sflag:s22] =	ssyncadd.s32 s4;
	_ =	sdelay $0x1  }
0xa1: {  	s23 =	simm.s32 $0x1B8B  }
0xa2: {  	_ =	swait.ge [sflag:s23], $0x1  }
0xa3: {  	[sflag:s23] =	ssyncset.done $0x0  }
0xa4: {  	s25 =	simm.s32 $0x1B8E;
	s24 =	sld [smem:$0x3FFE];
	[sflag:s23] =	ssyncadd.s32 $0xFFFFFFFF  }
0xa5: {  	s26 =	simm.s32 $execute0_lowered;
	[smem:$0x3FD2] =	sst s25  }
0xa6: {  	s5 =	sshll.u32 s26, $0x1;
	_ =	strace $0x80000046;
	[dreg:$0x1] =	wrdreg $0xFFFFFFFF  }
0xa7: {  	s28 =	simm.s32 $_size_execute0_lowered;
	s3 =	sadd.s32 s3, s5;
	[dreg:$0x0] =	wrdreg $0x0  }
0xa8: {  	s5 =	sshll.u32 s28, $0x1;
	[dreg:$0x2] =	wrdreg s3  }
0xa9: {  	[dreg:$0x3] =	wrdreg s5  }
0xaa: {  	[dreg:$0x4] =	wrdreg $0xC0  }
0xab: {  	_ =	task [dreg:s7], $0x5FFFF  }
0xac: {  	[dreg:$0x1] =	wrdreg $0xFFFFFFFF  }
0xad: {  	[dreg:$0x0] =	wrdreg $0x60  }
0xae: {  	[dreg:$0x2] =	wrdreg s2  }
0xaf: {  	[dreg:$0x3] =	wrdreg s24  }
0xb0: {  	[dreg:$0x4] =	wrdreg $0x82000  }
0xb1: {  	[dreg:$0x5] =	wrdreg $0x9  }
0xb2: {  	_ =	task.clear_ibuf [dreg:s7], $0x6FFFF;
	_ =	strace $0x90000046  }
0xb3: {  	s29 =	simm.s32 $0x9;
	_ =	strace $0x80000048  }
0xb4: {  	_ =	swait.ge [sflag:s29], $0x1  }
0xb5: {  	[sflag:s29] =	ssyncadd.s32 $0xFFFFFFFF  }
0xb6: {  	_ =	strace $0x90000048  }
0xb7: {  	_ =	sfence  }
0xb8: {  	s30 =	sld [smem:$0x0];
	_ =	sdelay $0x2  }
0xb9: {  	s31 =	sshll.u32 s1, $0xD;
	s1 =	sshrl.u32 s1, $0x2  }
0xba: {  	s3 =	sand.u32 $0x4000, s31;
	s1 =	sadd.s32 s1, s30  }
0xbb: {  	s0 =	sor.u32 s3, s0;
	s1 =	sshll.u32 s1, $0x11  }
0xbc: {  	s0 =	sor.u32 s1, s0  }
0xbd: {  	s0 =	sadd.s32 $0x8F2B, s0  }
0xbe: {  	[sflag:s0] =	ssyncadd.remote.s32 $0x1  }
0xbf: {  	_ =	sfence.sel $0xFFFF  }
0xc0: {  	[dreg:$0x0] =	wrdreg $0xFFFFFFFF;
	(pc) =	sbr.abs _section_cstart, $3  }
0xc1: {  	[dreg:$0x1] =	wrdreg $0xFFFFFFFF  }
0xc2: {  	_ =	task.clear_ibuf [dreg:s7], $0x2FFFF;
	_ =	strace $0x9FFFFFFF  }
0xc3: {  	(tm) =	ssettm $0x7FFFFFFF  }
tec
execute0_lowered:
.L_overlay_start_1:
0x0: {  	(tag) =	ssettag $0x1  }
0x1: {  	s1 =	rddreg [dreg:$0x0]  }
0x2: {  	s0 =	rddreg [dreg:$0x1]  }
0x3: {  	s2 =	rddreg [dreg:$0x2]  }
0x4: {  	s4 =	simm.s32 $0x0;
	s3 =	stileid.u32;
	s6 =	srdreg.scid  }
0x5: {  	s28 =	simm.s32 $0x4180;
	s29 =	simm.s32 $0x4200;
	s30 =	simm.s32 $0x1  }
0x6: {  	s31 =	simm.s32 $0x2;
	[smem:$0x7FF] =	sst s4;
	s9 =	smul.u32 $0x2700, s3  }
0x7: {  	s5 =	sadd.s32 $0x16E00, s0;
	s7 =	sadd.s32 $0xD000, s0;
	s10 =	smul.u32 $0x4E000, s3  }
0x8: {  	s6 =	sand.u32 $0x1, s6;
	s14 =	sadd.s32 $0x3200, s0;
	s12 =	smul.u32 $0x4F00, s3  }
0x9: {  	s23 =	sadd.s32 $0x24900, s1;
	s24 =	sadd.s32 $0x62900, s0;
	s25 =	sadd.s32 $0x3B700, s0  }
0xa: {  	s26 =	smul.u32 $0x9E0, s3;
	_ =	strace $0x80000047;
	[dreg:$0x5] =	wrdreg s23  }
0xb: {  	p1 =	seq.s32 s3, $0xF;
	s8 =	ssub.s32 $0x2, s6;
	[dreg:$0x7] =	wrdreg s24  }
0xc: {  	p0 =	seq.s32 s6, $0x1;
	[dreg:$0x9] =	wrdreg s25;
	s23 =	simm.s32 $0x3  }
0xd: {  	s24 =	simm.s32 $0x80;
	s25 =	simm.s32 $0x100;
	s15 =	sadd.s32 s9, s0  }
0xe: {  	s11 =	sshrl.u32 s8, $0x1;
	s20 =	sshrl.u32 s10, $0x2;
	s21 =	sadd.s32 s1, s9  }
0xf: {  	s22 =	sshrl.u32 s12, $0x3;
	s9 =	sadd.s32 s5, s9;
	s0 =	sadd.s32 $0x89B00, s0  }
0x10: {  	s16 =	ssub.s32 s8, s11;
	s6 =	sadd.s32 s20, s2;
	[dreg:$0x4] =	wrdreg s21  }
0x11: {  	s8 =	sadd.s32 $0x124800, s2;
	s13 =	sadd.s32 $0x9D0, s22;
	s10 =	sadd.s32 s7, s22  }
.Ltmp0:
0x12: {  	s11 =	sadd.s32 s14, s22;
	[dreg:$0x8] =	wrdreg s9;
	(pc) =	sbr.rel .LBB2_1-.Ltmp0, $4  }
0x13: {  	s17 =	sadd.s32 $0x3E000, s15;
	s15 =	sadd.s32 $0x65200, s15;
	[dreg:$0xb] =	wrdreg s0  }
0x14: {  	s21 =	sadd.s32 s26, s14;
	s22 =	sadd.s32 s26, s7;
	s26 =	simm.s32 $0x4100  }
0x15: {  	s0 =	simm.s32 $0x0;
	s12 =	sadd.s32 s7, s13;
	[dreg:$0x6] =	wrdreg s17  }
0x16: {  	s13 =	sadd.s32 s14, s13;
	[dreg:$0xa] =	wrdreg s15;
	s20 =	smax.u32 s16, $0x1  }
.LBB2_7:
0x17: {  	s3 =	sadd.s32 $0x9D0, s17;
	[sflag:s23] =	ssyncadd.s32 $0xFFFFC000  }
0x18: {  	[tilespmem:s26], [sflag:$0x3] =	stream.linear.gather [hbm4b:s3+s4], $0x80, $0x38;
	[tilespmem:$0x1BB00] =	vst v63  }
0x19: {  	_ =	swait.ge [sflag:s23], $0x80  }
0x1a: {  	s18 =	sadd.s32 s15, s21;
	[sflag:s23] =	ssyncset.done $0x0  }
0x1b: {  	s15 =	sadd.s32 $0x9D0, s18;
	[sflag:s23] =	ssyncadd.s32 $0xFFFFFF80  }
0x1c: {  	[tilespmem:s28], [sflag:$0x3] =	stream.linear.gather [hbm4b:s15+s4], $0x80, $0x38;
	[tilespmem:$0x1BB00] =	vst v63  }
0x1d: {  	_ =	swait.ge [sflag:s23], $0x80  }
0x1e: {  	[sflag:s23] =	ssyncset.done $0x0  }
0x1f: {  	[sflag:s23] =	ssyncadd.s32 $0xFFFFFF80  }
0x20: {  	[tilespmem:s29], [sflag:$0x2] =	stream.indirect.gather [hbm4b:s5+s24], $0x80, s26, s24, $0xb8;
	[tilespmem:$0x1BB00] =	vst v63  }
0x21: {  	_ =	swait.ge [sflag:s30], $0x4000  }
0x22: {  	[sflag:s30] =	ssyncset.done $0x0  }
0x23: {  	[sflag:s30] =	ssyncadd.s32 $0xFFFFC000  }
0x24: {  	[spmem:s2] =	stream.indirect.scatter.add.f32 [tilespmem:s25], [sflag:$0x3], $0x80, s24, s24, $0xb8;
	[tilespmem:$0x1BB00] =	vst v63  }
0x25: {  	_ =	swait.ge [sflag:s23], $0x4000  }
0x26: {  	[sflag:s23] =	ssyncset.done $0x0  }
0x27: {  	s19 =	sadd.s32 $0x9E0, s17;
	[sflag:s23] =	ssyncadd.s32 $0xFFFFC000  }
0x28: {  	[tilespmem:s4], [sflag:$0x3] =	stream.linear.gather [hbm4b:s19+s4], $0x80, $0x38;
	[tilespmem:$0x1BB00] =	vst v63  }
0x29: {  	_ =	swait.ge [sflag:s23], $0x80  }
0x2a: {  	[sflag:s23] =	ssyncset.done $0x0  }
0x2b: {  	s3 =	sadd.s32 $0x9E0, s18;
	[sflag:s23] =	ssyncadd.s32 $0xFFFFFF80  }
0x2c: {  	[tilespmem:s24], [sflag:$0x3] =	stream.linear.gather [hbm4b:s3+s4], $0x80, $0x38;
	[tilespmem:$0x1BB00] =	vst v63  }
0x2d: {  	_ =	swait.ge [sflag:s23], $0x80  }
0x2e: {  	[sflag:s23] =	ssyncset.done $0x0  }
0x2f: {  	[sflag:s23] =	ssyncadd.s32 $0xFFFFFF80  }
0x30: {  	[tilespmem:s25], [sflag:$0x1] =	stream.indirect.gather [hbm4b:s5+s24], $0x80, s4, s24, $0xb8;
	[tilespmem:$0x1BB00] =	vst v63  }
0x31: {  	_ =	swait.ge [sflag:s31], $0x4000  }
0x32: {  	[sflag:s31] =	ssyncset.done $0x0  }
0x33: {  	[sflag:s31] =	ssyncadd.s32 $0xFFFFC000  }
0x34: {  	[spmem:s2] =	stream.indirect.scatter.add.f32 [tilespmem:s29], [sflag:$0x3], $0x80, s28, s24, $0xb8;
	[tilespmem:$0x1BB00] =	vst v63  }
0x35: {  	_ =	swait.ge [sflag:s23], $0x4000  }
0x36: {  	[sflag:s23] =	ssyncset.done $0x0  }
0x37: {  	[sflag:s23] =	ssyncadd.s32 $0xFFFFC000  }
0x38: {  	[tilespmem:s26], [sflag:$0x3] =	stream.linear.gather [hbm4b:s12+s4], $0x80, $0x38;
	[tilespmem:$0x1BB00] =	vst v63  }
0x39: {  	_ =	swait.ge [sflag:s23], $0x80  }
0x3a: {  	[sflag:s23] =	ssyncset.done $0x0  }
0x3b: {  	[sflag:s23] =	ssyncadd.s32 $0xFFFFFF80  }
0x3c: {  	[tilespmem:s28], [sflag:$0x3] =	stream.linear.gather [hbm4b:s13+s4], $0x80, $0x38;
	[tilespmem:$0x1BB00] =	vst v63  }
0x3d: {  	_ =	swait.ge [sflag:s23], $0x80  }
0x3e: {  	[sflag:s23] =	ssyncset.done $0x0  }
0x3f: {  	[sflag:s23] =	ssyncadd.s32 $0xFFFFFF80  }
0x40: {  	[tilespmem:s29], [sflag:$0x2] =	stream.indirect.gather [hbm4b:s5+s24], $0x80, s26, s24, $0xb8;
	[tilespmem:$0x1BB00] =	vst v63  }
0x41: {  	_ =	swait.ge [sflag:s30], $0x4000  }
0x42: {  	[sflag:s30] =	ssyncset.done $0x0  }
0x43: {  	[sflag:s30] =	ssyncadd.s32 $0xFFFFC000  }
0x44: {  	[spmem:s2] =	stream.indirect.scatter.add.f32 [tilespmem:s25], [sflag:$0x3], $0x80, s24, s24, $0xb8;
	[tilespmem:$0x1BB00] =	vst v63  }
0x45: {  	_ =	swait.ge [sflag:s23], $0x4000  }
0x46: {  	[sflag:s23] =	ssyncset.done $0x0  }
0x47: {  	[sflag:s23] =	ssyncadd.s32 $0xFFFFC000  }
0x48: {  	_ =	swait.ge [sflag:s31], $0x4000  }
0x49: {  	[sflag:s31] =	ssyncset.done $0x0  }
0x4a: {  	[sflag:s31] =	ssyncadd.s32 $0xFFFFC000  }
0x4b: {  	[spmem:s2] =	stream.indirect.scatter.add.f32 [tilespmem:s29], [sflag:$0x3], $0x80, s28, s24, $0xb8;
	[tilespmem:$0x1BB00] =	vst v63  }
0x4c: {  	_ =	swait.ge [sflag:s23], $0x4000  }
0x4d: {  	[sflag:s23] =	ssyncset.done $0x0  }
0x4e: {  	[sflag:s23] =	ssyncadd.s32 $0xFFFFC000  }
0x4f: {  	[bflag:$0x0] =	sbarrier.arrive $0xFFFF  }
0x50: {  	s3 =	simm.s32 @p1 $0x1FC3;
	s15 =	rddreg [dreg:$0xb]  }
0x51: {  	[hbm:s15], [sflag:s3] =	dma.local @p1 [spmem:s14], $0x2800  }
0x52: {  	s3 =	simm.s32 @p1 $0x3  }
0x53: {  	_ =	swait.ge @p1 [sflag:s3], $0x2800  }
0x54: {  	[sflag:s3] =	ssyncset.done @p1 $0x0  }
0x55: {  	[sflag:s3] =	ssyncadd.s32 @p1 $0xFFFFD800;
	s3 =	rddreg [dreg:$0xa]  }
0x56: {  	[hbm:s3], [sflag:s9] =	dma.local @!p1 [spmem:s7], $0x2700  }
0x57: {  	s3 =	simm.s32 @!p1 $0x3  }
0x58: {  	_ =	swait.ge @!p1 [sflag:s3], $0x2700  }
0x59: {  	[sflag:s3] =	ssyncset.done @!p1 $0x0  }
0x5a: {  	[sflag:s3] =	ssyncadd.s32 @!p1 $0xFFFFD900  }
.LBB2_8:
0x5b: {  	s0 =	sadd.s32 $0x1, s0  }
0x5c: {  	p2 =	sne.s32 s0, s20  }
.Ltmp1:
0x5d: {  	_ = 	snop;
	(pc) =	sbr.rel @!p2 .LBB2_9-.Ltmp1, $1  }
0x5e: {  	_ =	sdelay $0x3  }
.LBB2_1:
.Ltmp2:
0x5f: {  	(pc) =	sbr.rel @!p0 .LBB2_2-.Ltmp2, $4  }
0x60: {  	_ = 	snop  }
0x61: {  	s3 =	stileid.u32  }
0x62: {  	s9 =	sshll.u32 @!p1 s3, $0x6  }
0x63: {  	s14 =	sshrl.u32 @p1 s8, $0x3;
	s7 =	sshrl.u32 @!p1 s6, $0x3;
	s9 =	sor.u32 @!p1 $0x1C03, s9  }
0x64: {  	s3 =	simm.s32 @p1 $0x1FC3;
	s15 =	rddreg [dreg:$0x9]  }
0x65: {  	[spmem:s14], [sflag:s3] =	dma.local @p1 [hbm:s15], $0x2800  }
0x66: {  	s3 =	simm.s32 @p1 $0x3  }
0x67: {  	_ =	swait.ge @p1 [sflag:s3], $0x2800  }
0x68: {  	[sflag:s3] =	ssyncset.done @p1 $0x0  }
0x69: {  	[sflag:s3] =	ssyncadd.s32 @p1 $0xFFFFD800;
	s3 =	rddreg [dreg:$0x8]  }
0x6a: {  	[spmem:s7], [sflag:s9] =	dma.local @!p1 [hbm:s3], $0x2700  }
0x6b: {  	s3 =	simm.s32 @!p1 $0x3  }
0x6c: {  	_ =	swait.ge @!p1 [sflag:s3], $0x2700  }
0x6d: {  	[sflag:s3] =	ssyncset.done @!p1 $0x0  }
0x6e: {  	[sflag:s3] =	ssyncadd.s32 @!p1 $0xFFFFD900  }
0x6f: {  	[bflag:$0x0] =	sbarrier.arrive $0xFFFF  }
0x70: {  	[tilespmem:s4], [sflag:$0x3] =	stream.linear.gather [hbm4b:s10+s4], $0x80, $0x38;
	[tilespmem:$0x1BB00] =	vst v63  }
0x71: {  	_ =	swait.ge [sflag:s23], $0x80  }
0x72: {  	[sflag:s23] =	ssyncset.done $0x0  }
0x73: {  	[sflag:s23] =	ssyncadd.s32 $0xFFFFFF80  }
0x74: {  	[tilespmem:s24], [sflag:$0x3] =	stream.linear.gather [hbm4b:s11+s4], $0x80, $0x38;
	[tilespmem:$0x1BB00] =	vst v63  }
0x75: {  	_ =	swait.ge [sflag:s23], $0x80  }
0x76: {  	[sflag:s23] =	ssyncset.done $0x0  }
0x77: {  	s19 =	sadd.s32 $0xFFFFF640, s22;
	[sflag:s23] =	ssyncadd.s32 $0xFFFFFF80  }
0x78: {  	[tilespmem:s25], [sflag:$0x1] =	stream.indirect.gather [hbm4b:s5+s24], $0x80, s4, s24, $0xb8;
	[tilespmem:$0x1BB00] =	vst v63  }
0x79: {  	s17 =	sadd.s32 $0x9D0, s19  }
0x7a: {  	[tilespmem:s26], [sflag:$0x3] =	stream.linear.gather [hbm4b:s17+s4], $0x80, $0x38;
	[tilespmem:$0x1BB00] =	vst v63  }
0x7b: {  	_ =	swait.ge [sflag:s23], $0x80  }
0x7c: {  	s18 =	sadd.s32 $0xFFFFF640, s21;
	[sflag:s23] =	ssyncset.done $0x0  }
0x7d: {  	s16 =	sadd.s32 $0x9D0, s18;
	[sflag:s23] =	ssyncadd.s32 $0xFFFFFF80  }
0x7e: {  	[tilespmem:s28], [sflag:$0x3] =	stream.linear.gather [hbm4b:s16+s4], $0x80, $0x38;
	[tilespmem:$0x1BB00] =	vst v63  }
0x7f: {  	_ =	swait.ge [sflag:s23], $0x80  }
0x80: {  	[sflag:s23] =	ssyncset.done $0x0  }
0x81: {  	[sflag:s23] =	ssyncadd.s32 $0xFFFFFF80  }
0x82: {  	[tilespmem:s29], [sflag:$0x2] =	stream.indirect.gather [hbm4b:s5+s24], $0x80, s26, s24, $0xb8;
	[tilespmem:$0x1BB00] =	vst v63  }
0x83: {  	_ =	swait.ge [sflag:s30], $0x4000  }
0x84: {  	[sflag:s30] =	ssyncset.done $0x0  }
0x85: {  	[sflag:s30] =	ssyncadd.s32 $0xFFFFC000  }
0x86: {  	[spmem:s2] =	stream.indirect.scatter.add.f32 [tilespmem:s25], [sflag:$0x3], $0x80, s24, s24, $0xb8;
	[tilespmem:$0x1BB00] =	vst v63  }
0x87: {  	_ =	swait.ge [sflag:s23], $0x4000  }
0x88: {  	[sflag:s23] =	ssyncset.done $0x0  }
0x89: {  	s3 =	sadd.s32 $0x9E0, s19;
	[sflag:s23] =	ssyncadd.s32 $0xFFFFC000  }
0x8a: {  	[tilespmem:s4], [sflag:$0x3] =	stream.linear.gather [hbm4b:s3+s4], $0x80, $0x38;
	[tilespmem:$0x1BB00] =	vst v63  }
0x8b: {  	_ =	swait.ge [sflag:s23], $0x80  }
0x8c: {  	[sflag:s23] =	ssyncset.done $0x0  }
0x8d: {  	s19 =	sadd.s32 $0x9E0, s18;
	[sflag:s23] =	ssyncadd.s32 $0xFFFFFF80  }
0x8e: {  	[tilespmem:s24], [sflag:$0x3] =	stream.linear.gather [hbm4b:s19+s4], $0x80, $0x38;
	[tilespmem:$0x1BB00] =	vst v63  }
0x8f: {  	_ =	swait.ge [sflag:s23], $0x80  }
0x90: {  	[sflag:s23] =	ssyncset.done $0x0  }
0x91: {  	[sflag:s23] =	ssyncadd.s32 $0xFFFFFF80  }
0x92: {  	[tilespmem:s25], [sflag:$0x1] =	stream.indirect.gather [hbm4b:s5+s24], $0x80, s4, s24, $0xb8;
	[tilespmem:$0x1BB00] =	vst v63  }
0x93: {  	_ =	swait.ge [sflag:s31], $0x4000  }
0x94: {  	[sflag:s31] =	ssyncset.done $0x0  }
0x95: {  	[sflag:s31] =	ssyncadd.s32 $0xFFFFC000  }
0x96: {  	[spmem:s2] =	stream.indirect.scatter.add.f32 [tilespmem:s29], [sflag:$0x3], $0x80, s28, s24, $0xb8;
	[tilespmem:$0x1BB00] =	vst v63  }
0x97: {  	s15 =	simm.s32 $0xFFFFF660;
	_ =	swait.ge [sflag:s23], $0x4000  }
0x98: {  	s18 =	simm.s32 $0xFFFFF680;
	s17 =	sadd.s32 $0xFFFFF660, s22;
	[sflag:s23] =	ssyncset.done $0x0  }
.LBB2_6:
0x99: {  	s3 =	sadd.s32 $0x9D0, s17  }
0x9a: {  	[sflag:s23] =	ssyncadd.s32 $0xFFFFC000;
	s19 =	smov.u32 s18;
	s16 =	sadd.s32 $0x20, s18  }
0x9b: {  	[tilespmem:s26], [sflag:$0x3] =	stream.linear.gather [hbm4b:s3+s4], $0x80, $0x38;
	[tilespmem:$0x1BB00] =	vst v63  }
0x9c: {  	p2 =	sne.s32 s18, $0xFFFFFFE0;
	_ =	swait.ge [sflag:s23], $0x80  }
0x9d: {  	s3 =	sadd.s32 s15, s21;
	s15 =	smov.u32 s19;
	[sflag:s23] =	ssyncset.done $0x0  }
0x9e: {  	s18 =	sadd.s32 $0x9D0, s3;
	[sflag:s23] =	ssyncadd.s32 $0xFFFFFF80  }
0x9f: {  	[tilespmem:s28], [sflag:$0x3] =	stream.linear.gather [hbm4b:s18+s4], $0x80, $0x38;
	[tilespmem:$0x1BB00] =	vst v63  }
0xa0: {  	_ =	swait.ge [sflag:s23], $0x80  }
0xa1: {  	[sflag:s23] =	ssyncset.done $0x0  }
0xa2: {  	[sflag:s23] =	ssyncadd.s32 $0xFFFFFF80  }
0xa3: {  	[tilespmem:s29], [sflag:$0x2] =	stream.indirect.gather [hbm4b:s5+s24], $0x80, s26, s24, $0xb8;
	[tilespmem:$0x1BB00] =	vst v63  }
0xa4: {  	_ =	swait.ge [sflag:s30], $0x4000  }
0xa5: {  	[sflag:s30] =	ssyncset.done $0x0  }
0xa6: {  	[sflag:s30] =	ssyncadd.s32 $0xFFFFC000  }
0xa7: {  	[spmem:s2] =	stream.indirect.scatter.add.f32 [tilespmem:s25], [sflag:$0x3], $0x80, s24, s24, $0xb8;
	[tilespmem:$0x1BB00] =	vst v63  }
0xa8: {  	_ =	swait.ge [sflag:s23], $0x4000  }
0xa9: {  	[sflag:s23] =	ssyncset.done $0x0  }
0xaa: {  	s17 =	sadd.s32 $0x9E0, s17;
	[sflag:s23] =	ssyncadd.s32 $0xFFFFC000  }
0xab: {  	[tilespmem:s4], [sflag:$0x3] =	stream.linear.gather [hbm4b:s17+s4], $0x80, $0x38;
	[tilespmem:$0x1BB00] =	vst v63  }
0xac: {  	_ =	swait.ge [sflag:s23], $0x80  }
0xad: {  	[sflag:s23] =	ssyncset.done $0x0  }
0xae: {  	s3 =	sadd.s32 $0x9E0, s3;
	[sflag:s23] =	ssyncadd.s32 $0xFFFFFF80  }
0xaf: {  	[tilespmem:s24], [sflag:$0x3] =	stream.linear.gather [hbm4b:s3+s4], $0x80, $0x38;
	[tilespmem:$0x1BB00] =	vst v63  }
0xb0: {  	_ =	swait.ge [sflag:s23], $0x80  }
0xb1: {  	[sflag:s23] =	ssyncset.done $0x0  }
0xb2: {  	[sflag:s23] =	ssyncadd.s32 $0xFFFFFF80  }
0xb3: {  	[tilespmem:s25], [sflag:$0x1] =	stream.indirect.gather [hbm4b:s5+s24], $0x80, s4, s24, $0xb8;
	[tilespmem:$0x1BB00] =	vst v63  }
0xb4: {  	_ =	swait.ge [sflag:s31], $0x4000  }
.Ltmp3:
0xb5: {  	[sflag:s31] =	ssyncset.done $0x0;
	(pc) =	sbr.rel @p2 .LBB2_6-.Ltmp3, $4  }
0xb6: {  	[sflag:s31] =	ssyncadd.s32 $0xFFFFC000  }
0xb7: {  	[spmem:s2] =	stream.indirect.scatter.add.f32 [tilespmem:s29], [sflag:$0x3], $0x80, s28, s24, $0xb8;
	[tilespmem:$0x1BB00] =	vst v63  }
0xb8: {  	_ =	swait.ge [sflag:s23], $0x4000  }
0xb9: {  	s18 =	smov.u32 s16;
	s17 =	sadd.s32 s15, s22;
	[sflag:s23] =	ssyncset.done $0x0  }
.Ltmp4:
0xba: {  	_ = 	snop;
	(pc) =	sbr.rel .LBB2_7-.Ltmp4, $1  }
0xbb: {  	_ =	sdelay $0x3  }
.LBB2_2:
0xbc: {  	s15 =	simm.s32 @p1 $0x1FC3;
	s3 =	rddreg [dreg:$0x5]  }
0xbd: {  	[spmem:s14], [sflag:s15] =	dma.local @p1 [hbm:s3], $0x2800  }
0xbe: {  	s15 =	simm.s32 @p1 $0x3  }
0xbf: {  	_ =	swait.ge @p1 [sflag:s15], $0x2800  }
0xc0: {  	[sflag:s15] =	ssyncset.done @p1 $0x0  }
0xc1: {  	s3 =	rddreg [dreg:$0x4];
	[sflag:s15] =	ssyncadd.s32 @p1 $0xFFFFD800;
	s15 =	simm.s32 @!p1 $0x3  }
0xc2: {  	[spmem:s7], [sflag:s9] =	dma.local @!p1 [hbm:s3], $0x2700  }
0xc3: {  	_ =	swait.ge @!p1 [sflag:s15], $0x2700  }
0xc4: {  	[sflag:s15] =	ssyncset.done @!p1 $0x0  }
0xc5: {  	[sflag:s15] =	ssyncadd.s32 @!p1 $0xFFFFD900  }
0xc6: {  	[bflag:$0x0] =	sbarrier.arrive $0xFFFF  }
0xc7: {  	[tilespmem:s4], [sflag:$0x3] =	stream.linear.gather [hbm4b:s10+s4], $0x80, $0x38;
	[tilespmem:$0x1BB00] =	vst v63  }
0xc8: {  	_ =	swait.ge [sflag:s23], $0x80  }
0xc9: {  	[sflag:s23] =	ssyncset.done $0x0  }
0xca: {  	[sflag:s23] =	ssyncadd.s32 $0xFFFFFF80  }
0xcb: {  	[tilespmem:s24], [sflag:$0x3] =	stream.linear.gather [hbm4b:s11+s4], $0x80, $0x38;
	[tilespmem:$0x1BB00] =	vst v63  }
0xcc: {  	_ =	swait.ge [sflag:s23], $0x80  }
0xcd: {  	[sflag:s23] =	ssyncset.done $0x0  }
0xce: {  	s3 =	sadd.s32 $0xFFFFF640, s22;
	[sflag:s23] =	ssyncadd.s32 $0xFFFFFF80  }
0xcf: {  	[tilespmem:s25], [sflag:$0x1] =	stream.indirect.gather [hbm4b:s1+s24], $0x80, s4, s24, $0xb8;
	[tilespmem:$0x1BB00] =	vst v63  }
0xd0: {  	s16 =	sadd.s32 $0x9D0, s3  }
0xd1: {  	[tilespmem:s26], [sflag:$0x3] =	stream.linear.gather [hbm4b:s16+s4], $0x80, $0x38;
	[tilespmem:$0x1BB00] =	vst v63  }
0xd2: {  	_ =	swait.ge [sflag:s23], $0x80  }
0xd3: {  	s18 =	sadd.s32 $0xFFFFF640, s21;
	[sflag:s23] =	ssyncset.done $0x0  }
0xd4: {  	s17 =	sadd.s32 $0x9D0, s18;
	[sflag:s23] =	ssyncadd.s32 $0xFFFFFF80  }
0xd5: {  	[tilespmem:s28], [sflag:$0x3] =	stream.linear.gather [hbm4b:s17+s4], $0x80, $0x38;
	[tilespmem:$0x1BB00] =	vst v63  }
0xd6: {  	_ =	swait.ge [sflag:s23], $0x80  }
0xd7: {  	[sflag:s23] =	ssyncset.done $0x0  }
0xd8: {  	[sflag:s23] =	ssyncadd.s32 $0xFFFFFF80  }
0xd9: {  	[tilespmem:s29], [sflag:$0x2] =	stream.indirect.gather [hbm4b:s1+s24], $0x80, s26, s24, $0xb8;
	[tilespmem:$0x1BB00] =	vst v63  }
0xda: {  	_ =	swait.ge [sflag:s30], $0x4000  }
0xdb: {  	[sflag:s30] =	ssyncset.done $0x0  }
0xdc: {  	[sflag:s30] =	ssyncadd.s32 $0xFFFFC000  }
0xdd: {  	[spmem:s2] =	stream.indirect.scatter.add.f32 [tilespmem:s25], [sflag:$0x3], $0x80, s24, s24, $0xb8;
	[tilespmem:$0x1BB00] =	vst v63  }
0xde: {  	_ =	swait.ge [sflag:s23], $0x4000  }
0xdf: {  	[sflag:s23] =	ssyncset.done $0x0  }
0xe0: {  	s15 =	sadd.s32 $0x9E0, s3;
	[sflag:s23] =	ssyncadd.s32 $0xFFFFC000  }
0xe1: {  	[tilespmem:s4], [sflag:$0x3] =	stream.linear.gather [hbm4b:s15+s4], $0x80, $0x38;
	[tilespmem:$0x1BB00] =	vst v63  }
0xe2: {  	_ =	swait.ge [sflag:s23], $0x80  }
0xe3: {  	[sflag:s23] =	ssyncset.done $0x0  }
0xe4: {  	s19 =	sadd.s32 $0x9E0, s18;
	[sflag:s23] =	ssyncadd.s32 $0xFFFFFF80  }
0xe5: {  	[tilespmem:s24], [sflag:$0x3] =	stream.linear.gather [hbm4b:s19+s4], $0x80, $0x38;
	[tilespmem:$0x1BB00] =	vst v63  }
0xe6: {  	_ =	swait.ge [sflag:s23], $0x80  }
0xe7: {  	[sflag:s23] =	ssyncset.done $0x0  }
0xe8: {  	[sflag:s23] =	ssyncadd.s32 $0xFFFFFF80  }
0xe9: {  	[tilespmem:s25], [sflag:$0x1] =	stream.indirect.gather [hbm4b:s1+s24], $0x80, s4, s24, $0xb8;
	[tilespmem:$0x1BB00] =	vst v63  }
0xea: {  	_ =	swait.ge [sflag:s31], $0x4000  }
0xeb: {  	[sflag:s31] =	ssyncset.done $0x0  }
0xec: {  	[sflag:s31] =	ssyncadd.s32 $0xFFFFC000  }
0xed: {  	[spmem:s2] =	stream.indirect.scatter.add.f32 [tilespmem:s29], [sflag:$0x3], $0x80, s28, s24, $0xb8;
	[tilespmem:$0x1BB00] =	vst v63  }
0xee: {  	s16 =	simm.s32 $0xFFFFF680;
	_ =	swait.ge [sflag:s23], $0x4000  }
0xef: {  	s17 =	sadd.s32 $0xFFFFF660, s22;
	s15 =	simm.s32 $0xFFFFF660;
	[sflag:s23] =	ssyncset.done $0x0  }
.LBB2_3:
0xf0: {  	s19 =	sadd.s32 $0x9D0, s17  }
0xf1: {  	[sflag:s23] =	ssyncadd.s32 $0xFFFFC000;
	s3 =	smov.u32 s16;
	s18 =	sadd.s32 $0x20, s16  }
0xf2: {  	[tilespmem:s26], [sflag:$0x3] =	stream.linear.gather [hbm4b:s19+s4], $0x80, $0x38;
	[tilespmem:$0x1BB00] =	vst v63  }
0xf3: {  	p2 =	sne.s32 s16, $0xFFFFFFE0;
	_ =	swait.ge [sflag:s23], $0x80  }
0xf4: {  	s16 =	sadd.s32 s15, s21;
	s15 =	smov.u32 s3;
	[sflag:s23] =	ssyncset.done $0x0  }
0xf5: {  	s3 =	sadd.s32 $0x9D0, s16;
	[sflag:s23] =	ssyncadd.s32 $0xFFFFFF80  }
0xf6: {  	[tilespmem:s28], [sflag:$0x3] =	stream.linear.gather [hbm4b:s3+s4], $0x80, $0x38;
	[tilespmem:$0x1BB00] =	vst v63  }
0xf7: {  	_ =	swait.ge [sflag:s23], $0x80  }
0xf8: {  	[sflag:s23] =	ssyncset.done $0x0  }
0xf9: {  	[sflag:s23] =	ssyncadd.s32 $0xFFFFFF80  }
0xfa: {  	[tilespmem:s29], [sflag:$0x2] =	stream.indirect.gather [hbm4b:s1+s24], $0x80, s26, s24, $0xb8;
	[tilespmem:$0x1BB00] =	vst v63  }
0xfb: {  	_ =	swait.ge [sflag:s30], $0x4000  }
0xfc: {  	[sflag:s30] =	ssyncset.done $0x0  }
0xfd: {  	[sflag:s30] =	ssyncadd.s32 $0xFFFFC000  }
0xfe: {  	[spmem:s2] =	stream.indirect.scatter.add.f32 [tilespmem:s25], [sflag:$0x3], $0x80, s24, s24, $0xb8;
	[tilespmem:$0x1BB00] =	vst v63  }
0xff: {  	_ =	swait.ge [sflag:s23], $0x4000  }
0x100: {  	[sflag:s23] =	ssyncset.done $0x0  }
0x101: {  	s3 =	sadd.s32 $0x9E0, s17;
	[sflag:s23] =	ssyncadd.s32 $0xFFFFC000  }
0x102: {  	[tilespmem:s4], [sflag:$0x3] =	stream.linear.gather [hbm4b:s3+s4], $0x80, $0x38;
	[tilespmem:$0x1BB00] =	vst v63  }
0x103: {  	_ =	swait.ge [sflag:s23], $0x80  }
0x104: {  	[sflag:s23] =	ssyncset.done $0x0  }
0x105: {  	s3 =	sadd.s32 $0x9E0, s16;
	[sflag:s23] =	ssyncadd.s32 $0xFFFFFF80  }
0x106: {  	[tilespmem:s24], [sflag:$0x3] =	stream.linear.gather [hbm4b:s3+s4], $0x80, $0x38;
	[tilespmem:$0x1BB00] =	vst v63  }
0x107: {  	_ =	swait.ge [sflag:s23], $0x80  }
0x108: {  	[sflag:s23] =	ssyncset.done $0x0  }
0x109: {  	[sflag:s23] =	ssyncadd.s32 $0xFFFFFF80  }
0x10a: {  	[tilespmem:s25], [sflag:$0x1] =	stream.indirect.gather [hbm4b:s1+s24], $0x80, s4, s24, $0xb8;
	[tilespmem:$0x1BB00] =	vst v63  }
0x10b: {  	_ =	swait.ge [sflag:s31], $0x4000  }
.Ltmp5:
0x10c: {  	[sflag:s31] =	ssyncset.done $0x0;
	(pc) =	sbr.rel @p2 .LBB2_3-.Ltmp5, $4  }
0x10d: {  	[sflag:s31] =	ssyncadd.s32 $0xFFFFC000  }
0x10e: {  	[spmem:s2] =	stream.indirect.scatter.add.f32 [tilespmem:s29], [sflag:$0x3], $0x80, s28, s24, $0xb8;
	[tilespmem:$0x1BB00] =	vst v63  }
0x10f: {  	_ =	swait.ge [sflag:s23], $0x4000  }
0x110: {  	s17 =	sadd.s32 s15, s22;
	s16 =	smov.u32 s18;
	[sflag:s23] =	ssyncset.done $0x0  }
0x111: {  	s3 =	sadd.s32 $0x9D0, s17;
	[sflag:s23] =	ssyncadd.s32 $0xFFFFC000  }
0x112: {  	[tilespmem:s26], [sflag:$0x3] =	stream.linear.gather [hbm4b:s3+s4], $0x80, $0x38;
	[tilespmem:$0x1BB00] =	vst v63  }
0x113: {  	_ =	swait.ge [sflag:s23], $0x80  }
0x114: {  	s18 =	sadd.s32 s15, s21;
	[sflag:s23] =	ssyncset.done $0x0  }
0x115: {  	s15 =	sadd.s32 $0x9D0, s18;
	[sflag:s23] =	ssyncadd.s32 $0xFFFFFF80  }
0x116: {  	[tilespmem:s28], [sflag:$0x3] =	stream.linear.gather [hbm4b:s15+s4], $0x80, $0x38;
	[tilespmem:$0x1BB00] =	vst v63  }
0x117: {  	_ =	swait.ge [sflag:s23], $0x80  }
0x118: {  	[sflag:s23] =	ssyncset.done $0x0  }
0x119: {  	[sflag:s23] =	ssyncadd.s32 $0xFFFFFF80  }
0x11a: {  	[tilespmem:s29], [sflag:$0x2] =	stream.indirect.gather [hbm4b:s1+s24], $0x80, s26, s24, $0xb8;
	[tilespmem:$0x1BB00] =	vst v63  }
0x11b: {  	_ =	swait.ge [sflag:s30], $0x4000  }
0x11c: {  	[sflag:s30] =	ssyncset.done $0x0  }
0x11d: {  	[sflag:s30] =	ssyncadd.s32 $0xFFFFC000  }
0x11e: {  	[spmem:s2] =	stream.indirect.scatter.add.f32 [tilespmem:s25], [sflag:$0x3], $0x80, s24, s24, $0xb8;
	[tilespmem:$0x1BB00] =	vst v63  }
0x11f: {  	_ =	swait.ge [sflag:s23], $0x4000  }
0x120: {  	[sflag:s23] =	ssyncset.done $0x0  }
0x121: {  	s19 =	sadd.s32 $0x9E0, s17;
	[sflag:s23] =	ssyncadd.s32 $0xFFFFC000  }
0x122: {  	[tilespmem:s4], [sflag:$0x3] =	stream.linear.gather [hbm4b:s19+s4], $0x80, $0x38;
	[tilespmem:$0x1BB00] =	vst v63  }
0x123: {  	_ =	swait.ge [sflag:s23], $0x80  }
0x124: {  	[sflag:s23] =	ssyncset.done $0x0  }
0x125: {  	s3 =	sadd.s32 $0x9E0, s18;
	[sflag:s23] =	ssyncadd.s32 $0xFFFFFF80  }
0x126: {  	[tilespmem:s24], [sflag:$0x3] =	stream.linear.gather [hbm4b:s3+s4], $0x80, $0x38;
	[tilespmem:$0x1BB00] =	vst v63  }
0x127: {  	_ =	swait.ge [sflag:s23], $0x80  }
0x128: {  	[sflag:s23] =	ssyncset.done $0x0  }
0x129: {  	[sflag:s23] =	ssyncadd.s32 $0xFFFFFF80  }
0x12a: {  	[tilespmem:s25], [sflag:$0x1] =	stream.indirect.gather [hbm4b:s1+s24], $0x80, s4, s24, $0xb8;
	[tilespmem:$0x1BB00] =	vst v63  }
0x12b: {  	_ =	swait.ge [sflag:s31], $0x4000  }
0x12c: {  	[sflag:s31] =	ssyncset.done $0x0  }
0x12d: {  	[sflag:s31] =	ssyncadd.s32 $0xFFFFC000  }
0x12e: {  	[spmem:s2] =	stream.indirect.scatter.add.f32 [tilespmem:s29], [sflag:$0x3], $0x80, s28, s24, $0xb8;
	[tilespmem:$0x1BB00] =	vst v63  }
0x12f: {  	_ =	swait.ge [sflag:s23], $0x4000  }
0x130: {  	[sflag:s23] =	ssyncset.done $0x0  }
0x131: {  	[sflag:s23] =	ssyncadd.s32 $0xFFFFC000  }
0x132: {  	[tilespmem:s26], [sflag:$0x3] =	stream.linear.gather [hbm4b:s12+s4], $0x80, $0x38;
	[tilespmem:$0x1BB00] =	vst v63  }
0x133: {  	_ =	swait.ge [sflag:s23], $0x80  }
0x134: {  	[sflag:s23] =	ssyncset.done $0x0  }
0x135: {  	[sflag:s23] =	ssyncadd.s32 $0xFFFFFF80  }
0x136: {  	[tilespmem:s28], [sflag:$0x3] =	stream.linear.gather [hbm4b:s13+s4], $0x80, $0x38;
	[tilespmem:$0x1BB00] =	vst v63  }
0x137: {  	_ =	swait.ge [sflag:s23], $0x80  }
0x138: {  	[sflag:s23] =	ssyncset.done $0x0  }
0x139: {  	[sflag:s23] =	ssyncadd.s32 $0xFFFFFF80  }
0x13a: {  	[tilespmem:s29], [sflag:$0x2] =	stream.indirect.gather [hbm4b:s1+s24], $0x80, s26, s24, $0xb8;
	[tilespmem:$0x1BB00] =	vst v63  }
0x13b: {  	_ =	swait.ge [sflag:s30], $0x4000  }
0x13c: {  	[sflag:s30] =	ssyncset.done $0x0  }
0x13d: {  	[sflag:s30] =	ssyncadd.s32 $0xFFFFC000  }
0x13e: {  	[spmem:s2] =	stream.indirect.scatter.add.f32 [tilespmem:s25], [sflag:$0x3], $0x80, s24, s24, $0xb8;
	[tilespmem:$0x1BB00] =	vst v63  }
0x13f: {  	_ =	swait.ge [sflag:s23], $0x4000  }
0x140: {  	[sflag:s23] =	ssyncset.done $0x0  }
0x141: {  	[sflag:s23] =	ssyncadd.s32 $0xFFFFC000  }
0x142: {  	_ =	swait.ge [sflag:s31], $0x4000  }
0x143: {  	[sflag:s31] =	ssyncset.done $0x0  }
0x144: {  	[sflag:s31] =	ssyncadd.s32 $0xFFFFC000  }
0x145: {  	[spmem:s2] =	stream.indirect.scatter.add.f32 [tilespmem:s29], [sflag:$0x3], $0x80, s28, s24, $0xb8;
	[tilespmem:$0x1BB00] =	vst v63  }
0x146: {  	_ =	swait.ge [sflag:s23], $0x4000  }
0x147: {  	[sflag:s23] =	ssyncset.done $0x0  }
0x148: {  	[sflag:s23] =	ssyncadd.s32 $0xFFFFC000  }
0x149: {  	[bflag:$0x0] =	sbarrier.arrive $0xFFFF  }
0x14a: {  	s3 =	simm.s32 @p1 $0x1FC3;
	s15 =	rddreg [dreg:$0x7]  }
0x14b: {  	[hbm:s15], [sflag:s3] =	dma.local @p1 [spmem:s14], $0x2800  }
0x14c: {  	s3 =	simm.s32 @p1 $0x3  }
0x14d: {  	_ =	swait.ge @p1 [sflag:s3], $0x2800  }
0x14e: {  	[sflag:s3] =	ssyncset.done @p1 $0x0  }
0x14f: {  	[sflag:s3] =	ssyncadd.s32 @p1 $0xFFFFD800;
	s3 =	rddreg [dreg:$0x6]  }
0x150: {  	[hbm:s3], [sflag:s9] =	dma.local @!p1 [spmem:s7], $0x2700  }
.Ltmp6:
0x151: {  	_ = 	snop;
	(pc) =	sbr.rel .LBB2_8-.Ltmp6, $4  }
0x152: {  	s3 =	simm.s32 @!p1 $0x3  }
0x153: {  	_ =	swait.ge @!p1 [sflag:s3], $0x2700  }
0x154: {  	[sflag:s3] =	ssyncset.done @!p1 $0x0  }
0x155: {  	[sflag:s3] =	ssyncadd.s32 @!p1 $0xFFFFD900  }
.LBB2_9:
0x156: {  	_ =	sfence.sel $0x180000  }
0x157: {  	[bflag:$0x0] =	sbarrier.arrive $0xFFFF  }
0x158: {  	_ =	strace $0x90000047  }
0x159: {  	s0 =	stileid.u32;
	[bflag:$0x2] =	sbarrier.arrive $0xFFFF  }
0x15a: {  	p0 =	sne.s32 s0, $0x0;
	s0 =	rddreg [dreg:$0x3]  }
0x15b: {  	s0 =	sadd.s32 @!p0 $0x100000, s0  }
0x15c: {  	[sflag:s0] =	ssyncadd.tile.s32 @!p0 $0x1;
	_ =	shalt  }
.Lfunc_end2:
_tile_overlayer_lowered:
.L_overlay_start_2:
0x15d: {  	(tag) =	ssettag $0x2  }
0x15e: {  	s0 =	rddreg [dreg:$0x0];
	s2 =	stileid.u32  }
0x15f: {  	s1 =	rddreg [dreg:$0x1];
	p0 =	sne.s32 s2, $0x0  }
0x160: {  	s3 =	rddreg [dreg:$0x2];
	[bflag:$0x3] =	sbarrier.arrive $0xFFFF;
	s2 =	simm.s32 @!p0 $0x1C03  }
0x161: {  	[timem:s3], [sflag:s2] =	dma.local @!p0 [hbm:s0], s1  }
0x162: {  	s0 =	simm.s32 @!p0 $0x3  }
0x163: {  	_ =	swait.ge @!p0 [sflag:s0], s1  }
0x164: {  	s1 =	ssub.s32 @!p0 $0x0, s1;
	[sflag:s0] =	ssyncset.done @!p0 $0x0  }
0x165: {  	[sflag:s0] =	ssyncadd.s32 @!p0 s1  }
0x166: {  	[bflag:$0x3] =	sbarrier.arrive $0xFFFF  }
0x167: {  	_ =	shalt  }

</sc_bundles>
